<compile_context>
chip_gen: v7x
topology: tpu7x:2x2x1
jax: 0.10.2.dev20260603
libtpu: 0.0.44.dev20260713+nightly
codegen_flags: <defaults>
</compile_context>

<pallas_src>
import jax
import jax.numpy as jnp
from jax import lax
from jax.experimental import pallas as pl
from jax.experimental.pallas import tpu as pltpu
from jax.experimental.pallas import tpu_sc as plsc

NUM_SEGMENTS = 16
SEG_SIZE = 2048
EMBED_DIM = 512
TOTAL = NUM_SEGMENTS * SEG_SIZE

_NC = 2
_NS = 16
_LANES = 16
_NW = _NC * _NS
_CB = 128
_NCB = EMBED_DIM // _CB
_UNITS_PER_W = NUM_SEGMENTS * _NCB // _NW
_CHUNK = 256
_NCHUNK = SEG_SIZE // _CHUNK
_DEPTH = 3
_VPR = _CB // _LANES


def _sc_body(x_hbm, out_hbm, b0, b1, b2, l0, l1, l2, s0, s1, s2):
    c = lax.axis_index("c")
    s = lax.axis_index("s")
    wid = s * _NC + c
    bufs = (b0, b1, b2)
    lsems = (l0, l1, l2)
    ssems = (s0, s1, s2)

    def chunk_src(unit, ci):
        seg = lax.rem(unit, NUM_SEGMENTS)
        cb = lax.div(unit, NUM_SEGMENTS)
        row0 = seg * SEG_SIZE + ci * _CHUNK
        return lambda ref: ref.at[pl.ds(row0, _CHUNK), pl.ds(cb * _CB, _CB)]

    def start_load(unit, ci, b):
        pltpu.async_copy(chunk_src(unit, ci)(x_hbm), bufs[b], lsems[b])

    def wait_load(unit, ci, b):
        pltpu.make_async_copy(chunk_src(unit, ci)(x_hbm), bufs[b], lsems[b]).wait()

    def start_store(unit, ci, b):
        pltpu.async_copy(bufs[b], chunk_src(unit, ci)(out_hbm), ssems[b])

    def wait_store(b):
        pltpu.make_async_copy(bufs[b], chunk_src(0, 0)(out_hbm), ssems[b]).wait()

    unit0 = wid * _UNITS_PER_W

    def unit_body(k, carry):
        unit = unit0 + k

        for ci in range(_DEPTH):
            start_load(unit, ci, ci)
        m = tuple(jnp.zeros((_LANES,), jnp.float32) for _ in range(_VPR))
        for ci in range(_NCHUNK):
            b = ci % _DEPTH
            wait_load(unit, ci, b)
            buf = bufs[b]

            def maxbody(i, acc, buf=buf):
                r0 = [jnp.abs(buf[i, pl.ds(j * _LANES, _LANES)]) for j in range(_VPR)]
                return tuple(jnp.maximum(acc[j], r0[j]) for j in range(_VPR))

            m = plsc.parallel_loop(0, _CHUNK, step=1, carry=m)(maxbody)
            if ci + _DEPTH < _NCHUNK:
                start_load(unit, ci + _DEPTH, b)

        r = [1.0 / jnp.maximum(mj, jnp.float32(1e-12)) for mj in m]

        resident = list(range(_NCHUNK - _DEPTH, _NCHUNK))
        order = resident + list(range(_NCHUNK - _DEPTH))
        bseq = [ci % _DEPTH for ci in resident]
        for p, ci in enumerate(order):
            b = bseq[p % _DEPTH]
            if p >= _DEPTH:
                wait_load(unit, ci, b)
            buf = bufs[b]

            def mulbody(i, buf=buf, r=r):
                for j in range(_VPR):
                    sl = pl.ds(j * _LANES, _LANES)
                    buf[i, sl] = buf[i, sl] * r[j]

            plsc.parallel_loop(0, _CHUNK, step=1)(mulbody)
            start_store(unit, ci, b)
            if p + _DEPTH < len(order):
                wait_store(b)
                start_load(unit, order[p + _DEPTH], b)
        for p in range(len(order) - _DEPTH, len(order)):
            wait_store(bseq[p % _DEPTH])
        return carry

    lax.fori_loop(0, _UNITS_PER_W, unit_body, 0)


@jax.jit
def _lp2_norm(tensor):
    mesh = plsc.VectorSubcoreMesh(core_axis_name="c", subcore_axis_name="s")
    return pl.kernel(
        _sc_body,
        out_type=jax.ShapeDtypeStruct((TOTAL, EMBED_DIM), jnp.float32),
        mesh=mesh,
        scratch_types=[
            pltpu.VMEM((_CHUNK, _CB), jnp.float32),
            pltpu.VMEM((_CHUNK, _CB), jnp.float32),
            pltpu.VMEM((_CHUNK, _CB), jnp.float32),
            pltpu.SemaphoreType.DMA,
            pltpu.SemaphoreType.DMA,
            pltpu.SemaphoreType.DMA,
            pltpu.SemaphoreType.DMA,
            pltpu.SemaphoreType.DMA,
            pltpu.SemaphoreType.DMA,
        ],
        compiler_params=pltpu.CompilerParams(
            disable_bounds_checks=True, skip_device_barrier=True
        ),
    )(tensor)


def kernel(tensor, batch_list, weight, bias, mean_scale):
    return _lp2_norm(tensor)

# --- scband reference (transcript-rebuilt; emitter-appended) ---
"""Pipeline reference for scband-lp2-norm-67035849555999 (READ-ONLY COPY).

The authoritative reference and input builder live on the scoring server;
editing this copy changes nothing except your own understanding.
"""

import jax, jax.numpy as jnp
import numpy as np

EMBED_DIM = 512
NUM_SEGMENTS = 16
SEG_SIZE = 2048
TOTAL = NUM_SEGMENTS * SEG_SIZE


def setup_inputs(seed: int = 0) -> dict:
    key = jax.random.key(seed)
    k1, _ = jax.random.split(key)
    tensor = jax.random.normal(k1, (TOTAL, EMBED_DIM), dtype=jnp.float32)
    # batch_num_nodes(): number of nodes per graph in the batch; constant 2048 each
    batch_list = jnp.full((NUM_SEGMENTS,), SEG_SIZE, dtype=jnp.int32)
    # learned parameters from __init__ (unused in this forward path, kept for fidelity)
    weight = jnp.ones((EMBED_DIM,), dtype=jnp.float32)
    bias = jnp.zeros((EMBED_DIM,), dtype=jnp.float32)
    mean_scale = jnp.ones((EMBED_DIM,), dtype=jnp.float32)
    return {"tensor": tensor, "batch_list": batch_list, "weight": weight, "bias": bias, "mean_scale": mean_scale}


def reference(tensor, batch_list, weight, bias, mean_scale):
    num_segments = batch_list.shape[0]
    # graph.batch_num_nodes() -> per-segment node counts; expand to segment ids
    segment_ids = jnp.repeat(jnp.arange(num_segments), batch_list, total_repeat_length=tensor.shape[0])
    tensor_abs = jnp.abs(tensor)
    # segment.segment_reduce(batch_list, tensor_abs, reducer='max')
    tensor_max = jax.ops.segment_max(tensor_abs, segment_ids, num_segments=num_segments)
    # tensor_max[tensor_max <= 1e-12] = 1e-12
    tensor_max = jnp.where(tensor_max <= 1e-12, jnp.float32(1e-12), tensor_max)
    # self.repeat(tensor_max, batch_list): gather back to per-node rows
    tensor_max_rep = jnp.take(tensor_max, segment_ids, axis=0)
    return tensor / tensor_max_rep

if __name__ == "__main__":
    import jax
    _d = setup_inputs()
    print(jax.jit(kernel)(*tuple(_d.values())))

</pallas_src>

<mosaic_0001>
#map = affine_map<(d0, d1) -> (0, 0)>
module attributes {stable_mosaic.version = 14 : i64} {
  func.func @_sc_body(%arg0: i32, %arg1: i32, %arg2: memref<32768x512xf32, #tpu.memory_space<hbm>>, %arg3: memref<32768x512xf32, #tpu.memory_space<hbm>>, %arg4: memref<256x128xf32, #tpu.memory_space<vmem>>, %arg5: memref<256x128xf32, #tpu.memory_space<vmem>>, %arg6: memref<256x128xf32, #tpu.memory_space<vmem>>, %arg7: memref<!tpu.dma_semaphore, #tpu.memory_space<semaphore_mem>>, %arg8: memref<!tpu.dma_semaphore, #tpu.memory_space<semaphore_mem>>, %arg9: memref<!tpu.dma_semaphore, #tpu.memory_space<semaphore_mem>>, %arg10: memref<!tpu.dma_semaphore, #tpu.memory_space<semaphore_mem>>, %arg11: memref<!tpu.dma_semaphore, #tpu.memory_space<semaphore_mem>>, %arg12: memref<!tpu.dma_semaphore, #tpu.memory_space<semaphore_mem>>) attributes {dimension_semantics = [#tpu.dimension_semantics<core_parallel>, #tpu.dimension_semantics<subcore_parallel>], iteration_bounds = array<i64: 2, 16>, scalar_prefetch = 0 : i64, scratch_operands = 9 : i64, tpu.core_type = #tpu.core_type<sc_vector_subcore>, window_params = [{transform_indices = #map}, {transform_indices = #map}]} {
    %mul3A = arith.constant 2 : i32
    %mul3A_0 = arith.muli %arg1, %mul3A : i32
    %add3A = arith.addi %mul3A_0, %arg0 : i32
    %mul3A_1 = arith.constant 2 : i32
    %mul3A_2 = arith.muli %add3A, %mul3A_1 : i32
    %scan3A = arith.constant 0 : i32
    %scan3A_3 = arith.constant 0 : i32
    %scan3A_4 = arith.constant 2 : i32
    %scan3A_5 = arith.addi %scan3A_3, %scan3A_4 : i32
    %scan3A_6 = arith.constant 1 : i32
    scf.for %scan3A_8 = %scan3A_3 to %scan3A_5 step %scan3A_6  : i32 {
      %add3A_9 = arith.addi %mul3A_2, %scan3A_8 : i32
      %rem3A = arith.constant 16 : i32
      %rem3A_10 = arith.remsi %add3A_9, %rem3A : i32
      %div3A = arith.constant 16 : i32
      %div3A_11 = arith.divsi %add3A_9, %div3A : i32
      %mul3A_12 = arith.constant 2048 : i32
      %mul3A_13 = arith.muli %rem3A_10, %mul3A_12 : i32
      %add3A_14 = arith.constant 0 : i32
      %add3A_15 = arith.addi %mul3A_13, %add3A_14 : i32
      %mul3A_16 = arith.constant 128 : i32
      %mul3A_17 = arith.muli %div3A_11, %mul3A_16 : i32
      %dma_start3A = tpu.memref_slice %arg2[%add3A_15, %mul3A_17] : memref<32768x512xf32, #tpu.memory_space<hbm>> -> memref<256x128xf32, #tpu.memory_space<hbm>>
      %dma_start3A_18 = tpu.memref_slice %arg2[%add3A_15, %mul3A_17] : memref<32768x512xf32, #tpu.memory_space<hbm>> -> memref<256x128xf32, #tpu.memory_space<hbm>>
      tpu.enqueue_dma source(%dma_start3A_18 : memref<256x128xf32, #tpu.memory_space<hbm>>) target(%arg4 : memref<256x128xf32, #tpu.memory_space<vmem>>) target_semaphore(%arg7 : memref<!tpu.dma_semaphore, #tpu.memory_space<semaphore_mem>>)
      %rem3A_19 = arith.constant 16 : i32
      %rem3A_20 = arith.remsi %add3A_9, %rem3A_19 : i32
      %div3A_21 = arith.constant 16 : i32
      %div3A_22 = arith.divsi %add3A_9, %div3A_21 : i32
      %mul3A_23 = arith.constant 2048 : i32
      %mul3A_24 = arith.muli %rem3A_20, %mul3A_23 : i32
      %add3A_25 = arith.constant 256 : i32
      %add3A_26 = arith.addi %mul3A_24, %add3A_25 : i32
      %mul3A_27 = arith.constant 128 : i32
      %mul3A_28 = arith.muli %div3A_22, %mul3A_27 : i32
      %dma_start3A_29 = tpu.memref_slice %arg2[%add3A_26, %mul3A_28] : memref<32768x512xf32, #tpu.memory_space<hbm>> -> memref<256x128xf32, #tpu.memory_space<hbm>>
      %dma_start3A_30 = tpu.memref_slice %arg2[%add3A_26, %mul3A_28] : memref<32768x512xf32, #tpu.memory_space<hbm>> -> memref<256x128xf32, #tpu.memory_space<hbm>>
      tpu.enqueue_dma source(%dma_start3A_30 : memref<256x128xf32, #tpu.memory_space<hbm>>) target(%arg5 : memref<256x128xf32, #tpu.memory_space<vmem>>) target_semaphore(%arg8 : memref<!tpu.dma_semaphore, #tpu.memory_space<semaphore_mem>>)
      %rem3A_31 = arith.constant 16 : i32
      %rem3A_32 = arith.remsi %add3A_9, %rem3A_31 : i32
      %div3A_33 = arith.constant 16 : i32
      %div3A_34 = arith.divsi %add3A_9, %div3A_33 : i32
      %mul3A_35 = arith.constant 2048 : i32
      %mul3A_36 = arith.muli %rem3A_32, %mul3A_35 : i32
      %add3A_37 = arith.constant 512 : i32
      %add3A_38 = arith.addi %mul3A_36, %add3A_37 : i32
      %mul3A_39 = arith.constant 128 : i32
      %mul3A_40 = arith.muli %div3A_34, %mul3A_39 : i32
      %dma_start3A_41 = tpu.memref_slice %arg2[%add3A_38, %mul3A_40] : memref<32768x512xf32, #tpu.memory_space<hbm>> -> memref<256x128xf32, #tpu.memory_space<hbm>>
      %dma_start3A_42 = tpu.memref_slice %arg2[%add3A_38, %mul3A_40] : memref<32768x512xf32, #tpu.memory_space<hbm>> -> memref<256x128xf32, #tpu.memory_space<hbm>>
      tpu.enqueue_dma source(%dma_start3A_42 : memref<256x128xf32, #tpu.memory_space<hbm>>) target(%arg6 : memref<256x128xf32, #tpu.memory_space<vmem>>) target_semaphore(%arg9 : memref<!tpu.dma_semaphore, #tpu.memory_space<semaphore_mem>>)
      %broadcast_in_dim3A = arith.constant 0.000000e+00 : f32
      %broadcast_in_dim3A_43 = vector.broadcast %broadcast_in_dim3A : f32 to vector<16xf32>
      %broadcast_in_dim3A_44 = arith.constant 0.000000e+00 : f32
      %broadcast_in_dim3A_45 = vector.broadcast %broadcast_in_dim3A_44 : f32 to vector<16xf32>
      %broadcast_in_dim3A_46 = arith.constant 0.000000e+00 : f32
      %broadcast_in_dim3A_47 = vector.broadcast %broadcast_in_dim3A_46 : f32 to vector<16xf32>
      %broadcast_in_dim3A_48 = arith.constant 0.000000e+00 : f32
      %broadcast_in_dim3A_49 = vector.broadcast %broadcast_in_dim3A_48 : f32 to vector<16xf32>
      %broadcast_in_dim3A_50 = arith.constant 0.000000e+00 : f32
      %broadcast_in_dim3A_51 = vector.broadcast %broadcast_in_dim3A_50 : f32 to vector<16xf32>
      %broadcast_in_dim3A_52 = arith.constant 0.000000e+00 : f32
      %broadcast_in_dim3A_53 = vector.broadcast %broadcast_in_dim3A_52 : f32 to vector<16xf32>
      %broadcast_in_dim3A_54 = arith.constant 0.000000e+00 : f32
      %broadcast_in_dim3A_55 = vector.broadcast %broadcast_in_dim3A_54 : f32 to vector<16xf32>
      %broadcast_in_dim3A_56 = arith.constant 0.000000e+00 : f32
      %broadcast_in_dim3A_57 = vector.broadcast %broadcast_in_dim3A_56 : f32 to vector<16xf32>
      %rem3A_58 = arith.constant 16 : i32
      %rem3A_59 = arith.remsi %add3A_9, %rem3A_58 : i32
      %div3A_60 = arith.constant 16 : i32
      %div3A_61 = arith.divsi %add3A_9, %div3A_60 : i32
      %mul3A_62 = arith.constant 2048 : i32
      %mul3A_63 = arith.muli %rem3A_59, %mul3A_62 : i32
      %add3A_64 = arith.constant 0 : i32
      %add3A_65 = arith.addi %mul3A_63, %add3A_64 : i32
      %mul3A_66 = arith.constant 128 : i32
      %mul3A_67 = arith.muli %div3A_61, %mul3A_66 : i32
      %dma_wait3A = tpu.memref_slice %arg2[%add3A_65, %mul3A_67] : memref<32768x512xf32, #tpu.memory_space<hbm>> -> memref<256x128xf32, #tpu.memory_space<hbm>>
      %dma_wait3A_68 = tpu.memref_slice %arg2[%add3A_65, %mul3A_67] : memref<32768x512xf32, #tpu.memory_space<hbm>> -> memref<256x128xf32, #tpu.memory_space<hbm>>
      tpu.wait_dma2 semaphore(%arg7 : memref<!tpu.dma_semaphore, #tpu.memory_space<semaphore_mem>>) src(%dma_wait3A_68 : memref<256x128xf32, #tpu.memory_space<hbm>>) dst(%arg4 : memref<256x128xf32, #tpu.memory_space<vmem>>)
      %parallel_loop3A = arith.constant 0 : i32
      %parallel_loop3A_69 = arith.constant 256 : i32
      %parallel_loop3A_70 = arith.constant 1 : i32
      %parallel_loop3A_71:8 = scf.for %parallel_loop3A_643 = %parallel_loop3A to %parallel_loop3A_69 step %parallel_loop3A_70 iter_args(%parallel_loop3A_644 = %broadcast_in_dim3A_43, %parallel_loop3A_645 = %broadcast_in_dim3A_45, %parallel_loop3A_646 = %broadcast_in_dim3A_47, %parallel_loop3A_647 = %broadcast_in_dim3A_49, %parallel_loop3A_648 = %broadcast_in_dim3A_51, %parallel_loop3A_649 = %broadcast_in_dim3A_53, %parallel_loop3A_650 = %broadcast_in_dim3A_55, %parallel_loop3A_651 = %broadcast_in_dim3A_57) -> (vector<16xf32>, vector<16xf32>, vector<16xf32>, vector<16xf32>, vector<16xf32>, vector<16xf32>, vector<16xf32>, vector<16xf32>)  : i32 {
        %parallel_loop3A_652 = arith.index_cast %parallel_loop3A_643 : i32 to index
        %parallel_loop3A_653 = arith.constant 0 : index
        %parallel_loop3A_654 = tpu.vector_load %arg4[%parallel_loop3A_652, %parallel_loop3A_653] {strides = array<i32>} : memref<256x128xf32, #tpu.memory_space<vmem>>, vector<1x16xf32>,
        %parallel_loop3A_655 = vector.shape_cast %parallel_loop3A_654 : vector<1x16xf32> to vector<16xf32>
        %parallel_loop3A_656 = math.absf %parallel_loop3A_655 : vector<16xf32>
        %parallel_loop3A_657 = arith.index_cast %parallel_loop3A_643 : i32 to index
        %parallel_loop3A_658 = arith.constant 16 : index
        %parallel_loop3A_659 = tpu.vector_load %arg4[%parallel_loop3A_657, %parallel_loop3A_658] {strides = array<i32>} : memref<256x128xf32, #tpu.memory_space<vmem>>, vector<1x16xf32>,
        %parallel_loop3A_660 = vector.shape_cast %parallel_loop3A_659 : vector<1x16xf32> to vector<16xf32>
        %parallel_loop3A_661 = math.absf %parallel_loop3A_660 : vector<16xf32>
        %parallel_loop3A_662 = arith.index_cast %parallel_loop3A_643 : i32 to index
        %parallel_loop3A_663 = arith.constant 32 : index
        %parallel_loop3A_664 = tpu.vector_load %arg4[%parallel_loop3A_662, %parallel_loop3A_663] {strides = array<i32>} : memref<256x128xf32, #tpu.memory_space<vmem>>, vector<1x16xf32>,
        %parallel_loop3A_665 = vector.shape_cast %parallel_loop3A_664 : vector<1x16xf32> to vector<16xf32>
        %parallel_loop3A_666 = math.absf %parallel_loop3A_665 : vector<16xf32>
        %parallel_loop3A_667 = arith.index_cast %parallel_loop3A_643 : i32 to index
        %parallel_loop3A_668 = arith.constant 48 : index
        %parallel_loop3A_669 = tpu.vector_load %arg4[%parallel_loop3A_667, %parallel_loop3A_668] {strides = array<i32>} : memref<256x128xf32, #tpu.memory_space<vmem>>, vector<1x16xf32>,
        %parallel_loop3A_670 = vector.shape_cast %parallel_loop3A_669 : vector<1x16xf32> to vector<16xf32>
        %parallel_loop3A_671 = math.absf %parallel_loop3A_670 : vector<16xf32>
        %parallel_loop3A_672 = arith.index_cast %parallel_loop3A_643 : i32 to index
        %parallel_loop3A_673 = arith.constant 64 : index
        %parallel_loop3A_674 = tpu.vector_load %arg4[%parallel_loop3A_672, %parallel_loop3A_673] {strides = array<i32>} : memref<256x128xf32, #tpu.memory_space<vmem>>, vector<1x16xf32>,
        %parallel_loop3A_675 = vector.shape_cast %parallel_loop3A_674 : vector<1x16xf32> to vector<16xf32>
        %parallel_loop3A_676 = math.absf %parallel_loop3A_675 : vector<16xf32>
        %parallel_loop3A_677 = arith.index_cast %parallel_loop3A_643 : i32 to index
        %parallel_loop3A_678 = arith.constant 80 : index
        %parallel_loop3A_679 = tpu.vector_load %arg4[%parallel_loop3A_677, %parallel_loop3A_678] {strides = array<i32>} : memref<256x128xf32, #tpu.memory_space<vmem>>, vector<1x16xf32>,
        %parallel_loop3A_680 = vector.shape_cast %parallel_loop3A_679 : vector<1x16xf32> to vector<16xf32>
        %parallel_loop3A_681 = math.absf %parallel_loop3A_680 : vector<16xf32>
        %parallel_loop3A_682 = arith.index_cast %parallel_loop3A_643 : i32 to index
        %parallel_loop3A_683 = arith.constant 96 : index
        %parallel_loop3A_684 = tpu.vector_load %arg4[%parallel_loop3A_682, %parallel_loop3A_683] {strides = array<i32>} : memref<256x128xf32, #tpu.memory_space<vmem>>, vector<1x16xf32>,
        %parallel_loop3A_685 = vector.shape_cast %parallel_loop3A_684 : vector<1x16xf32> to vector<16xf32>
        %parallel_loop3A_686 = math.absf %parallel_loop3A_685 : vector<16xf32>
        %parallel_loop3A_687 = arith.index_cast %parallel_loop3A_643 : i32 to index
        %parallel_loop3A_688 = arith.constant 112 : index
        %parallel_loop3A_689 = tpu.vector_load %arg4[%parallel_loop3A_687, %parallel_loop3A_688] {strides = array<i32>} : memref<256x128xf32, #tpu.memory_space<vmem>>, vector<1x16xf32>,
        %parallel_loop3A_690 = vector.shape_cast %parallel_loop3A_689 : vector<1x16xf32> to vector<16xf32>
        %parallel_loop3A_691 = math.absf %parallel_loop3A_690 : vector<16xf32>
        %parallel_loop3A_692 = arith.maximumf %parallel_loop3A_644, %parallel_loop3A_656 : vector<16xf32>
        %parallel_loop3A_693 = arith.maximumf %parallel_loop3A_645, %parallel_loop3A_661 : vector<16xf32>
        %parallel_loop3A_694 = arith.maximumf %parallel_loop3A_646, %parallel_loop3A_666 : vector<16xf32>
        %parallel_loop3A_695 = arith.maximumf %parallel_loop3A_647, %parallel_loop3A_671 : vector<16xf32>
        %parallel_loop3A_696 = arith.maximumf %parallel_loop3A_648, %parallel_loop3A_676 : vector<16xf32>
        %parallel_loop3A_697 = arith.maximumf %parallel_loop3A_649, %parallel_loop3A_681 : vector<16xf32>
        %parallel_loop3A_698 = arith.maximumf %parallel_loop3A_650, %parallel_loop3A_686 : vector<16xf32>
        %parallel_loop3A_699 = arith.maximumf %parallel_loop3A_651, %parallel_loop3A_691 : vector<16xf32>
        scf.yield %parallel_loop3A_692, %parallel_loop3A_693, %parallel_loop3A_694, %parallel_loop3A_695, %parallel_loop3A_696, %parallel_loop3A_697, %parallel_loop3A_698, %parallel_loop3A_699 : vector<16xf32>, vector<16xf32>, vector<16xf32>, vector<16xf32>, vector<16xf32>, vector<16xf32>, vector<16xf32>, vector<16xf32>
      } {sc.loop_unroll_factor = 1 : i64, sc.parallel_access}
      %rem3A_72 = arith.constant 16 : i32
      %rem3A_73 = arith.remsi %add3A_9, %rem3A_72 : i32
      %div3A_74 = arith.constant 16 : i32
      %div3A_75 = arith.divsi %add3A_9, %div3A_74 : i32
      %mul3A_76 = arith.constant 2048 : i32
      %mul3A_77 = arith.muli %rem3A_73, %mul3A_76 : i32
      %add3A_78 = arith.constant 768 : i32
      %add3A_79 = arith.addi %mul3A_77, %add3A_78 : i32
      %mul3A_80 = arith.constant 128 : i32
      %mul3A_81 = arith.muli %div3A_75, %mul3A_80 : i32
      %dma_start3A_82 = tpu.memref_slice %arg2[%add3A_79, %mul3A_81] : memref<32768x512xf32, #tpu.memory_space<hbm>> -> memref<256x128xf32, #tpu.memory_space<hbm>>
      %dma_start3A_83 = tpu.memref_slice %arg2[%add3A_79, %mul3A_81] : memref<32768x512xf32, #tpu.memory_space<hbm>> -> memref<256x128xf32, #tpu.memory_space<hbm>>
      tpu.enqueue_dma source(%dma_start3A_83 : memref<256x128xf32, #tpu.memory_space<hbm>>) target(%arg4 : memref<256x128xf32, #tpu.memory_space<vmem>>) target_semaphore(%arg7 : memref<!tpu.dma_semaphore, #tpu.memory_space<semaphore_mem>>)
      %rem3A_84 = arith.constant 16 : i32
      %rem3A_85 = arith.remsi %add3A_9, %rem3A_84 : i32
      %div3A_86 = arith.constant 16 : i32
      %div3A_87 = arith.divsi %add3A_9, %div3A_86 : i32
      %mul3A_88 = arith.constant 2048 : i32
      %mul3A_89 = arith.muli %rem3A_85, %mul3A_88 : i32
      %add3A_90 = arith.constant 256 : i32
      %add3A_91 = arith.addi %mul3A_89, %add3A_90 : i32
      %mul3A_92 = arith.constant 128 : i32
      %mul3A_93 = arith.muli %div3A_87, %mul3A_92 : i32
      %dma_wait3A_94 = tpu.memref_slice %arg2[%add3A_91, %mul3A_93] : memref<32768x512xf32, #tpu.memory_space<hbm>> -> memref<256x128xf32, #tpu.memory_space<hbm>>
      %dma_wait3A_95 = tpu.memref_slice %arg2[%add3A_91, %mul3A_93] : memref<32768x512xf32, #tpu.memory_space<hbm>> -> memref<256x128xf32, #tpu.memory_space<hbm>>
      tpu.wait_dma2 semaphore(%arg8 : memref<!tpu.dma_semaphore, #tpu.memory_space<semaphore_mem>>) src(%dma_wait3A_95 : memref<256x128xf32, #tpu.memory_space<hbm>>) dst(%arg5 : memref<256x128xf32, #tpu.memory_space<vmem>>)
      %parallel_loop3A_96 = arith.constant 0 : i32
      %parallel_loop3A_97 = arith.constant 256 : i32
      %parallel_loop3A_98 = arith.constant 1 : i32
      %parallel_loop3A_99:8 = scf.for %parallel_loop3A_643 = %parallel_loop3A_96 to %parallel_loop3A_97 step %parallel_loop3A_98 iter_args(%parallel_loop3A_644 = %parallel_loop3A_71#0, %parallel_loop3A_645 = %parallel_loop3A_71#1, %parallel_loop3A_646 = %parallel_loop3A_71#2, %parallel_loop3A_647 = %parallel_loop3A_71#3, %parallel_loop3A_648 = %parallel_loop3A_71#4, %parallel_loop3A_649 = %parallel_loop3A_71#5, %parallel_loop3A_650 = %parallel_loop3A_71#6, %parallel_loop3A_651 = %parallel_loop3A_71#7) -> (vector<16xf32>, vector<16xf32>, vector<16xf32>, vector<16xf32>, vector<16xf32>, vector<16xf32>, vector<16xf32>, vector<16xf32>)  : i32 {
        %parallel_loop3A_652 = arith.index_cast %parallel_loop3A_643 : i32 to index
        %parallel_loop3A_653 = arith.constant 0 : index
        %parallel_loop3A_654 = tpu.vector_load %arg5[%parallel_loop3A_652, %parallel_loop3A_653] {strides = array<i32>} : memref<256x128xf32, #tpu.memory_space<vmem>>, vector<1x16xf32>,
        %parallel_loop3A_655 = vector.shape_cast %parallel_loop3A_654 : vector<1x16xf32> to vector<16xf32>
        %parallel_loop3A_656 = math.absf %parallel_loop3A_655 : vector<16xf32>
        %parallel_loop3A_657 = arith.index_cast %parallel_loop3A_643 : i32 to index
        %parallel_loop3A_658 = arith.constant 16 : index
        %parallel_loop3A_659 = tpu.vector_load %arg5[%parallel_loop3A_657, %parallel_loop3A_658] {strides = array<i32>} : memref<256x128xf32, #tpu.memory_space<vmem>>, vector<1x16xf32>,
        %parallel_loop3A_660 = vector.shape_cast %parallel_loop3A_659 : vector<1x16xf32> to vector<16xf32>
        %parallel_loop3A_661 = math.absf %parallel_loop3A_660 : vector<16xf32>
        %parallel_loop3A_662 = arith.index_cast %parallel_loop3A_643 : i32 to index
        %parallel_loop3A_663 = arith.constant 32 : index
        %parallel_loop3A_664 = tpu.vector_load %arg5[%parallel_loop3A_662, %parallel_loop3A_663] {strides = array<i32>} : memref<256x128xf32, #tpu.memory_space<vmem>>, vector<1x16xf32>,
        %parallel_loop3A_665 = vector.shape_cast %parallel_loop3A_664 : vector<1x16xf32> to vector<16xf32>
        %parallel_loop3A_666 = math.absf %parallel_loop3A_665 : vector<16xf32>
        %parallel_loop3A_667 = arith.index_cast %parallel_loop3A_643 : i32 to index
        %parallel_loop3A_668 = arith.constant 48 : index
        %parallel_loop3A_669 = tpu.vector_load %arg5[%parallel_loop3A_667, %parallel_loop3A_668] {strides = array<i32>} : memref<256x128xf32, #tpu.memory_space<vmem>>, vector<1x16xf32>,
        %parallel_loop3A_670 = vector.shape_cast %parallel_loop3A_669 : vector<1x16xf32> to vector<16xf32>
        %parallel_loop3A_671 = math.absf %parallel_loop3A_670 : vector<16xf32>
        %parallel_loop3A_672 = arith.index_cast %parallel_loop3A_643 : i32 to index
        %parallel_loop3A_673 = arith.constant 64 : index
        %parallel_loop3A_674 = tpu.vector_load %arg5[%parallel_loop3A_672, %parallel_loop3A_673] {strides = array<i32>} : memref<256x128xf32, #tpu.memory_space<vmem>>, vector<1x16xf32>,
        %parallel_loop3A_675 = vector.shape_cast %parallel_loop3A_674 : vector<1x16xf32> to vector<16xf32>
        %parallel_loop3A_676 = math.absf %parallel_loop3A_675 : vector<16xf32>
        %parallel_loop3A_677 = arith.index_cast %parallel_loop3A_643 : i32 to index
        %parallel_loop3A_678 = arith.constant 80 : index
        %parallel_loop3A_679 = tpu.vector_load %arg5[%parallel_loop3A_677, %parallel_loop3A_678] {strides = array<i32>} : memref<256x128xf32, #tpu.memory_space<vmem>>, vector<1x16xf32>,
        %parallel_loop3A_680 = vector.shape_cast %parallel_loop3A_679 : vector<1x16xf32> to vector<16xf32>
        %parallel_loop3A_681 = math.absf %parallel_loop3A_680 : vector<16xf32>
        %parallel_loop3A_682 = arith.index_cast %parallel_loop3A_643 : i32 to index
        %parallel_loop3A_683 = arith.constant 96 : index
        %parallel_loop3A_684 = tpu.vector_load %arg5[%parallel_loop3A_682, %parallel_loop3A_683] {strides = array<i32>} : memref<256x128xf32, #tpu.memory_space<vmem>>, vector<1x16xf32>,
        %parallel_loop3A_685 = vector.shape_cast %parallel_loop3A_684 : vector<1x16xf32> to vector<16xf32>
        %parallel_loop3A_686 = math.absf %parallel_loop3A_685 : vector<16xf32>
        %parallel_loop3A_687 = arith.index_cast %parallel_loop3A_643 : i32 to index
        %parallel_loop3A_688 = arith.constant 112 : index
        %parallel_loop3A_689 = tpu.vector_load %arg5[%parallel_loop3A_687, %parallel_loop3A_688] {strides = array<i32>} : memref<256x128xf32, #tpu.memory_space<vmem>>, vector<1x16xf32>,
        %parallel_loop3A_690 = vector.shape_cast %parallel_loop3A_689 : vector<1x16xf32> to vector<16xf32>
        %parallel_loop3A_691 = math.absf %parallel_loop3A_690 : vector<16xf32>
        %parallel_loop3A_692 = arith.maximumf %parallel_loop3A_644, %parallel_loop3A_656 : vector<16xf32>
        %parallel_loop3A_693 = arith.maximumf %parallel_loop3A_645, %parallel_loop3A_661 : vector<16xf32>
        %parallel_loop3A_694 = arith.maximumf %parallel_loop3A_646, %parallel_loop3A_666 : vector<16xf32>
        %parallel_loop3A_695 = arith.maximumf %parallel_loop3A_647, %parallel_loop3A_671 : vector<16xf32>
        %parallel_loop3A_696 = arith.maximumf %parallel_loop3A_648, %parallel_loop3A_676 : vector<16xf32>
        %parallel_loop3A_697 = arith.maximumf %parallel_loop3A_649, %parallel_loop3A_681 : vector<16xf32>
        %parallel_loop3A_698 = arith.maximumf %parallel_loop3A_650, %parallel_loop3A_686 : vector<16xf32>
        %parallel_loop3A_699 = arith.maximumf %parallel_loop3A_651, %parallel_loop3A_691 : vector<16xf32>
        scf.yield %parallel_loop3A_692, %parallel_loop3A_693, %parallel_loop3A_694, %parallel_loop3A_695, %parallel_loop3A_696, %parallel_loop3A_697, %parallel_loop3A_698, %parallel_loop3A_699 : vector<16xf32>, vector<16xf32>, vector<16xf32>, vector<16xf32>, vector<16xf32>, vector<16xf32>, vector<16xf32>, vector<16xf32>
      } {sc.loop_unroll_factor = 1 : i64, sc.parallel_access}
      %rem3A_100 = arith.constant 16 : i32
      %rem3A_101 = arith.remsi %add3A_9, %rem3A_100 : i32
      %div3A_102 = arith.constant 16 : i32
      %div3A_103 = arith.divsi %add3A_9, %div3A_102 : i32
      %mul3A_104 = arith.constant 2048 : i32
      %mul3A_105 = arith.muli %rem3A_101, %mul3A_104 : i32
      %add3A_106 = arith.constant 1024 : i32
      %add3A_107 = arith.addi %mul3A_105, %add3A_106 : i32
      %mul3A_108 = arith.constant 128 : i32
      %mul3A_109 = arith.muli %div3A_103, %mul3A_108 : i32
      %dma_start3A_110 = tpu.memref_slice %arg2[%add3A_107, %mul3A_109] : memref<32768x512xf32, #tpu.memory_space<hbm>> -> memref<256x128xf32, #tpu.memory_space<hbm>>
      %dma_start3A_111 = tpu.memref_slice %arg2[%add3A_107, %mul3A_109] : memref<32768x512xf32, #tpu.memory_space<hbm>> -> memref<256x128xf32, #tpu.memory_space<hbm>>
      tpu.enqueue_dma source(%dma_start3A_111 : memref<256x128xf32, #tpu.memory_space<hbm>>) target(%arg5 : memref<256x128xf32, #tpu.memory_space<vmem>>) target_semaphore(%arg8 : memref<!tpu.dma_semaphore, #tpu.memory_space<semaphore_mem>>)
      %rem3A_112 = arith.constant 16 : i32
      %rem3A_113 = arith.remsi %add3A_9, %rem3A_112 : i32
      %div3A_114 = arith.constant 16 : i32
      %div3A_115 = arith.divsi %add3A_9, %div3A_114 : i32
      %mul3A_116 = arith.constant 2048 : i32
      %mul3A_117 = arith.muli %rem3A_113, %mul3A_116 : i32
      %add3A_118 = arith.constant 512 : i32
      %add3A_119 = arith.addi %mul3A_117, %add3A_118 : i32
      %mul3A_120 = arith.constant 128 : i32
      %mul3A_121 = arith.muli %div3A_115, %mul3A_120 : i32
      %dma_wait3A_122 = tpu.memref_slice %arg2[%add3A_119, %mul3A_121] : memref<32768x512xf32, #tpu.memory_space<hbm>> -> memref<256x128xf32, #tpu.memory_space<hbm>>
      %dma_wait3A_123 = tpu.memref_slice %arg2[%add3A_119, %mul3A_121] : memref<32768x512xf32, #tpu.memory_space<hbm>> -> memref<256x128xf32, #tpu.memory_space<hbm>>
      tpu.wait_dma2 semaphore(%arg9 : memref<!tpu.dma_semaphore, #tpu.memory_space<semaphore_mem>>) src(%dma_wait3A_123 : memref<256x128xf32, #tpu.memory_space<hbm>>) dst(%arg6 : memref<256x128xf32, #tpu.memory_space<vmem>>)
      %parallel_loop3A_124 = arith.constant 0 : i32
      %parallel_loop3A_125 = arith.constant 256 : i32
      %parallel_loop3A_126 = arith.constant 1 : i32
      %parallel_loop3A_127:8 = scf.for %parallel_loop3A_643 = %parallel_loop3A_124 to %parallel_loop3A_125 step %parallel_loop3A_126 iter_args(%parallel_loop3A_644 = %parallel_loop3A_99#0, %parallel_loop3A_645 = %parallel_loop3A_99#1, %parallel_loop3A_646 = %parallel_loop3A_99#2, %parallel_loop3A_647 = %parallel_loop3A_99#3, %parallel_loop3A_648 = %parallel_loop3A_99#4, %parallel_loop3A_649 = %parallel_loop3A_99#5, %parallel_loop3A_650 = %parallel_loop3A_99#6, %parallel_loop3A_651 = %parallel_loop3A_99#7) -> (vector<16xf32>, vector<16xf32>, vector<16xf32>, vector<16xf32>, vector<16xf32>, vector<16xf32>, vector<16xf32>, vector<16xf32>)  : i32 {
        %parallel_loop3A_652 = arith.index_cast %parallel_loop3A_643 : i32 to index
        %parallel_loop3A_653 = arith.constant 0 : index
        %parallel_loop3A_654 = tpu.vector_load %arg6[%parallel_loop3A_652, %parallel_loop3A_653] {strides = array<i32>} : memref<256x128xf32, #tpu.memory_space<vmem>>, vector<1x16xf32>,
        %parallel_loop3A_655 = vector.shape_cast %parallel_loop3A_654 : vector<1x16xf32> to vector<16xf32>
        %parallel_loop3A_656 = math.absf %parallel_loop3A_655 : vector<16xf32>
        %parallel_loop3A_657 = arith.index_cast %parallel_loop3A_643 : i32 to index
        %parallel_loop3A_658 = arith.constant 16 : index
        %parallel_loop3A_659 = tpu.vector_load %arg6[%parallel_loop3A_657, %parallel_loop3A_658] {strides = array<i32>} : memref<256x128xf32, #tpu.memory_space<vmem>>, vector<1x16xf32>,
        %parallel_loop3A_660 = vector.shape_cast %parallel_loop3A_659 : vector<1x16xf32> to vector<16xf32>
        %parallel_loop3A_661 = math.absf %parallel_loop3A_660 : vector<16xf32>
        %parallel_loop3A_662 = arith.index_cast %parallel_loop3A_643 : i32 to index
        %parallel_loop3A_663 = arith.constant 32 : index
        %parallel_loop3A_664 = tpu.vector_load %arg6[%parallel_loop3A_662, %parallel_loop3A_663] {strides = array<i32>} : memref<256x128xf32, #tpu.memory_space<vmem>>, vector<1x16xf32>,
        %parallel_loop3A_665 = vector.shape_cast %parallel_loop3A_664 : vector<1x16xf32> to vector<16xf32>
        %parallel_loop3A_666 = math.absf %parallel_loop3A_665 : vector<16xf32>
        %parallel_loop3A_667 = arith.index_cast %parallel_loop3A_643 : i32 to index
        %parallel_loop3A_668 = arith.constant 48 : index
        %parallel_loop3A_669 = tpu.vector_load %arg6[%parallel_loop3A_667, %parallel_loop3A_668] {strides = array<i32>} : memref<256x128xf32, #tpu.memory_space<vmem>>, vector<1x16xf32>,
        %parallel_loop3A_670 = vector.shape_cast %parallel_loop3A_669 : vector<1x16xf32> to vector<16xf32>
        %parallel_loop3A_671 = math.absf %parallel_loop3A_670 : vector<16xf32>
        %parallel_loop3A_672 = arith.index_cast %parallel_loop3A_643 : i32 to index
        %parallel_loop3A_673 = arith.constant 64 : index
        %parallel_loop3A_674 = tpu.vector_load %arg6[%parallel_loop3A_672, %parallel_loop3A_673] {strides = array<i32>} : memref<256x128xf32, #tpu.memory_space<vmem>>, vector<1x16xf32>,
        %parallel_loop3A_675 = vector.shape_cast %parallel_loop3A_674 : vector<1x16xf32> to vector<16xf32>
        %parallel_loop3A_676 = math.absf %parallel_loop3A_675 : vector<16xf32>
        %parallel_loop3A_677 = arith.index_cast %parallel_loop3A_643 : i32 to index
        %parallel_loop3A_678 = arith.constant 80 : index
        %parallel_loop3A_679 = tpu.vector_load %arg6[%parallel_loop3A_677, %parallel_loop3A_678] {strides = array<i32>} : memref<256x128xf32, #tpu.memory_space<vmem>>, vector<1x16xf32>,
        %parallel_loop3A_680 = vector.shape_cast %parallel_loop3A_679 : vector<1x16xf32> to vector<16xf32>
        %parallel_loop3A_681 = math.absf %parallel_loop3A_680 : vector<16xf32>
        %parallel_loop3A_682 = arith.index_cast %parallel_loop3A_643 : i32 to index
        %parallel_loop3A_683 = arith.constant 96 : index
        %parallel_loop3A_684 = tpu.vector_load %arg6[%parallel_loop3A_682, %parallel_loop3A_683] {strides = array<i32>} : memref<256x128xf32, #tpu.memory_space<vmem>>, vector<1x16xf32>,
        %parallel_loop3A_685 = vector.shape_cast %parallel_loop3A_684 : vector<1x16xf32> to vector<16xf32>
        %parallel_loop3A_686 = math.absf %parallel_loop3A_685 : vector<16xf32>
        %parallel_loop3A_687 = arith.index_cast %parallel_loop3A_643 : i32 to index
        %parallel_loop3A_688 = arith.constant 112 : index
        %parallel_loop3A_689 = tpu.vector_load %arg6[%parallel_loop3A_687, %parallel_loop3A_688] {strides = array<i32>} : memref<256x128xf32, #tpu.memory_space<vmem>>, vector<1x16xf32>,
        %parallel_loop3A_690 = vector.shape_cast %parallel_loop3A_689 : vector<1x16xf32> to vector<16xf32>
        %parallel_loop3A_691 = math.absf %parallel_loop3A_690 : vector<16xf32>
        %parallel_loop3A_692 = arith.maximumf %parallel_loop3A_644, %parallel_loop3A_656 : vector<16xf32>
        %parallel_loop3A_693 = arith.maximumf %parallel_loop3A_645, %parallel_loop3A_661 : vector<16xf32>
        %parallel_loop3A_694 = arith.maximumf %parallel_loop3A_646, %parallel_loop3A_666 : vector<16xf32>
        %parallel_loop3A_695 = arith.maximumf %parallel_loop3A_647, %parallel_loop3A_671 : vector<16xf32>
        %parallel_loop3A_696 = arith.maximumf %parallel_loop3A_648, %parallel_loop3A_676 : vector<16xf32>
        %parallel_loop3A_697 = arith.maximumf %parallel_loop3A_649, %parallel_loop3A_681 : vector<16xf32>
        %parallel_loop3A_698 = arith.maximumf %parallel_loop3A_650, %parallel_loop3A_686 : vector<16xf32>
        %parallel_loop3A_699 = arith.maximumf %parallel_loop3A_651, %parallel_loop3A_691 : vector<16xf32>
        scf.yield %parallel_loop3A_692, %parallel_loop3A_693, %parallel_loop3A_694, %parallel_loop3A_695, %parallel_loop3A_696, %parallel_loop3A_697, %parallel_loop3A_698, %parallel_loop3A_699 : vector<16xf32>, vector<16xf32>, vector<16xf32>, vector<16xf32>, vector<16xf32>, vector<16xf32>, vector<16xf32>, vector<16xf32>
      } {sc.loop_unroll_factor = 1 : i64, sc.parallel_access}
      %rem3A_128 = arith.constant 16 : i32
      %rem3A_129 = arith.remsi %add3A_9, %rem3A_128 : i32
      %div3A_130 = arith.constant 16 : i32
      %div3A_131 = arith.divsi %add3A_9, %div3A_130 : i32
      %mul3A_132 = arith.constant 2048 : i32
      %mul3A_133 = arith.muli %rem3A_129, %mul3A_132 : i32
      %add3A_134 = arith.constant 1280 : i32
      %add3A_135 = arith.addi %mul3A_133, %add3A_134 : i32
      %mul3A_136 = arith.constant 128 : i32
      %mul3A_137 = arith.muli %div3A_131, %mul3A_136 : i32
      %dma_start3A_138 = tpu.memref_slice %arg2[%add3A_135, %mul3A_137] : memref<32768x512xf32, #tpu.memory_space<hbm>> -> memref<256x128xf32, #tpu.memory_space<hbm>>
      %dma_start3A_139 = tpu.memref_slice %arg2[%add3A_135, %mul3A_137] : memref<32768x512xf32, #tpu.memory_space<hbm>> -> memref<256x128xf32, #tpu.memory_space<hbm>>
      tpu.enqueue_dma source(%dma_start3A_139 : memref<256x128xf32, #tpu.memory_space<hbm>>) target(%arg6 : memref<256x128xf32, #tpu.memory_space<vmem>>) target_semaphore(%arg9 : memref<!tpu.dma_semaphore, #tpu.memory_space<semaphore_mem>>)
      %rem3A_140 = arith.constant 16 : i32
      %rem3A_141 = arith.remsi %add3A_9, %rem3A_140 : i32
      %div3A_142 = arith.constant 16 : i32
      %div3A_143 = arith.divsi %add3A_9, %div3A_142 : i32
      %mul3A_144 = arith.constant 2048 : i32
      %mul3A_145 = arith.muli %rem3A_141, %mul3A_144 : i32
      %add3A_146 = arith.constant 768 : i32
      %add3A_147 = arith.addi %mul3A_145, %add3A_146 : i32
      %mul3A_148 = arith.constant 128 : i32
      %mul3A_149 = arith.muli %div3A_143, %mul3A_148 : i32
      %dma_wait3A_150 = tpu.memref_slice %arg2[%add3A_147, %mul3A_149] : memref<32768x512xf32, #tpu.memory_space<hbm>> -> memref<256x128xf32, #tpu.memory_space<hbm>>
      %dma_wait3A_151 = tpu.memref_slice %arg2[%add3A_147, %mul3A_149] : memref<32768x512xf32, #tpu.memory_space<hbm>> -> memref<256x128xf32, #tpu.memory_space<hbm>>
      tpu.wait_dma2 semaphore(%arg7 : memref<!tpu.dma_semaphore, #tpu.memory_space<semaphore_mem>>) src(%dma_wait3A_151 : memref<256x128xf32, #tpu.memory_space<hbm>>) dst(%arg4 : memref<256x128xf32, #tpu.memory_space<vmem>>)
      %parallel_loop3A_152 = arith.constant 0 : i32
      %parallel_loop3A_153 = arith.constant 256 : i32
      %parallel_loop3A_154 = arith.constant 1 : i32
      %parallel_loop3A_155:8 = scf.for %parallel_loop3A_643 = %parallel_loop3A_152 to %parallel_loop3A_153 step %parallel_loop3A_154 iter_args(%parallel_loop3A_644 = %parallel_loop3A_127#0, %parallel_loop3A_645 = %parallel_loop3A_127#1, %parallel_loop3A_646 = %parallel_loop3A_127#2, %parallel_loop3A_647 = %parallel_loop3A_127#3, %parallel_loop3A_648 = %parallel_loop3A_127#4, %parallel_loop3A_649 = %parallel_loop3A_127#5, %parallel_loop3A_650 = %parallel_loop3A_127#6, %parallel_loop3A_651 = %parallel_loop3A_127#7) -> (vector<16xf32>, vector<16xf32>, vector<16xf32>, vector<16xf32>, vector<16xf32>, vector<16xf32>, vector<16xf32>, vector<16xf32>)  : i32 {
        %parallel_loop3A_652 = arith.index_cast %parallel_loop3A_643 : i32 to index
        %parallel_loop3A_653 = arith.constant 0 : index
        %parallel_loop3A_654 = tpu.vector_load %arg4[%parallel_loop3A_652, %parallel_loop3A_653] {strides = array<i32>} : memref<256x128xf32, #tpu.memory_space<vmem>>, vector<1x16xf32>,
        %parallel_loop3A_655 = vector.shape_cast %parallel_loop3A_654 : vector<1x16xf32> to vector<16xf32>
        %parallel_loop3A_656 = math.absf %parallel_loop3A_655 : vector<16xf32>
        %parallel_loop3A_657 = arith.index_cast %parallel_loop3A_643 : i32 to index
        %parallel_loop3A_658 = arith.constant 16 : index
        %parallel_loop3A_659 = tpu.vector_load %arg4[%parallel_loop3A_657, %parallel_loop3A_658] {strides = array<i32>} : memref<256x128xf32, #tpu.memory_space<vmem>>, vector<1x16xf32>,
        %parallel_loop3A_660 = vector.shape_cast %parallel_loop3A_659 : vector<1x16xf32> to vector<16xf32>
        %parallel_loop3A_661 = math.absf %parallel_loop3A_660 : vector<16xf32>
        %parallel_loop3A_662 = arith.index_cast %parallel_loop3A_643 : i32 to index
        %parallel_loop3A_663 = arith.constant 32 : index
        %parallel_loop3A_664 = tpu.vector_load %arg4[%parallel_loop3A_662, %parallel_loop3A_663] {strides = array<i32>} : memref<256x128xf32, #tpu.memory_space<vmem>>, vector<1x16xf32>,
        %parallel_loop3A_665 = vector.shape_cast %parallel_loop3A_664 : vector<1x16xf32> to vector<16xf32>
        %parallel_loop3A_666 = math.absf %parallel_loop3A_665 : vector<16xf32>
        %parallel_loop3A_667 = arith.index_cast %parallel_loop3A_643 : i32 to index
        %parallel_loop3A_668 = arith.constant 48 : index
        %parallel_loop3A_669 = tpu.vector_load %arg4[%parallel_loop3A_667, %parallel_loop3A_668] {strides = array<i32>} : memref<256x128xf32, #tpu.memory_space<vmem>>, vector<1x16xf32>,
        %parallel_loop3A_670 = vector.shape_cast %parallel_loop3A_669 : vector<1x16xf32> to vector<16xf32>
        %parallel_loop3A_671 = math.absf %parallel_loop3A_670 : vector<16xf32>
        %parallel_loop3A_672 = arith.index_cast %parallel_loop3A_643 : i32 to index
        %parallel_loop3A_673 = arith.constant 64 : index
        %parallel_loop3A_674 = tpu.vector_load %arg4[%parallel_loop3A_672, %parallel_loop3A_673] {strides = array<i32>} : memref<256x128xf32, #tpu.memory_space<vmem>>, vector<1x16xf32>,
        %parallel_loop3A_675 = vector.shape_cast %parallel_loop3A_674 : vector<1x16xf32> to vector<16xf32>
        %parallel_loop3A_676 = math.absf %parallel_loop3A_675 : vector<16xf32>
        %parallel_loop3A_677 = arith.index_cast %parallel_loop3A_643 : i32 to index
        %parallel_loop3A_678 = arith.constant 80 : index
        %parallel_loop3A_679 = tpu.vector_load %arg4[%parallel_loop3A_677, %parallel_loop3A_678] {strides = array<i32>} : memref<256x128xf32, #tpu.memory_space<vmem>>, vector<1x16xf32>,
        %parallel_loop3A_680 = vector.shape_cast %parallel_loop3A_679 : vector<1x16xf32> to vector<16xf32>
        %parallel_loop3A_681 = math.absf %parallel_loop3A_680 : vector<16xf32>
        %parallel_loop3A_682 = arith.index_cast %parallel_loop3A_643 : i32 to index
        %parallel_loop3A_683 = arith.constant 96 : index
        %parallel_loop3A_684 = tpu.vector_load %arg4[%parallel_loop3A_682, %parallel_loop3A_683] {strides = array<i32>} : memref<256x128xf32, #tpu.memory_space<vmem>>, vector<1x16xf32>,
        %parallel_loop3A_685 = vector.shape_cast %parallel_loop3A_684 : vector<1x16xf32> to vector<16xf32>
        %parallel_loop3A_686 = math.absf %parallel_loop3A_685 : vector<16xf32>
        %parallel_loop3A_687 = arith.index_cast %parallel_loop3A_643 : i32 to index
        %parallel_loop3A_688 = arith.constant 112 : index
        %parallel_loop3A_689 = tpu.vector_load %arg4[%parallel_loop3A_687, %parallel_loop3A_688] {strides = array<i32>} : memref<256x128xf32, #tpu.memory_space<vmem>>, vector<1x16xf32>,
        %parallel_loop3A_690 = vector.shape_cast %parallel_loop3A_689 : vector<1x16xf32> to vector<16xf32>
        %parallel_loop3A_691 = math.absf %parallel_loop3A_690 : vector<16xf32>
        %parallel_loop3A_692 = arith.maximumf %parallel_loop3A_644, %parallel_loop3A_656 : vector<16xf32>
        %parallel_loop3A_693 = arith.maximumf %parallel_loop3A_645, %parallel_loop3A_661 : vector<16xf32>
        %parallel_loop3A_694 = arith.maximumf %parallel_loop3A_646, %parallel_loop3A_666 : vector<16xf32>
        %parallel_loop3A_695 = arith.maximumf %parallel_loop3A_647, %parallel_loop3A_671 : vector<16xf32>
        %parallel_loop3A_696 = arith.maximumf %parallel_loop3A_648, %parallel_loop3A_676 : vector<16xf32>
        %parallel_loop3A_697 = arith.maximumf %parallel_loop3A_649, %parallel_loop3A_681 : vector<16xf32>
        %parallel_loop3A_698 = arith.maximumf %parallel_loop3A_650, %parallel_loop3A_686 : vector<16xf32>
        %parallel_loop3A_699 = arith.maximumf %parallel_loop3A_651, %parallel_loop3A_691 : vector<16xf32>
        scf.yield %parallel_loop3A_692, %parallel_loop3A_693, %parallel_loop3A_694, %parallel_loop3A_695, %parallel_loop3A_696, %parallel_loop3A_697, %parallel_loop3A_698, %parallel_loop3A_699 : vector<16xf32>, vector<16xf32>, vector<16xf32>, vector<16xf32>, vector<16xf32>, vector<16xf32>, vector<16xf32>, vector<16xf32>
      } {sc.loop_unroll_factor = 1 : i64, sc.parallel_access}
      %rem3A_156 = arith.constant 16 : i32
      %rem3A_157 = arith.remsi %add3A_9, %rem3A_156 : i32
      %div3A_158 = arith.constant 16 : i32
      %div3A_159 = arith.divsi %add3A_9, %div3A_158 : i32
      %mul3A_160 = arith.constant 2048 : i32
      %mul3A_161 = arith.muli %rem3A_157, %mul3A_160 : i32
      %add3A_162 = arith.constant 1536 : i32
      %add3A_163 = arith.addi %mul3A_161, %add3A_162 : i32
      %mul3A_164 = arith.constant 128 : i32
      %mul3A_165 = arith.muli %div3A_159, %mul3A_164 : i32
      %dma_start3A_166 = tpu.memref_slice %arg2[%add3A_163, %mul3A_165] : memref<32768x512xf32, #tpu.memory_space<hbm>> -> memref<256x128xf32, #tpu.memory_space<hbm>>
      %dma_start3A_167 = tpu.memref_slice %arg2[%add3A_163, %mul3A_165] : memref<32768x512xf32, #tpu.memory_space<hbm>> -> memref<256x128xf32, #tpu.memory_space<hbm>>
      tpu.enqueue_dma source(%dma_start3A_167 : memref<256x128xf32, #tpu.memory_space<hbm>>) target(%arg4 : memref<256x128xf32, #tpu.memory_space<vmem>>) target_semaphore(%arg7 : memref<!tpu.dma_semaphore, #tpu.memory_space<semaphore_mem>>)
      %rem3A_168 = arith.constant 16 : i32
      %rem3A_169 = arith.remsi %add3A_9, %rem3A_168 : i32
      %div3A_170 = arith.constant 16 : i32
      %div3A_171 = arith.divsi %add3A_9, %div3A_170 : i32
      %mul3A_172 = arith.constant 2048 : i32
      %mul3A_173 = arith.muli %rem3A_169, %mul3A_172 : i32
      %add3A_174 = arith.constant 1024 : i32
      %add3A_175 = arith.addi %mul3A_173, %add3A_174 : i32
      %mul3A_176 = arith.constant 128 : i32
      %mul3A_177 = arith.muli %div3A_171, %mul3A_176 : i32
      %dma_wait3A_178 = tpu.memref_slice %arg2[%add3A_175, %mul3A_177] : memref<32768x512xf32, #tpu.memory_space<hbm>> -> memref<256x128xf32, #tpu.memory_space<hbm>>
      %dma_wait3A_179 = tpu.memref_slice %arg2[%add3A_175, %mul3A_177] : memref<32768x512xf32, #tpu.memory_space<hbm>> -> memref<256x128xf32, #tpu.memory_space<hbm>>
      tpu.wait_dma2 semaphore(%arg8 : memref<!tpu.dma_semaphore, #tpu.memory_space<semaphore_mem>>) src(%dma_wait3A_179 : memref<256x128xf32, #tpu.memory_space<hbm>>) dst(%arg5 : memref<256x128xf32, #tpu.memory_space<vmem>>)
      %parallel_loop3A_180 = arith.constant 0 : i32
      %parallel_loop3A_181 = arith.constant 256 : i32
      %parallel_loop3A_182 = arith.constant 1 : i32
      %parallel_loop3A_183:8 = scf.for %parallel_loop3A_643 = %parallel_loop3A_180 to %parallel_loop3A_181 step %parallel_loop3A_182 iter_args(%parallel_loop3A_644 = %parallel_loop3A_155#0, %parallel_loop3A_645 = %parallel_loop3A_155#1, %parallel_loop3A_646 = %parallel_loop3A_155#2, %parallel_loop3A_647 = %parallel_loop3A_155#3, %parallel_loop3A_648 = %parallel_loop3A_155#4, %parallel_loop3A_649 = %parallel_loop3A_155#5, %parallel_loop3A_650 = %parallel_loop3A_155#6, %parallel_loop3A_651 = %parallel_loop3A_155#7) -> (vector<16xf32>, vector<16xf32>, vector<16xf32>, vector<16xf32>, vector<16xf32>, vector<16xf32>, vector<16xf32>, vector<16xf32>)  : i32 {
        %parallel_loop3A_652 = arith.index_cast %parallel_loop3A_643 : i32 to index
        %parallel_loop3A_653 = arith.constant 0 : index
        %parallel_loop3A_654 = tpu.vector_load %arg5[%parallel_loop3A_652, %parallel_loop3A_653] {strides = array<i32>} : memref<256x128xf32, #tpu.memory_space<vmem>>, vector<1x16xf32>,
        %parallel_loop3A_655 = vector.shape_cast %parallel_loop3A_654 : vector<1x16xf32> to vector<16xf32>
        %parallel_loop3A_656 = math.absf %parallel_loop3A_655 : vector<16xf32>
        %parallel_loop3A_657 = arith.index_cast %parallel_loop3A_643 : i32 to index
        %parallel_loop3A_658 = arith.constant 16 : index
        %parallel_loop3A_659 = tpu.vector_load %arg5[%parallel_loop3A_657, %parallel_loop3A_658] {strides = array<i32>} : memref<256x128xf32, #tpu.memory_space<vmem>>, vector<1x16xf32>,
        %parallel_loop3A_660 = vector.shape_cast %parallel_loop3A_659 : vector<1x16xf32> to vector<16xf32>
        %parallel_loop3A_661 = math.absf %parallel_loop3A_660 : vector<16xf32>
        %parallel_loop3A_662 = arith.index_cast %parallel_loop3A_643 : i32 to index
        %parallel_loop3A_663 = arith.constant 32 : index
        %parallel_loop3A_664 = tpu.vector_load %arg5[%parallel_loop3A_662, %parallel_loop3A_663] {strides = array<i32>} : memref<256x128xf32, #tpu.memory_space<vmem>>, vector<1x16xf32>,
        %parallel_loop3A_665 = vector.shape_cast %parallel_loop3A_664 : vector<1x16xf32> to vector<16xf32>
        %parallel_loop3A_666 = math.absf %parallel_loop3A_665 : vector<16xf32>
        %parallel_loop3A_667 = arith.index_cast %parallel_loop3A_643 : i32 to index
        %parallel_loop3A_668 = arith.constant 48 : index
        %parallel_loop3A_669 = tpu.vector_load %arg5[%parallel_loop3A_667, %parallel_loop3A_668] {strides = array<i32>} : memref<256x128xf32, #tpu.memory_space<vmem>>, vector<1x16xf32>,
        %parallel_loop3A_670 = vector.shape_cast %parallel_loop3A_669 : vector<1x16xf32> to vector<16xf32>
        %parallel_loop3A_671 = math.absf %parallel_loop3A_670 : vector<16xf32>
        %parallel_loop3A_672 = arith.index_cast %parallel_loop3A_643 : i32 to index
        %parallel_loop3A_673 = arith.constant 64 : index
        %parallel_loop3A_674 = tpu.vector_load %arg5[%parallel_loop3A_672, %parallel_loop3A_673] {strides = array<i32>} : memref<256x128xf32, #tpu.memory_space<vmem>>, vector<1x16xf32>,
        %parallel_loop3A_675 = vector.shape_cast %parallel_loop3A_674 : vector<1x16xf32> to vector<16xf32>
        %parallel_loop3A_676 = math.absf %parallel_loop3A_675 : vector<16xf32>
        %parallel_loop3A_677 = arith.index_cast %parallel_loop3A_643 : i32 to index
        %parallel_loop3A_678 = arith.constant 80 : index
        %parallel_loop3A_679 = tpu.vector_load %arg5[%parallel_loop3A_677, %parallel_loop3A_678] {strides = array<i32>} : memref<256x128xf32, #tpu.memory_space<vmem>>, vector<1x16xf32>,
        %parallel_loop3A_680 = vector.shape_cast %parallel_loop3A_679 : vector<1x16xf32> to vector<16xf32>
        %parallel_loop3A_681 = math.absf %parallel_loop3A_680 : vector<16xf32>
        %parallel_loop3A_682 = arith.index_cast %parallel_loop3A_643 : i32 to index
        %parallel_loop3A_683 = arith.constant 96 : index
        %parallel_loop3A_684 = tpu.vector_load %arg5[%parallel_loop3A_682, %parallel_loop3A_683] {strides = array<i32>} : memref<256x128xf32, #tpu.memory_space<vmem>>, vector<1x16xf32>,
        %parallel_loop3A_685 = vector.shape_cast %parallel_loop3A_684 : vector<1x16xf32> to vector<16xf32>
        %parallel_loop3A_686 = math.absf %parallel_loop3A_685 : vector<16xf32>
        %parallel_loop3A_687 = arith.index_cast %parallel_loop3A_643 : i32 to index
        %parallel_loop3A_688 = arith.constant 112 : index
        %parallel_loop3A_689 = tpu.vector_load %arg5[%parallel_loop3A_687, %parallel_loop3A_688] {strides = array<i32>} : memref<256x128xf32, #tpu.memory_space<vmem>>, vector<1x16xf32>,
        %parallel_loop3A_690 = vector.shape_cast %parallel_loop3A_689 : vector<1x16xf32> to vector<16xf32>
        %parallel_loop3A_691 = math.absf %parallel_loop3A_690 : vector<16xf32>
        %parallel_loop3A_692 = arith.maximumf %parallel_loop3A_644, %parallel_loop3A_656 : vector<16xf32>
        %parallel_loop3A_693 = arith.maximumf %parallel_loop3A_645, %parallel_loop3A_661 : vector<16xf32>
        %parallel_loop3A_694 = arith.maximumf %parallel_loop3A_646, %parallel_loop3A_666 : vector<16xf32>
        %parallel_loop3A_695 = arith.maximumf %parallel_loop3A_647, %parallel_loop3A_671 : vector<16xf32>
        %parallel_loop3A_696 = arith.maximumf %parallel_loop3A_648, %parallel_loop3A_676 : vector<16xf32>
        %parallel_loop3A_697 = arith.maximumf %parallel_loop3A_649, %parallel_loop3A_681 : vector<16xf32>
        %parallel_loop3A_698 = arith.maximumf %parallel_loop3A_650, %parallel_loop3A_686 : vector<16xf32>
        %parallel_loop3A_699 = arith.maximumf %parallel_loop3A_651, %parallel_loop3A_691 : vector<16xf32>
        scf.yield %parallel_loop3A_692, %parallel_loop3A_693, %parallel_loop3A_694, %parallel_loop3A_695, %parallel_loop3A_696, %parallel_loop3A_697, %parallel_loop3A_698, %parallel_loop3A_699 : vector<16xf32>, vector<16xf32>, vector<16xf32>, vector<16xf32>, vector<16xf32>, vector<16xf32>, vector<16xf32>, vector<16xf32>
      } {sc.loop_unroll_factor = 1 : i64, sc.parallel_access}
      %rem3A_184 = arith.constant 16 : i32
      %rem3A_185 = arith.remsi %add3A_9, %rem3A_184 : i32
      %div3A_186 = arith.constant 16 : i32
      %div3A_187 = arith.divsi %add3A_9, %div3A_186 : i32
      %mul3A_188 = arith.constant 2048 : i32
      %mul3A_189 = arith.muli %rem3A_185, %mul3A_188 : i32
      %add3A_190 = arith.constant 1792 : i32
      %add3A_191 = arith.addi %mul3A_189, %add3A_190 : i32
      %mul3A_192 = arith.constant 128 : i32
      %mul3A_193 = arith.muli %div3A_187, %mul3A_192 : i32
      %dma_start3A_194 = tpu.memref_slice %arg2[%add3A_191, %mul3A_193] : memref<32768x512xf32, #tpu.memory_space<hbm>> -> memref<256x128xf32, #tpu.memory_space<hbm>>
      %dma_start3A_195 = tpu.memref_slice %arg2[%add3A_191, %mul3A_193] : memref<32768x512xf32, #tpu.memory_space<hbm>> -> memref<256x128xf32, #tpu.memory_space<hbm>>
      tpu.enqueue_dma source(%dma_start3A_195 : memref<256x128xf32, #tpu.memory_space<hbm>>) target(%arg5 : memref<256x128xf32, #tpu.memory_space<vmem>>) target_semaphore(%arg8 : memref<!tpu.dma_semaphore, #tpu.memory_space<semaphore_mem>>)
      %rem3A_196 = arith.constant 16 : i32
      %rem3A_197 = arith.remsi %add3A_9, %rem3A_196 : i32
      %div3A_198 = arith.constant 16 : i32
      %div3A_199 = arith.divsi %add3A_9, %div3A_198 : i32
      %mul3A_200 = arith.constant 2048 : i32
      %mul3A_201 = arith.muli %rem3A_197, %mul3A_200 : i32
      %add3A_202 = arith.constant 1280 : i32
      %add3A_203 = arith.addi %mul3A_201, %add3A_202 : i32
      %mul3A_204 = arith.constant 128 : i32
      %mul3A_205 = arith.muli %div3A_199, %mul3A_204 : i32
      %dma_wait3A_206 = tpu.memref_slice %arg2[%add3A_203, %mul3A_205] : memref<32768x512xf32, #tpu.memory_space<hbm>> -> memref<256x128xf32, #tpu.memory_space<hbm>>
      %dma_wait3A_207 = tpu.memref_slice %arg2[%add3A_203, %mul3A_205] : memref<32768x512xf32, #tpu.memory_space<hbm>> -> memref<256x128xf32, #tpu.memory_space<hbm>>
      tpu.wait_dma2 semaphore(%arg9 : memref<!tpu.dma_semaphore, #tpu.memory_space<semaphore_mem>>) src(%dma_wait3A_207 : memref<256x128xf32, #tpu.memory_space<hbm>>) dst(%arg6 : memref<256x128xf32, #tpu.memory_space<vmem>>)
      %parallel_loop3A_208 = arith.constant 0 : i32
      %parallel_loop3A_209 = arith.constant 256 : i32
      %parallel_loop3A_210 = arith.constant 1 : i32
      %parallel_loop3A_211:8 = scf.for %parallel_loop3A_643 = %parallel_loop3A_208 to %parallel_loop3A_209 step %parallel_loop3A_210 iter_args(%parallel_loop3A_644 = %parallel_loop3A_183#0, %parallel_loop3A_645 = %parallel_loop3A_183#1, %parallel_loop3A_646 = %parallel_loop3A_183#2, %parallel_loop3A_647 = %parallel_loop3A_183#3, %parallel_loop3A_648 = %parallel_loop3A_183#4, %parallel_loop3A_649 = %parallel_loop3A_183#5, %parallel_loop3A_650 = %parallel_loop3A_183#6, %parallel_loop3A_651 = %parallel_loop3A_183#7) -> (vector<16xf32>, vector<16xf32>, vector<16xf32>, vector<16xf32>, vector<16xf32>, vector<16xf32>, vector<16xf32>, vector<16xf32>)  : i32 {
        %parallel_loop3A_652 = arith.index_cast %parallel_loop3A_643 : i32 to index
        %parallel_loop3A_653 = arith.constant 0 : index
        %parallel_loop3A_654 = tpu.vector_load %arg6[%parallel_loop3A_652, %parallel_loop3A_653] {strides = array<i32>} : memref<256x128xf32, #tpu.memory_space<vmem>>, vector<1x16xf32>,
        %parallel_loop3A_655 = vector.shape_cast %parallel_loop3A_654 : vector<1x16xf32> to vector<16xf32>
        %parallel_loop3A_656 = math.absf %parallel_loop3A_655 : vector<16xf32>
        %parallel_loop3A_657 = arith.index_cast %parallel_loop3A_643 : i32 to index
        %parallel_loop3A_658 = arith.constant 16 : index
        %parallel_loop3A_659 = tpu.vector_load %arg6[%parallel_loop3A_657, %parallel_loop3A_658] {strides = array<i32>} : memref<256x128xf32, #tpu.memory_space<vmem>>, vector<1x16xf32>,
        %parallel_loop3A_660 = vector.shape_cast %parallel_loop3A_659 : vector<1x16xf32> to vector<16xf32>
        %parallel_loop3A_661 = math.absf %parallel_loop3A_660 : vector<16xf32>
        %parallel_loop3A_662 = arith.index_cast %parallel_loop3A_643 : i32 to index
        %parallel_loop3A_663 = arith.constant 32 : index
        %parallel_loop3A_664 = tpu.vector_load %arg6[%parallel_loop3A_662, %parallel_loop3A_663] {strides = array<i32>} : memref<256x128xf32, #tpu.memory_space<vmem>>, vector<1x16xf32>,
        %parallel_loop3A_665 = vector.shape_cast %parallel_loop3A_664 : vector<1x16xf32> to vector<16xf32>
        %parallel_loop3A_666 = math.absf %parallel_loop3A_665 : vector<16xf32>
        %parallel_loop3A_667 = arith.index_cast %parallel_loop3A_643 : i32 to index
        %parallel_loop3A_668 = arith.constant 48 : index
        %parallel_loop3A_669 = tpu.vector_load %arg6[%parallel_loop3A_667, %parallel_loop3A_668] {strides = array<i32>} : memref<256x128xf32, #tpu.memory_space<vmem>>, vector<1x16xf32>,
        %parallel_loop3A_670 = vector.shape_cast %parallel_loop3A_669 : vector<1x16xf32> to vector<16xf32>
        %parallel_loop3A_671 = math.absf %parallel_loop3A_670 : vector<16xf32>
        %parallel_loop3A_672 = arith.index_cast %parallel_loop3A_643 : i32 to index
        %parallel_loop3A_673 = arith.constant 64 : index
        %parallel_loop3A_674 = tpu.vector_load %arg6[%parallel_loop3A_672, %parallel_loop3A_673] {strides = array<i32>} : memref<256x128xf32, #tpu.memory_space<vmem>>, vector<1x16xf32>,
        %parallel_loop3A_675 = vector.shape_cast %parallel_loop3A_674 : vector<1x16xf32> to vector<16xf32>
        %parallel_loop3A_676 = math.absf %parallel_loop3A_675 : vector<16xf32>
        %parallel_loop3A_677 = arith.index_cast %parallel_loop3A_643 : i32 to index
        %parallel_loop3A_678 = arith.constant 80 : index
        %parallel_loop3A_679 = tpu.vector_load %arg6[%parallel_loop3A_677, %parallel_loop3A_678] {strides = array<i32>} : memref<256x128xf32, #tpu.memory_space<vmem>>, vector<1x16xf32>,
        %parallel_loop3A_680 = vector.shape_cast %parallel_loop3A_679 : vector<1x16xf32> to vector<16xf32>
        %parallel_loop3A_681 = math.absf %parallel_loop3A_680 : vector<16xf32>
        %parallel_loop3A_682 = arith.index_cast %parallel_loop3A_643 : i32 to index
        %parallel_loop3A_683 = arith.constant 96 : index
        %parallel_loop3A_684 = tpu.vector_load %arg6[%parallel_loop3A_682, %parallel_loop3A_683] {strides = array<i32>} : memref<256x128xf32, #tpu.memory_space<vmem>>, vector<1x16xf32>,
        %parallel_loop3A_685 = vector.shape_cast %parallel_loop3A_684 : vector<1x16xf32> to vector<16xf32>
        %parallel_loop3A_686 = math.absf %parallel_loop3A_685 : vector<16xf32>
        %parallel_loop3A_687 = arith.index_cast %parallel_loop3A_643 : i32 to index
        %parallel_loop3A_688 = arith.constant 112 : index
        %parallel_loop3A_689 = tpu.vector_load %arg6[%parallel_loop3A_687, %parallel_loop3A_688] {strides = array<i32>} : memref<256x128xf32, #tpu.memory_space<vmem>>, vector<1x16xf32>,
        %parallel_loop3A_690 = vector.shape_cast %parallel_loop3A_689 : vector<1x16xf32> to vector<16xf32>
        %parallel_loop3A_691 = math.absf %parallel_loop3A_690 : vector<16xf32>
        %parallel_loop3A_692 = arith.maximumf %parallel_loop3A_644, %parallel_loop3A_656 : vector<16xf32>
        %parallel_loop3A_693 = arith.maximumf %parallel_loop3A_645, %parallel_loop3A_661 : vector<16xf32>
        %parallel_loop3A_694 = arith.maximumf %parallel_loop3A_646, %parallel_loop3A_666 : vector<16xf32>
        %parallel_loop3A_695 = arith.maximumf %parallel_loop3A_647, %parallel_loop3A_671 : vector<16xf32>
        %parallel_loop3A_696 = arith.maximumf %parallel_loop3A_648, %parallel_loop3A_676 : vector<16xf32>
        %parallel_loop3A_697 = arith.maximumf %parallel_loop3A_649, %parallel_loop3A_681 : vector<16xf32>
        %parallel_loop3A_698 = arith.maximumf %parallel_loop3A_650, %parallel_loop3A_686 : vector<16xf32>
        %parallel_loop3A_699 = arith.maximumf %parallel_loop3A_651, %parallel_loop3A_691 : vector<16xf32>
        scf.yield %parallel_loop3A_692, %parallel_loop3A_693, %parallel_loop3A_694, %parallel_loop3A_695, %parallel_loop3A_696, %parallel_loop3A_697, %parallel_loop3A_698, %parallel_loop3A_699 : vector<16xf32>, vector<16xf32>, vector<16xf32>, vector<16xf32>, vector<16xf32>, vector<16xf32>, vector<16xf32>, vector<16xf32>
      } {sc.loop_unroll_factor = 1 : i64, sc.parallel_access}
      %rem3A_212 = arith.constant 16 : i32
      %rem3A_213 = arith.remsi %add3A_9, %rem3A_212 : i32
      %div3A_214 = arith.constant 16 : i32
      %div3A_215 = arith.divsi %add3A_9, %div3A_214 : i32
      %mul3A_216 = arith.constant 2048 : i32
      %mul3A_217 = arith.muli %rem3A_213, %mul3A_216 : i32
      %add3A_218 = arith.constant 1536 : i32
      %add3A_219 = arith.addi %mul3A_217, %add3A_218 : i32
      %mul3A_220 = arith.constant 128 : i32
      %mul3A_221 = arith.muli %div3A_215, %mul3A_220 : i32
      %dma_wait3A_222 = tpu.memref_slice %arg2[%add3A_219, %mul3A_221] : memref<32768x512xf32, #tpu.memory_space<hbm>> -> memref<256x128xf32, #tpu.memory_space<hbm>>
      %dma_wait3A_223 = tpu.memref_slice %arg2[%add3A_219, %mul3A_221] : memref<32768x512xf32, #tpu.memory_space<hbm>> -> memref<256x128xf32, #tpu.memory_space<hbm>>
      tpu.wait_dma2 semaphore(%arg7 : memref<!tpu.dma_semaphore, #tpu.memory_space<semaphore_mem>>) src(%dma_wait3A_223 : memref<256x128xf32, #tpu.memory_space<hbm>>) dst(%arg4 : memref<256x128xf32, #tpu.memory_space<vmem>>)
      %parallel_loop3A_224 = arith.constant 0 : i32
      %parallel_loop3A_225 = arith.constant 256 : i32
      %parallel_loop3A_226 = arith.constant 1 : i32
      %parallel_loop3A_227:8 = scf.for %parallel_loop3A_643 = %parallel_loop3A_224 to %parallel_loop3A_225 step %parallel_loop3A_226 iter_args(%parallel_loop3A_644 = %parallel_loop3A_211#0, %parallel_loop3A_645 = %parallel_loop3A_211#1, %parallel_loop3A_646 = %parallel_loop3A_211#2, %parallel_loop3A_647 = %parallel_loop3A_211#3, %parallel_loop3A_648 = %parallel_loop3A_211#4, %parallel_loop3A_649 = %parallel_loop3A_211#5, %parallel_loop3A_650 = %parallel_loop3A_211#6, %parallel_loop3A_651 = %parallel_loop3A_211#7) -> (vector<16xf32>, vector<16xf32>, vector<16xf32>, vector<16xf32>, vector<16xf32>, vector<16xf32>, vector<16xf32>, vector<16xf32>)  : i32 {
        %parallel_loop3A_652 = arith.index_cast %parallel_loop3A_643 : i32 to index
        %parallel_loop3A_653 = arith.constant 0 : index
        %parallel_loop3A_654 = tpu.vector_load %arg4[%parallel_loop3A_652, %parallel_loop3A_653] {strides = array<i32>} : memref<256x128xf32, #tpu.memory_space<vmem>>, vector<1x16xf32>,
        %parallel_loop3A_655 = vector.shape_cast %parallel_loop3A_654 : vector<1x16xf32> to vector<16xf32>
        %parallel_loop3A_656 = math.absf %parallel_loop3A_655 : vector<16xf32>
        %parallel_loop3A_657 = arith.index_cast %parallel_loop3A_643 : i32 to index
        %parallel_loop3A_658 = arith.constant 16 : index
        %parallel_loop3A_659 = tpu.vector_load %arg4[%parallel_loop3A_657, %parallel_loop3A_658] {strides = array<i32>} : memref<256x128xf32, #tpu.memory_space<vmem>>, vector<1x16xf32>,
        %parallel_loop3A_660 = vector.shape_cast %parallel_loop3A_659 : vector<1x16xf32> to vector<16xf32>
        %parallel_loop3A_661 = math.absf %parallel_loop3A_660 : vector<16xf32>
        %parallel_loop3A_662 = arith.index_cast %parallel_loop3A_643 : i32 to index
        %parallel_loop3A_663 = arith.constant 32 : index
        %parallel_loop3A_664 = tpu.vector_load %arg4[%parallel_loop3A_662, %parallel_loop3A_663] {strides = array<i32>} : memref<256x128xf32, #tpu.memory_space<vmem>>, vector<1x16xf32>,
        %parallel_loop3A_665 = vector.shape_cast %parallel_loop3A_664 : vector<1x16xf32> to vector<16xf32>
        %parallel_loop3A_666 = math.absf %parallel_loop3A_665 : vector<16xf32>
        %parallel_loop3A_667 = arith.index_cast %parallel_loop3A_643 : i32 to index
        %parallel_loop3A_668 = arith.constant 48 : index
        %parallel_loop3A_669 = tpu.vector_load %arg4[%parallel_loop3A_667, %parallel_loop3A_668] {strides = array<i32>} : memref<256x128xf32, #tpu.memory_space<vmem>>, vector<1x16xf32>,
        %parallel_loop3A_670 = vector.shape_cast %parallel_loop3A_669 : vector<1x16xf32> to vector<16xf32>
        %parallel_loop3A_671 = math.absf %parallel_loop3A_670 : vector<16xf32>
        %parallel_loop3A_672 = arith.index_cast %parallel_loop3A_643 : i32 to index
        %parallel_loop3A_673 = arith.constant 64 : index
        %parallel_loop3A_674 = tpu.vector_load %arg4[%parallel_loop3A_672, %parallel_loop3A_673] {strides = array<i32>} : memref<256x128xf32, #tpu.memory_space<vmem>>, vector<1x16xf32>,
        %parallel_loop3A_675 = vector.shape_cast %parallel_loop3A_674 : vector<1x16xf32> to vector<16xf32>
        %parallel_loop3A_676 = math.absf %parallel_loop3A_675 : vector<16xf32>
        %parallel_loop3A_677 = arith.index_cast %parallel_loop3A_643 : i32 to index
        %parallel_loop3A_678 = arith.constant 80 : index
        %parallel_loop3A_679 = tpu.vector_load %arg4[%parallel_loop3A_677, %parallel_loop3A_678] {strides = array<i32>} : memref<256x128xf32, #tpu.memory_space<vmem>>, vector<1x16xf32>,
        %parallel_loop3A_680 = vector.shape_cast %parallel_loop3A_679 : vector<1x16xf32> to vector<16xf32>
        %parallel_loop3A_681 = math.absf %parallel_loop3A_680 : vector<16xf32>
        %parallel_loop3A_682 = arith.index_cast %parallel_loop3A_643 : i32 to index
        %parallel_loop3A_683 = arith.constant 96 : index
        %parallel_loop3A_684 = tpu.vector_load %arg4[%parallel_loop3A_682, %parallel_loop3A_683] {strides = array<i32>} : memref<256x128xf32, #tpu.memory_space<vmem>>, vector<1x16xf32>,
        %parallel_loop3A_685 = vector.shape_cast %parallel_loop3A_684 : vector<1x16xf32> to vector<16xf32>
        %parallel_loop3A_686 = math.absf %parallel_loop3A_685 : vector<16xf32>
        %parallel_loop3A_687 = arith.index_cast %parallel_loop3A_643 : i32 to index
        %parallel_loop3A_688 = arith.constant 112 : index
        %parallel_loop3A_689 = tpu.vector_load %arg4[%parallel_loop3A_687, %parallel_loop3A_688] {strides = array<i32>} : memref<256x128xf32, #tpu.memory_space<vmem>>, vector<1x16xf32>,
        %parallel_loop3A_690 = vector.shape_cast %parallel_loop3A_689 : vector<1x16xf32> to vector<16xf32>
        %parallel_loop3A_691 = math.absf %parallel_loop3A_690 : vector<16xf32>
        %parallel_loop3A_692 = arith.maximumf %parallel_loop3A_644, %parallel_loop3A_656 : vector<16xf32>
        %parallel_loop3A_693 = arith.maximumf %parallel_loop3A_645, %parallel_loop3A_661 : vector<16xf32>
        %parallel_loop3A_694 = arith.maximumf %parallel_loop3A_646, %parallel_loop3A_666 : vector<16xf32>
        %parallel_loop3A_695 = arith.maximumf %parallel_loop3A_647, %parallel_loop3A_671 : vector<16xf32>
        %parallel_loop3A_696 = arith.maximumf %parallel_loop3A_648, %parallel_loop3A_676 : vector<16xf32>
        %parallel_loop3A_697 = arith.maximumf %parallel_loop3A_649, %parallel_loop3A_681 : vector<16xf32>
        %parallel_loop3A_698 = arith.maximumf %parallel_loop3A_650, %parallel_loop3A_686 : vector<16xf32>
        %parallel_loop3A_699 = arith.maximumf %parallel_loop3A_651, %parallel_loop3A_691 : vector<16xf32>
        scf.yield %parallel_loop3A_692, %parallel_loop3A_693, %parallel_loop3A_694, %parallel_loop3A_695, %parallel_loop3A_696, %parallel_loop3A_697, %parallel_loop3A_698, %parallel_loop3A_699 : vector<16xf32>, vector<16xf32>, vector<16xf32>, vector<16xf32>, vector<16xf32>, vector<16xf32>, vector<16xf32>, vector<16xf32>
      } {sc.loop_unroll_factor = 1 : i64, sc.parallel_access}
      %rem3A_228 = arith.constant 16 : i32
      %rem3A_229 = arith.remsi %add3A_9, %rem3A_228 : i32
      %div3A_230 = arith.constant 16 : i32
      %div3A_231 = arith.divsi %add3A_9, %div3A_230 : i32
      %mul3A_232 = arith.constant 2048 : i32
      %mul3A_233 = arith.muli %rem3A_229, %mul3A_232 : i32
      %add3A_234 = arith.constant 1792 : i32
      %add3A_235 = arith.addi %mul3A_233, %add3A_234 : i32
      %mul3A_236 = arith.constant 128 : i32
      %mul3A_237 = arith.muli %div3A_231, %mul3A_236 : i32
      %dma_wait3A_238 = tpu.memref_slice %arg2[%add3A_235, %mul3A_237] : memref<32768x512xf32, #tpu.memory_space<hbm>> -> memref<256x128xf32, #tpu.memory_space<hbm>>
      %dma_wait3A_239 = tpu.memref_slice %arg2[%add3A_235, %mul3A_237] : memref<32768x512xf32, #tpu.memory_space<hbm>> -> memref<256x128xf32, #tpu.memory_space<hbm>>
      tpu.wait_dma2 semaphore(%arg8 : memref<!tpu.dma_semaphore, #tpu.memory_space<semaphore_mem>>) src(%dma_wait3A_239 : memref<256x128xf32, #tpu.memory_space<hbm>>) dst(%arg5 : memref<256x128xf32, #tpu.memory_space<vmem>>)
      %parallel_loop3A_240 = arith.constant 0 : i32
      %parallel_loop3A_241 = arith.constant 256 : i32
      %parallel_loop3A_242 = arith.constant 1 : i32
      %parallel_loop3A_243:8 = scf.for %parallel_loop3A_643 = %parallel_loop3A_240 to %parallel_loop3A_241 step %parallel_loop3A_242 iter_args(%parallel_loop3A_644 = %parallel_loop3A_227#0, %parallel_loop3A_645 = %parallel_loop3A_227#1, %parallel_loop3A_646 = %parallel_loop3A_227#2, %parallel_loop3A_647 = %parallel_loop3A_227#3, %parallel_loop3A_648 = %parallel_loop3A_227#4, %parallel_loop3A_649 = %parallel_loop3A_227#5, %parallel_loop3A_650 = %parallel_loop3A_227#6, %parallel_loop3A_651 = %parallel_loop3A_227#7) -> (vector<16xf32>, vector<16xf32>, vector<16xf32>, vector<16xf32>, vector<16xf32>, vector<16xf32>, vector<16xf32>, vector<16xf32>)  : i32 {
        %parallel_loop3A_652 = arith.index_cast %parallel_loop3A_643 : i32 to index
        %parallel_loop3A_653 = arith.constant 0 : index
        %parallel_loop3A_654 = tpu.vector_load %arg5[%parallel_loop3A_652, %parallel_loop3A_653] {strides = array<i32>} : memref<256x128xf32, #tpu.memory_space<vmem>>, vector<1x16xf32>,
        %parallel_loop3A_655 = vector.shape_cast %parallel_loop3A_654 : vector<1x16xf32> to vector<16xf32>
        %parallel_loop3A_656 = math.absf %parallel_loop3A_655 : vector<16xf32>
        %parallel_loop3A_657 = arith.index_cast %parallel_loop3A_643 : i32 to index
        %parallel_loop3A_658 = arith.constant 16 : index
        %parallel_loop3A_659 = tpu.vector_load %arg5[%parallel_loop3A_657, %parallel_loop3A_658] {strides = array<i32>} : memref<256x128xf32, #tpu.memory_space<vmem>>, vector<1x16xf32>,
        %parallel_loop3A_660 = vector.shape_cast %parallel_loop3A_659 : vector<1x16xf32> to vector<16xf32>
        %parallel_loop3A_661 = math.absf %parallel_loop3A_660 : vector<16xf32>
        %parallel_loop3A_662 = arith.index_cast %parallel_loop3A_643 : i32 to index
        %parallel_loop3A_663 = arith.constant 32 : index
        %parallel_loop3A_664 = tpu.vector_load %arg5[%parallel_loop3A_662, %parallel_loop3A_663] {strides = array<i32>} : memref<256x128xf32, #tpu.memory_space<vmem>>, vector<1x16xf32>,
        %parallel_loop3A_665 = vector.shape_cast %parallel_loop3A_664 : vector<1x16xf32> to vector<16xf32>
        %parallel_loop3A_666 = math.absf %parallel_loop3A_665 : vector<16xf32>
        %parallel_loop3A_667 = arith.index_cast %parallel_loop3A_643 : i32 to index
        %parallel_loop3A_668 = arith.constant 48 : index
        %parallel_loop3A_669 = tpu.vector_load %arg5[%parallel_loop3A_667, %parallel_loop3A_668] {strides = array<i32>} : memref<256x128xf32, #tpu.memory_space<vmem>>, vector<1x16xf32>,
        %parallel_loop3A_670 = vector.shape_cast %parallel_loop3A_669 : vector<1x16xf32> to vector<16xf32>
        %parallel_loop3A_671 = math.absf %parallel_loop3A_670 : vector<16xf32>
        %parallel_loop3A_672 = arith.index_cast %parallel_loop3A_643 : i32 to index
        %parallel_loop3A_673 = arith.constant 64 : index
        %parallel_loop3A_674 = tpu.vector_load %arg5[%parallel_loop3A_672, %parallel_loop3A_673] {strides = array<i32>} : memref<256x128xf32, #tpu.memory_space<vmem>>, vector<1x16xf32>,
        %parallel_loop3A_675 = vector.shape_cast %parallel_loop3A_674 : vector<1x16xf32> to vector<16xf32>
        %parallel_loop3A_676 = math.absf %parallel_loop3A_675 : vector<16xf32>
        %parallel_loop3A_677 = arith.index_cast %parallel_loop3A_643 : i32 to index
        %parallel_loop3A_678 = arith.constant 80 : index
        %parallel_loop3A_679 = tpu.vector_load %arg5[%parallel_loop3A_677, %parallel_loop3A_678] {strides = array<i32>} : memref<256x128xf32, #tpu.memory_space<vmem>>, vector<1x16xf32>,
        %parallel_loop3A_680 = vector.shape_cast %parallel_loop3A_679 : vector<1x16xf32> to vector<16xf32>
        %parallel_loop3A_681 = math.absf %parallel_loop3A_680 : vector<16xf32>
        %parallel_loop3A_682 = arith.index_cast %parallel_loop3A_643 : i32 to index
        %parallel_loop3A_683 = arith.constant 96 : index
        %parallel_loop3A_684 = tpu.vector_load %arg5[%parallel_loop3A_682, %parallel_loop3A_683] {strides = array<i32>} : memref<256x128xf32, #tpu.memory_space<vmem>>, vector<1x16xf32>,
        %parallel_loop3A_685 = vector.shape_cast %parallel_loop3A_684 : vector<1x16xf32> to vector<16xf32>
        %parallel_loop3A_686 = math.absf %parallel_loop3A_685 : vector<16xf32>
        %parallel_loop3A_687 = arith.index_cast %parallel_loop3A_643 : i32 to index
        %parallel_loop3A_688 = arith.constant 112 : index
        %parallel_loop3A_689 = tpu.vector_load %arg5[%parallel_loop3A_687, %parallel_loop3A_688] {strides = array<i32>} : memref<256x128xf32, #tpu.memory_space<vmem>>, vector<1x16xf32>,
        %parallel_loop3A_690 = vector.shape_cast %parallel_loop3A_689 : vector<1x16xf32> to vector<16xf32>
        %parallel_loop3A_691 = math.absf %parallel_loop3A_690 : vector<16xf32>
        %parallel_loop3A_692 = arith.maximumf %parallel_loop3A_644, %parallel_loop3A_656 : vector<16xf32>
        %parallel_loop3A_693 = arith.maximumf %parallel_loop3A_645, %parallel_loop3A_661 : vector<16xf32>
        %parallel_loop3A_694 = arith.maximumf %parallel_loop3A_646, %parallel_loop3A_666 : vector<16xf32>
        %parallel_loop3A_695 = arith.maximumf %parallel_loop3A_647, %parallel_loop3A_671 : vector<16xf32>
        %parallel_loop3A_696 = arith.maximumf %parallel_loop3A_648, %parallel_loop3A_676 : vector<16xf32>
        %parallel_loop3A_697 = arith.maximumf %parallel_loop3A_649, %parallel_loop3A_681 : vector<16xf32>
        %parallel_loop3A_698 = arith.maximumf %parallel_loop3A_650, %parallel_loop3A_686 : vector<16xf32>
        %parallel_loop3A_699 = arith.maximumf %parallel_loop3A_651, %parallel_loop3A_691 : vector<16xf32>
        scf.yield %parallel_loop3A_692, %parallel_loop3A_693, %parallel_loop3A_694, %parallel_loop3A_695, %parallel_loop3A_696, %parallel_loop3A_697, %parallel_loop3A_698, %parallel_loop3A_699 : vector<16xf32>, vector<16xf32>, vector<16xf32>, vector<16xf32>, vector<16xf32>, vector<16xf32>, vector<16xf32>, vector<16xf32>
      } {sc.loop_unroll_factor = 1 : i64, sc.parallel_access}
      %max3A = arith.constant 9.99999996E-13 : f32
      %max3A_244 = vector.broadcast %max3A : f32 to vector<16xf32>
      %max3A_245 = arith.maximumf %parallel_loop3A_243#0, %max3A_244 : vector<16xf32>
      %div3A_246 = arith.constant 1.000000e+00 : f32
      %div3A_247 = vector.broadcast %div3A_246 : f32 to vector<16xf32>
      %div3A_248 = arith.divf %div3A_247, %max3A_245 : vector<16xf32>
      %max3A_249 = arith.constant 9.99999996E-13 : f32
      %max3A_250 = vector.broadcast %max3A_249 : f32 to vector<16xf32>
      %max3A_251 = arith.maximumf %parallel_loop3A_243#1, %max3A_250 : vector<16xf32>
      %div3A_252 = arith.constant 1.000000e+00 : f32
      %div3A_253 = vector.broadcast %div3A_252 : f32 to vector<16xf32>
      %div3A_254 = arith.divf %div3A_253, %max3A_251 : vector<16xf32>
      %max3A_255 = arith.constant 9.99999996E-13 : f32
      %max3A_256 = vector.broadcast %max3A_255 : f32 to vector<16xf32>
      %max3A_257 = arith.maximumf %parallel_loop3A_243#2, %max3A_256 : vector<16xf32>
      %div3A_258 = arith.constant 1.000000e+00 : f32
      %div3A_259 = vector.broadcast %div3A_258 : f32 to vector<16xf32>
      %div3A_260 = arith.divf %div3A_259, %max3A_257 : vector<16xf32>
      %max3A_261 = arith.constant 9.99999996E-13 : f32
      %max3A_262 = vector.broadcast %max3A_261 : f32 to vector<16xf32>
      %max3A_263 = arith.maximumf %parallel_loop3A_243#3, %max3A_262 : vector<16xf32>
      %div3A_264 = arith.constant 1.000000e+00 : f32
      %div3A_265 = vector.broadcast %div3A_264 : f32 to vector<16xf32>
      %div3A_266 = arith.divf %div3A_265, %max3A_263 : vector<16xf32>
      %max3A_267 = arith.constant 9.99999996E-13 : f32
      %max3A_268 = vector.broadcast %max3A_267 : f32 to vector<16xf32>
      %max3A_269 = arith.maximumf %parallel_loop3A_243#4, %max3A_268 : vector<16xf32>
      %div3A_270 = arith.constant 1.000000e+00 : f32
      %div3A_271 = vector.broadcast %div3A_270 : f32 to vector<16xf32>
      %div3A_272 = arith.divf %div3A_271, %max3A_269 : vector<16xf32>
      %max3A_273 = arith.constant 9.99999996E-13 : f32
      %max3A_274 = vector.broadcast %max3A_273 : f32 to vector<16xf32>
      %max3A_275 = arith.maximumf %parallel_loop3A_243#5, %max3A_274 : vector<16xf32>
      %div3A_276 = arith.constant 1.000000e+00 : f32
      %div3A_277 = vector.broadcast %div3A_276 : f32 to vector<16xf32>
      %div3A_278 = arith.divf %div3A_277, %max3A_275 : vector<16xf32>
      %max3A_279 = arith.constant 9.99999996E-13 : f32
      %max3A_280 = vector.broadcast %max3A_279 : f32 to vector<16xf32>
      %max3A_281 = arith.maximumf %parallel_loop3A_243#6, %max3A_280 : vector<16xf32>
      %div3A_282 = arith.constant 1.000000e+00 : f32
      %div3A_283 = vector.broadcast %div3A_282 : f32 to vector<16xf32>
      %div3A_284 = arith.divf %div3A_283, %max3A_281 : vector<16xf32>
      %max3A_285 = arith.constant 9.99999996E-13 : f32
      %max3A_286 = vector.broadcast %max3A_285 : f32 to vector<16xf32>
      %max3A_287 = arith.maximumf %parallel_loop3A_243#7, %max3A_286 : vector<16xf32>
      %div3A_288 = arith.constant 1.000000e+00 : f32
      %div3A_289 = vector.broadcast %div3A_288 : f32 to vector<16xf32>
      %div3A_290 = arith.divf %div3A_289, %max3A_287 : vector<16xf32>
      %parallel_loop3A_291 = arith.constant 0 : i32
      %parallel_loop3A_292 = arith.constant 256 : i32
      %parallel_loop3A_293 = arith.constant 1 : i32
      scf.for %parallel_loop3A_643 = %parallel_loop3A_291 to %parallel_loop3A_292 step %parallel_loop3A_293  : i32 {
        %parallel_loop3A_644 = arith.index_cast %parallel_loop3A_643 : i32 to index
        %parallel_loop3A_645 = arith.constant 0 : index
        %parallel_loop3A_646 = tpu.vector_load %arg6[%parallel_loop3A_644, %parallel_loop3A_645] {strides = array<i32>} : memref<256x128xf32, #tpu.memory_space<vmem>>, vector<1x16xf32>,
        %parallel_loop3A_647 = vector.shape_cast %parallel_loop3A_646 : vector<1x16xf32> to vector<16xf32>
        %parallel_loop3A_648 = arith.mulf %parallel_loop3A_647, %div3A_248 : vector<16xf32>
        %parallel_loop3A_649 = arith.index_cast %parallel_loop3A_643 : i32 to index
        %parallel_loop3A_650 = arith.constant 0 : index
        %parallel_loop3A_651 = tpu.vector_load %arg6[%parallel_loop3A_649, %parallel_loop3A_650] {strides = array<i32>} : memref<256x128xf32, #tpu.memory_space<vmem>>, vector<1x16xf32>,
        %parallel_loop3A_652 = vector.shape_cast %parallel_loop3A_651 : vector<1x16xf32> to vector<16xf32>
        %parallel_loop3A_653 = vector.shape_cast %parallel_loop3A_648 : vector<16xf32> to vector<1x16xf32>
        tpu.vector_store %arg6[%parallel_loop3A_649, %parallel_loop3A_650], %parallel_loop3A_653 {strides = array<i32>} : memref<256x128xf32, #tpu.memory_space<vmem>>, vector<1x16xf32>,
        %parallel_loop3A_654 = arith.index_cast %parallel_loop3A_643 : i32 to index
        %parallel_loop3A_655 = arith.constant 16 : index
        %parallel_loop3A_656 = tpu.vector_load %arg6[%parallel_loop3A_654, %parallel_loop3A_655] {strides = array<i32>} : memref<256x128xf32, #tpu.memory_space<vmem>>, vector<1x16xf32>,
        %parallel_loop3A_657 = vector.shape_cast %parallel_loop3A_656 : vector<1x16xf32> to vector<16xf32>
        %parallel_loop3A_658 = arith.mulf %parallel_loop3A_657, %div3A_254 : vector<16xf32>
        %parallel_loop3A_659 = arith.index_cast %parallel_loop3A_643 : i32 to index
        %parallel_loop3A_660 = arith.constant 16 : index
        %parallel_loop3A_661 = tpu.vector_load %arg6[%parallel_loop3A_659, %parallel_loop3A_660] {strides = array<i32>} : memref<256x128xf32, #tpu.memory_space<vmem>>, vector<1x16xf32>,
        %parallel_loop3A_662 = vector.shape_cast %parallel_loop3A_661 : vector<1x16xf32> to vector<16xf32>
        %parallel_loop3A_663 = vector.shape_cast %parallel_loop3A_658 : vector<16xf32> to vector<1x16xf32>
        tpu.vector_store %arg6[%parallel_loop3A_659, %parallel_loop3A_660], %parallel_loop3A_663 {strides = array<i32>} : memref<256x128xf32, #tpu.memory_space<vmem>>, vector<1x16xf32>,
        %parallel_loop3A_664 = arith.index_cast %parallel_loop3A_643 : i32 to index
        %parallel_loop3A_665 = arith.constant 32 : index
        %parallel_loop3A_666 = tpu.vector_load %arg6[%parallel_loop3A_664, %parallel_loop3A_665] {strides = array<i32>} : memref<256x128xf32, #tpu.memory_space<vmem>>, vector<1x16xf32>,
        %parallel_loop3A_667 = vector.shape_cast %parallel_loop3A_666 : vector<1x16xf32> to vector<16xf32>
        %parallel_loop3A_668 = arith.mulf %parallel_loop3A_667, %div3A_260 : vector<16xf32>
        %parallel_loop3A_669 = arith.index_cast %parallel_loop3A_643 : i32 to index
        %parallel_loop3A_670 = arith.constant 32 : index
        %parallel_loop3A_671 = tpu.vector_load %arg6[%parallel_loop3A_669, %parallel_loop3A_670] {strides = array<i32>} : memref<256x128xf32, #tpu.memory_space<vmem>>, vector<1x16xf32>,
        %parallel_loop3A_672 = vector.shape_cast %parallel_loop3A_671 : vector<1x16xf32> to vector<16xf32>
        %parallel_loop3A_673 = vector.shape_cast %parallel_loop3A_668 : vector<16xf32> to vector<1x16xf32>
        tpu.vector_store %arg6[%parallel_loop3A_669, %parallel_loop3A_670], %parallel_loop3A_673 {strides = array<i32>} : memref<256x128xf32, #tpu.memory_space<vmem>>, vector<1x16xf32>,
        %parallel_loop3A_674 = arith.index_cast %parallel_loop3A_643 : i32 to index
        %parallel_loop3A_675 = arith.constant 48 : index
        %parallel_loop3A_676 = tpu.vector_load %arg6[%parallel_loop3A_674, %parallel_loop3A_675] {strides = array<i32>} : memref<256x128xf32, #tpu.memory_space<vmem>>, vector<1x16xf32>,
        %parallel_loop3A_677 = vector.shape_cast %parallel_loop3A_676 : vector<1x16xf32> to vector<16xf32>
        %parallel_loop3A_678 = arith.mulf %parallel_loop3A_677, %div3A_266 : vector<16xf32>
        %parallel_loop3A_679 = arith.index_cast %parallel_loop3A_643 : i32 to index
        %parallel_loop3A_680 = arith.constant 48 : index
        %parallel_loop3A_681 = tpu.vector_load %arg6[%parallel_loop3A_679, %parallel_loop3A_680] {strides = array<i32>} : memref<256x128xf32, #tpu.memory_space<vmem>>, vector<1x16xf32>,
        %parallel_loop3A_682 = vector.shape_cast %parallel_loop3A_681 : vector<1x16xf32> to vector<16xf32>
        %parallel_loop3A_683 = vector.shape_cast %parallel_loop3A_678 : vector<16xf32> to vector<1x16xf32>
        tpu.vector_store %arg6[%parallel_loop3A_679, %parallel_loop3A_680], %parallel_loop3A_683 {strides = array<i32>} : memref<256x128xf32, #tpu.memory_space<vmem>>, vector<1x16xf32>,
        %parallel_loop3A_684 = arith.index_cast %parallel_loop3A_643 : i32 to index
        %parallel_loop3A_685 = arith.constant 64 : index
        %parallel_loop3A_686 = tpu.vector_load %arg6[%parallel_loop3A_684, %parallel_loop3A_685] {strides = array<i32>} : memref<256x128xf32, #tpu.memory_space<vmem>>, vector<1x16xf32>,
        %parallel_loop3A_687 = vector.shape_cast %parallel_loop3A_686 : vector<1x16xf32> to vector<16xf32>
        %parallel_loop3A_688 = arith.mulf %parallel_loop3A_687, %div3A_272 : vector<16xf32>
        %parallel_loop3A_689 = arith.index_cast %parallel_loop3A_643 : i32 to index
        %parallel_loop3A_690 = arith.constant 64 : index
        %parallel_loop3A_691 = tpu.vector_load %arg6[%parallel_loop3A_689, %parallel_loop3A_690] {strides = array<i32>} : memref<256x128xf32, #tpu.memory_space<vmem>>, vector<1x16xf32>,
        %parallel_loop3A_692 = vector.shape_cast %parallel_loop3A_691 : vector<1x16xf32> to vector<16xf32>
        %parallel_loop3A_693 = vector.shape_cast %parallel_loop3A_688 : vector<16xf32> to vector<1x16xf32>
        tpu.vector_store %arg6[%parallel_loop3A_689, %parallel_loop3A_690], %parallel_loop3A_693 {strides = array<i32>} : memref<256x128xf32, #tpu.memory_space<vmem>>, vector<1x16xf32>,
        %parallel_loop3A_694 = arith.index_cast %parallel_loop3A_643 : i32 to index
        %parallel_loop3A_695 = arith.constant 80 : index
        %parallel_loop3A_696 = tpu.vector_load %arg6[%parallel_loop3A_694, %parallel_loop3A_695] {strides = array<i32>} : memref<256x128xf32, #tpu.memory_space<vmem>>, vector<1x16xf32>,
        %parallel_loop3A_697 = vector.shape_cast %parallel_loop3A_696 : vector<1x16xf32> to vector<16xf32>
        %parallel_loop3A_698 = arith.mulf %parallel_loop3A_697, %div3A_278 : vector<16xf32>
        %parallel_loop3A_699 = arith.index_cast %parallel_loop3A_643 : i32 to index
        %parallel_loop3A_700 = arith.constant 80 : index
        %parallel_loop3A_701 = tpu.vector_load %arg6[%parallel_loop3A_699, %parallel_loop3A_700] {strides = array<i32>} : memref<256x128xf32, #tpu.memory_space<vmem>>, vector<1x16xf32>,
        %parallel_loop3A_702 = vector.shape_cast %parallel_loop3A_701 : vector<1x16xf32> to vector<16xf32>
        %parallel_loop3A_703 = vector.shape_cast %parallel_loop3A_698 : vector<16xf32> to vector<1x16xf32>
        tpu.vector_store %arg6[%parallel_loop3A_699, %parallel_loop3A_700], %parallel_loop3A_703 {strides = array<i32>} : memref<256x128xf32, #tpu.memory_space<vmem>>, vector<1x16xf32>,
        %parallel_loop3A_704 = arith.index_cast %parallel_loop3A_643 : i32 to index
        %parallel_loop3A_705 = arith.constant 96 : index
        %parallel_loop3A_706 = tpu.vector_load %arg6[%parallel_loop3A_704, %parallel_loop3A_705] {strides = array<i32>} : memref<256x128xf32, #tpu.memory_space<vmem>>, vector<1x16xf32>,
        %parallel_loop3A_707 = vector.shape_cast %parallel_loop3A_706 : vector<1x16xf32> to vector<16xf32>
        %parallel_loop3A_708 = arith.mulf %parallel_loop3A_707, %div3A_284 : vector<16xf32>
        %parallel_loop3A_709 = arith.index_cast %parallel_loop3A_643 : i32 to index
        %parallel_loop3A_710 = arith.constant 96 : index
        %parallel_loop3A_711 = tpu.vector_load %arg6[%parallel_loop3A_709, %parallel_loop3A_710] {strides = array<i32>} : memref<256x128xf32, #tpu.memory_space<vmem>>, vector<1x16xf32>,
        %parallel_loop3A_712 = vector.shape_cast %parallel_loop3A_711 : vector<1x16xf32> to vector<16xf32>
        %parallel_loop3A_713 = vector.shape_cast %parallel_loop3A_708 : vector<16xf32> to vector<1x16xf32>
        tpu.vector_store %arg6[%parallel_loop3A_709, %parallel_loop3A_710], %parallel_loop3A_713 {strides = array<i32>} : memref<256x128xf32, #tpu.memory_space<vmem>>, vector<1x16xf32>,
        %parallel_loop3A_714 = arith.index_cast %parallel_loop3A_643 : i32 to index
        %parallel_loop3A_715 = arith.constant 112 : index
        %parallel_loop3A_716 = tpu.vector_load %arg6[%parallel_loop3A_714, %parallel_loop3A_715] {strides = array<i32>} : memref<256x128xf32, #tpu.memory_space<vmem>>, vector<1x16xf32>,
        %parallel_loop3A_717 = vector.shape_cast %parallel_loop3A_716 : vector<1x16xf32> to vector<16xf32>
        %parallel_loop3A_718 = arith.mulf %parallel_loop3A_717, %div3A_290 : vector<16xf32>
        %parallel_loop3A_719 = arith.index_cast %parallel_loop3A_643 : i32 to index
        %parallel_loop3A_720 = arith.constant 112 : index
        %parallel_loop3A_721 = tpu.vector_load %arg6[%parallel_loop3A_719, %parallel_loop3A_720] {strides = array<i32>} : memref<256x128xf32, #tpu.memory_space<vmem>>, vector<1x16xf32>,
        %parallel_loop3A_722 = vector.shape_cast %parallel_loop3A_721 : vector<1x16xf32> to vector<16xf32>
        %parallel_loop3A_723 = vector.shape_cast %parallel_loop3A_718 : vector<16xf32> to vector<1x16xf32>
        tpu.vector_store %arg6[%parallel_loop3A_719, %parallel_loop3A_720], %parallel_loop3A_723 {strides = array<i32>} : memref<256x128xf32, #tpu.memory_space<vmem>>, vector<1x16xf32>,
      } {sc.loop_unroll_factor = 1 : i64, sc.parallel_access}
      %rem3A_294 = arith.constant 16 : i32
      %rem3A_295 = arith.remsi %add3A_9, %rem3A_294 : i32
      %div3A_296 = arith.constant 16 : i32
      %div3A_297 = arith.divsi %add3A_9, %div3A_296 : i32
      %mul3A_298 = arith.constant 2048 : i32
      %mul3A_299 = arith.muli %rem3A_295, %mul3A_298 : i32
      %add3A_300 = arith.constant 1280 : i32
      %add3A_301 = arith.addi %mul3A_299, %add3A_300 : i32
      %mul3A_302 = arith.constant 128 : i32
      %mul3A_303 = arith.muli %div3A_297, %mul3A_302 : i32
      %dma_start3A_304 = tpu.memref_slice %arg3[%add3A_301, %mul3A_303] : memref<32768x512xf32, #tpu.memory_space<hbm>> -> memref<256x128xf32, #tpu.memory_space<hbm>>
      %dma_start3A_305 = tpu.memref_slice %arg3[%add3A_301, %mul3A_303] : memref<32768x512xf32, #tpu.memory_space<hbm>> -> memref<256x128xf32, #tpu.memory_space<hbm>>
      tpu.enqueue_dma source(%arg6 : memref<256x128xf32, #tpu.memory_space<vmem>>) target(%dma_start3A_305 : memref<256x128xf32, #tpu.memory_space<hbm>>) target_semaphore(%arg12 : memref<!tpu.dma_semaphore, #tpu.memory_space<semaphore_mem>>)
      %rem3A_306 = arith.constant 0 : i32
      %rem3A_307 = arith.constant 16 : i32
      %rem3A_308 = arith.remsi %rem3A_306, %rem3A_307 : i32
      %div3A_309 = arith.constant 0 : i32
      %div3A_310 = arith.constant 16 : i32
      %div3A_311 = arith.divsi %div3A_309, %div3A_310 : i32
      %mul3A_312 = arith.constant 2048 : i32
      %mul3A_313 = arith.muli %rem3A_308, %mul3A_312 : i32
      %add3A_314 = arith.constant 0 : i32
      %add3A_315 = arith.addi %mul3A_313, %add3A_314 : i32
      %mul3A_316 = arith.constant 128 : i32
      %mul3A_317 = arith.muli %div3A_311, %mul3A_316 : i32
      %dma_wait3A_318 = tpu.memref_slice %arg3[%add3A_315, %mul3A_317] : memref<32768x512xf32, #tpu.memory_space<hbm>> -> memref<256x128xf32, #tpu.memory_space<hbm>>
      %dma_wait3A_319 = tpu.memref_slice %arg3[%add3A_315, %mul3A_317] : memref<32768x512xf32, #tpu.memory_space<hbm>> -> memref<256x128xf32, #tpu.memory_space<hbm>>
      tpu.wait_dma2 semaphore(%arg12 : memref<!tpu.dma_semaphore, #tpu.memory_space<semaphore_mem>>) src(%arg6 : memref<256x128xf32, #tpu.memory_space<vmem>>) dst(%dma_wait3A_319 : memref<256x128xf32, #tpu.memory_space<hbm>>)
      %rem3A_320 = arith.constant 16 : i32
      %rem3A_321 = arith.remsi %add3A_9, %rem3A_320 : i32
      %div3A_322 = arith.constant 16 : i32
      %div3A_323 = arith.divsi %add3A_9, %div3A_322 : i32
      %mul3A_324 = arith.constant 2048 : i32
      %mul3A_325 = arith.muli %rem3A_321, %mul3A_324 : i32
      %add3A_326 = arith.constant 0 : i32
      %add3A_327 = arith.addi %mul3A_325, %add3A_326 : i32
      %mul3A_328 = arith.constant 128 : i32
      %mul3A_329 = arith.muli %div3A_323, %mul3A_328 : i32
      %dma_start3A_330 = tpu.memref_slice %arg2[%add3A_327, %mul3A_329] : memref<32768x512xf32, #tpu.memory_space<hbm>> -> memref<256x128xf32, #tpu.memory_space<hbm>>
      %dma_start3A_331 = tpu.memref_slice %arg2[%add3A_327, %mul3A_329] : memref<32768x512xf32, #tpu.memory_space<hbm>> -> memref<256x128xf32, #tpu.memory_space<hbm>>
      tpu.enqueue_dma source(%dma_start3A_331 : memref<256x128xf32, #tpu.memory_space<hbm>>) target(%arg6 : memref<256x128xf32, #tpu.memory_space<vmem>>) target_semaphore(%arg9 : memref<!tpu.dma_semaphore, #tpu.memory_space<semaphore_mem>>)
      %parallel_loop3A_332 = arith.constant 0 : i32
      %parallel_loop3A_333 = arith.constant 256 : i32
      %parallel_loop3A_334 = arith.constant 1 : i32
      scf.for %parallel_loop3A_643 = %parallel_loop3A_332 to %parallel_loop3A_333 step %parallel_loop3A_334  : i32 {
        %parallel_loop3A_644 = arith.index_cast %parallel_loop3A_643 : i32 to index
        %parallel_loop3A_645 = arith.constant 0 : index
        %parallel_loop3A_646 = tpu.vector_load %arg4[%parallel_loop3A_644, %parallel_loop3A_645] {strides = array<i32>} : memref<256x128xf32, #tpu.memory_space<vmem>>, vector<1x16xf32>,
        %parallel_loop3A_647 = vector.shape_cast %parallel_loop3A_646 : vector<1x16xf32> to vector<16xf32>
        %parallel_loop3A_648 = arith.mulf %parallel_loop3A_647, %div3A_248 : vector<16xf32>
        %parallel_loop3A_649 = arith.index_cast %parallel_loop3A_643 : i32 to index
        %parallel_loop3A_650 = arith.constant 0 : index
        %parallel_loop3A_651 = tpu.vector_load %arg4[%parallel_loop3A_649, %parallel_loop3A_650] {strides = array<i32>} : memref<256x128xf32, #tpu.memory_space<vmem>>, vector<1x16xf32>,
        %parallel_loop3A_652 = vector.shape_cast %parallel_loop3A_651 : vector<1x16xf32> to vector<16xf32>
        %parallel_loop3A_653 = vector.shape_cast %parallel_loop3A_648 : vector<16xf32> to vector<1x16xf32>
        tpu.vector_store %arg4[%parallel_loop3A_649, %parallel_loop3A_650], %parallel_loop3A_653 {strides = array<i32>} : memref<256x128xf32, #tpu.memory_space<vmem>>, vector<1x16xf32>,
        %parallel_loop3A_654 = arith.index_cast %parallel_loop3A_643 : i32 to index
        %parallel_loop3A_655 = arith.constant 16 : index
        %parallel_loop3A_656 = tpu.vector_load %arg4[%parallel_loop3A_654, %parallel_loop3A_655] {strides = array<i32>} : memref<256x128xf32, #tpu.memory_space<vmem>>, vector<1x16xf32>,
        %parallel_loop3A_657 = vector.shape_cast %parallel_loop3A_656 : vector<1x16xf32> to vector<16xf32>
        %parallel_loop3A_658 = arith.mulf %parallel_loop3A_657, %div3A_254 : vector<16xf32>
        %parallel_loop3A_659 = arith.index_cast %parallel_loop3A_643 : i32 to index
        %parallel_loop3A_660 = arith.constant 16 : index
        %parallel_loop3A_661 = tpu.vector_load %arg4[%parallel_loop3A_659, %parallel_loop3A_660] {strides = array<i32>} : memref<256x128xf32, #tpu.memory_space<vmem>>, vector<1x16xf32>,
        %parallel_loop3A_662 = vector.shape_cast %parallel_loop3A_661 : vector<1x16xf32> to vector<16xf32>
        %parallel_loop3A_663 = vector.shape_cast %parallel_loop3A_658 : vector<16xf32> to vector<1x16xf32>
        tpu.vector_store %arg4[%parallel_loop3A_659, %parallel_loop3A_660], %parallel_loop3A_663 {strides = array<i32>} : memref<256x128xf32, #tpu.memory_space<vmem>>, vector<1x16xf32>,
        %parallel_loop3A_664 = arith.index_cast %parallel_loop3A_643 : i32 to index
        %parallel_loop3A_665 = arith.constant 32 : index
        %parallel_loop3A_666 = tpu.vector_load %arg4[%parallel_loop3A_664, %parallel_loop3A_665] {strides = array<i32>} : memref<256x128xf32, #tpu.memory_space<vmem>>, vector<1x16xf32>,
        %parallel_loop3A_667 = vector.shape_cast %parallel_loop3A_666 : vector<1x16xf32> to vector<16xf32>
        %parallel_loop3A_668 = arith.mulf %parallel_loop3A_667, %div3A_260 : vector<16xf32>
        %parallel_loop3A_669 = arith.index_cast %parallel_loop3A_643 : i32 to index
        %parallel_loop3A_670 = arith.constant 32 : index
        %parallel_loop3A_671 = tpu.vector_load %arg4[%parallel_loop3A_669, %parallel_loop3A_670] {strides = array<i32>} : memref<256x128xf32, #tpu.memory_space<vmem>>, vector<1x16xf32>,
        %parallel_loop3A_672 = vector.shape_cast %parallel_loop3A_671 : vector<1x16xf32> to vector<16xf32>
        %parallel_loop3A_673 = vector.shape_cast %parallel_loop3A_668 : vector<16xf32> to vector<1x16xf32>
        tpu.vector_store %arg4[%parallel_loop3A_669, %parallel_loop3A_670], %parallel_loop3A_673 {strides = array<i32>} : memref<256x128xf32, #tpu.memory_space<vmem>>, vector<1x16xf32>,
        %parallel_loop3A_674 = arith.index_cast %parallel_loop3A_643 : i32 to index
        %parallel_loop3A_675 = arith.constant 48 : index
        %parallel_loop3A_676 = tpu.vector_load %arg4[%parallel_loop3A_674, %parallel_loop3A_675] {strides = array<i32>} : memref<256x128xf32, #tpu.memory_space<vmem>>, vector<1x16xf32>,
        %parallel_loop3A_677 = vector.shape_cast %parallel_loop3A_676 : vector<1x16xf32> to vector<16xf32>
        %parallel_loop3A_678 = arith.mulf %parallel_loop3A_677, %div3A_266 : vector<16xf32>
        %parallel_loop3A_679 = arith.index_cast %parallel_loop3A_643 : i32 to index
        %parallel_loop3A_680 = arith.constant 48 : index
        %parallel_loop3A_681 = tpu.vector_load %arg4[%parallel_loop3A_679, %parallel_loop3A_680] {strides = array<i32>} : memref<256x128xf32, #tpu.memory_space<vmem>>, vector<1x16xf32>,
        %parallel_loop3A_682 = vector.shape_cast %parallel_loop3A_681 : vector<1x16xf32> to vector<16xf32>
        %parallel_loop3A_683 = vector.shape_cast %parallel_loop3A_678 : vector<16xf32> to vector<1x16xf32>
        tpu.vector_store %arg4[%parallel_loop3A_679, %parallel_loop3A_680], %parallel_loop3A_683 {strides = array<i32>} : memref<256x128xf32, #tpu.memory_space<vmem>>, vector<1x16xf32>,
        %parallel_loop3A_684 = arith.index_cast %parallel_loop3A_643 : i32 to index
        %parallel_loop3A_685 = arith.constant 64 : index
        %parallel_loop3A_686 = tpu.vector_load %arg4[%parallel_loop3A_684, %parallel_loop3A_685] {strides = array<i32>} : memref<256x128xf32, #tpu.memory_space<vmem>>, vector<1x16xf32>,
        %parallel_loop3A_687 = vector.shape_cast %parallel_loop3A_686 : vector<1x16xf32> to vector<16xf32>
        %parallel_loop3A_688 = arith.mulf %parallel_loop3A_687, %div3A_272 : vector<16xf32>
        %parallel_loop3A_689 = arith.index_cast %parallel_loop3A_643 : i32 to index
        %parallel_loop3A_690 = arith.constant 64 : index
        %parallel_loop3A_691 = tpu.vector_load %arg4[%parallel_loop3A_689, %parallel_loop3A_690] {strides = array<i32>} : memref<256x128xf32, #tpu.memory_space<vmem>>, vector<1x16xf32>,
        %parallel_loop3A_692 = vector.shape_cast %parallel_loop3A_691 : vector<1x16xf32> to vector<16xf32>
        %parallel_loop3A_693 = vector.shape_cast %parallel_loop3A_688 : vector<16xf32> to vector<1x16xf32>
        tpu.vector_store %arg4[%parallel_loop3A_689, %parallel_loop3A_690], %parallel_loop3A_693 {strides = array<i32>} : memref<256x128xf32, #tpu.memory_space<vmem>>, vector<1x16xf32>,
        %parallel_loop3A_694 = arith.index_cast %parallel_loop3A_643 : i32 to index
        %parallel_loop3A_695 = arith.constant 80 : index
        %parallel_loop3A_696 = tpu.vector_load %arg4[%parallel_loop3A_694, %parallel_loop3A_695] {strides = array<i32>} : memref<256x128xf32, #tpu.memory_space<vmem>>, vector<1x16xf32>,
        %parallel_loop3A_697 = vector.shape_cast %parallel_loop3A_696 : vector<1x16xf32> to vector<16xf32>
        %parallel_loop3A_698 = arith.mulf %parallel_loop3A_697, %div3A_278 : vector<16xf32>
        %parallel_loop3A_699 = arith.index_cast %parallel_loop3A_643 : i32 to index
        %parallel_loop3A_700 = arith.constant 80 : index
        %parallel_loop3A_701 = tpu.vector_load %arg4[%parallel_loop3A_699, %parallel_loop3A_700] {strides = array<i32>} : memref<256x128xf32, #tpu.memory_space<vmem>>, vector<1x16xf32>,
        %parallel_loop3A_702 = vector.shape_cast %parallel_loop3A_701 : vector<1x16xf32> to vector<16xf32>
        %parallel_loop3A_703 = vector.shape_cast %parallel_loop3A_698 : vector<16xf32> to vector<1x16xf32>
        tpu.vector_store %arg4[%parallel_loop3A_699, %parallel_loop3A_700], %parallel_loop3A_703 {strides = array<i32>} : memref<256x128xf32, #tpu.memory_space<vmem>>, vector<1x16xf32>,
        %parallel_loop3A_704 = arith.index_cast %parallel_loop3A_643 : i32 to index
        %parallel_loop3A_705 = arith.constant 96 : index
        %parallel_loop3A_706 = tpu.vector_load %arg4[%parallel_loop3A_704, %parallel_loop3A_705] {strides = array<i32>} : memref<256x128xf32, #tpu.memory_space<vmem>>, vector<1x16xf32>,
        %parallel_loop3A_707 = vector.shape_cast %parallel_loop3A_706 : vector<1x16xf32> to vector<16xf32>
        %parallel_loop3A_708 = arith.mulf %parallel_loop3A_707, %div3A_284 : vector<16xf32>
        %parallel_loop3A_709 = arith.index_cast %parallel_loop3A_643 : i32 to index
        %parallel_loop3A_710 = arith.constant 96 : index
        %parallel_loop3A_711 = tpu.vector_load %arg4[%parallel_loop3A_709, %parallel_loop3A_710] {strides = array<i32>} : memref<256x128xf32, #tpu.memory_space<vmem>>, vector<1x16xf32>,
        %parallel_loop3A_712 = vector.shape_cast %parallel_loop3A_711 : vector<1x16xf32> to vector<16xf32>
        %parallel_loop3A_713 = vector.shape_cast %parallel_loop3A_708 : vector<16xf32> to vector<1x16xf32>
        tpu.vector_store %arg4[%parallel_loop3A_709, %parallel_loop3A_710], %parallel_loop3A_713 {strides = array<i32>} : memref<256x128xf32, #tpu.memory_space<vmem>>, vector<1x16xf32>,
        %parallel_loop3A_714 = arith.index_cast %parallel_loop3A_643 : i32 to index
        %parallel_loop3A_715 = arith.constant 112 : index
        %parallel_loop3A_716 = tpu.vector_load %arg4[%parallel_loop3A_714, %parallel_loop3A_715] {strides = array<i32>} : memref<256x128xf32, #tpu.memory_space<vmem>>, vector<1x16xf32>,
        %parallel_loop3A_717 = vector.shape_cast %parallel_loop3A_716 : vector<1x16xf32> to vector<16xf32>
        %parallel_loop3A_718 = arith.mulf %parallel_loop3A_717, %div3A_290 : vector<16xf32>
        %parallel_loop3A_719 = arith.index_cast %parallel_loop3A_643 : i32 to index
        %parallel_loop3A_720 = arith.constant 112 : index
        %parallel_loop3A_721 = tpu.vector_load %arg4[%parallel_loop3A_719, %parallel_loop3A_720] {strides = array<i32>} : memref<256x128xf32, #tpu.memory_space<vmem>>, vector<1x16xf32>,
        %parallel_loop3A_722 = vector.shape_cast %parallel_loop3A_721 : vector<1x16xf32> to vector<16xf32>
        %parallel_loop3A_723 = vector.shape_cast %parallel_loop3A_718 : vector<16xf32> to vector<1x16xf32>
        tpu.vector_store %arg4[%parallel_loop3A_719, %parallel_loop3A_720], %parallel_loop3A_723 {strides = array<i32>} : memref<256x128xf32, #tpu.memory_space<vmem>>, vector<1x16xf32>,
      } {sc.loop_unroll_factor = 1 : i64, sc.parallel_access}
      %rem3A_335 = arith.constant 16 : i32
      %rem3A_336 = arith.remsi %add3A_9, %rem3A_335 : i32
      %div3A_337 = arith.constant 16 : i32
      %div3A_338 = arith.divsi %add3A_9, %div3A_337 : i32
      %mul3A_339 = arith.constant 2048 : i32
      %mul3A_340 = arith.muli %rem3A_336, %mul3A_339 : i32
      %add3A_341 = arith.constant 1536 : i32
      %add3A_342 = arith.addi %mul3A_340, %add3A_341 : i32
      %mul3A_343 = arith.constant 128 : i32
      %mul3A_344 = arith.muli %div3A_338, %mul3A_343 : i32
      %dma_start3A_345 = tpu.memref_slice %arg3[%add3A_342, %mul3A_344] : memref<32768x512xf32, #tpu.memory_space<hbm>> -> memref<256x128xf32, #tpu.memory_space<hbm>>
      %dma_start3A_346 = tpu.memref_slice %arg3[%add3A_342, %mul3A_344] : memref<32768x512xf32, #tpu.memory_space<hbm>> -> memref<256x128xf32, #tpu.memory_space<hbm>>
      tpu.enqueue_dma source(%arg4 : memref<256x128xf32, #tpu.memory_space<vmem>>) target(%dma_start3A_346 : memref<256x128xf32, #tpu.memory_space<hbm>>) target_semaphore(%arg10 : memref<!tpu.dma_semaphore, #tpu.memory_space<semaphore_mem>>)
      %rem3A_347 = arith.constant 0 : i32
      %rem3A_348 = arith.constant 16 : i32
      %rem3A_349 = arith.remsi %rem3A_347, %rem3A_348 : i32
      %div3A_350 = arith.constant 0 : i32
      %div3A_351 = arith.constant 16 : i32
      %div3A_352 = arith.divsi %div3A_350, %div3A_351 : i32
      %mul3A_353 = arith.constant 2048 : i32
      %mul3A_354 = arith.muli %rem3A_349, %mul3A_353 : i32
      %add3A_355 = arith.constant 0 : i32
      %add3A_356 = arith.addi %mul3A_354, %add3A_355 : i32
      %mul3A_357 = arith.constant 128 : i32
      %mul3A_358 = arith.muli %div3A_352, %mul3A_357 : i32
      %dma_wait3A_359 = tpu.memref_slice %arg3[%add3A_356, %mul3A_358] : memref<32768x512xf32, #tpu.memory_space<hbm>> -> memref<256x128xf32, #tpu.memory_space<hbm>>
      %dma_wait3A_360 = tpu.memref_slice %arg3[%add3A_356, %mul3A_358] : memref<32768x512xf32, #tpu.memory_space<hbm>> -> memref<256x128xf32, #tpu.memory_space<hbm>>
      tpu.wait_dma2 semaphore(%arg10 : memref<!tpu.dma_semaphore, #tpu.memory_space<semaphore_mem>>) src(%arg4 : memref<256x128xf32, #tpu.memory_space<vmem>>) dst(%dma_wait3A_360 : memref<256x128xf32, #tpu.memory_space<hbm>>)
      %rem3A_361 = arith.constant 16 : i32
      %rem3A_362 = arith.remsi %add3A_9, %rem3A_361 : i32
      %div3A_363 = arith.constant 16 : i32
      %div3A_364 = arith.divsi %add3A_9, %div3A_363 : i32
      %mul3A_365 = arith.constant 2048 : i32
      %mul3A_366 = arith.muli %rem3A_362, %mul3A_365 : i32
      %add3A_367 = arith.constant 256 : i32
      %add3A_368 = arith.addi %mul3A_366, %add3A_367 : i32
      %mul3A_369 = arith.constant 128 : i32
      %mul3A_370 = arith.muli %div3A_364, %mul3A_369 : i32
      %dma_start3A_371 = tpu.memref_slice %arg2[%add3A_368, %mul3A_370] : memref<32768x512xf32, #tpu.memory_space<hbm>> -> memref<256x128xf32, #tpu.memory_space<hbm>>
      %dma_start3A_372 = tpu.memref_slice %arg2[%add3A_368, %mul3A_370] : memref<32768x512xf32, #tpu.memory_space<hbm>> -> memref<256x128xf32, #tpu.memory_space<hbm>>
      tpu.enqueue_dma source(%dma_start3A_372 : memref<256x128xf32, #tpu.memory_space<hbm>>) target(%arg4 : memref<256x128xf32, #tpu.memory_space<vmem>>) target_semaphore(%arg7 : memref<!tpu.dma_semaphore, #tpu.memory_space<semaphore_mem>>)
      %parallel_loop3A_373 = arith.constant 0 : i32
      %parallel_loop3A_374 = arith.constant 256 : i32
      %parallel_loop3A_375 = arith.constant 1 : i32
      scf.for %parallel_loop3A_643 = %parallel_loop3A_373 to %parallel_loop3A_374 step %parallel_loop3A_375  : i32 {
        %parallel_loop3A_644 = arith.index_cast %parallel_loop3A_643 : i32 to index
        %parallel_loop3A_645 = arith.constant 0 : index
        %parallel_loop3A_646 = tpu.vector_load %arg5[%parallel_loop3A_644, %parallel_loop3A_645] {strides = array<i32>} : memref<256x128xf32, #tpu.memory_space<vmem>>, vector<1x16xf32>,
        %parallel_loop3A_647 = vector.shape_cast %parallel_loop3A_646 : vector<1x16xf32> to vector<16xf32>
        %parallel_loop3A_648 = arith.mulf %parallel_loop3A_647, %div3A_248 : vector<16xf32>
        %parallel_loop3A_649 = arith.index_cast %parallel_loop3A_643 : i32 to index
        %parallel_loop3A_650 = arith.constant 0 : index
        %parallel_loop3A_651 = tpu.vector_load %arg5[%parallel_loop3A_649, %parallel_loop3A_650] {strides = array<i32>} : memref<256x128xf32, #tpu.memory_space<vmem>>, vector<1x16xf32>,
        %parallel_loop3A_652 = vector.shape_cast %parallel_loop3A_651 : vector<1x16xf32> to vector<16xf32>
        %parallel_loop3A_653 = vector.shape_cast %parallel_loop3A_648 : vector<16xf32> to vector<1x16xf32>
        tpu.vector_store %arg5[%parallel_loop3A_649, %parallel_loop3A_650], %parallel_loop3A_653 {strides = array<i32>} : memref<256x128xf32, #tpu.memory_space<vmem>>, vector<1x16xf32>,
        %parallel_loop3A_654 = arith.index_cast %parallel_loop3A_643 : i32 to index
        %parallel_loop3A_655 = arith.constant 16 : index
        %parallel_loop3A_656 = tpu.vector_load %arg5[%parallel_loop3A_654, %parallel_loop3A_655] {strides = array<i32>} : memref<256x128xf32, #tpu.memory_space<vmem>>, vector<1x16xf32>,
        %parallel_loop3A_657 = vector.shape_cast %parallel_loop3A_656 : vector<1x16xf32> to vector<16xf32>
        %parallel_loop3A_658 = arith.mulf %parallel_loop3A_657, %div3A_254 : vector<16xf32>
        %parallel_loop3A_659 = arith.index_cast %parallel_loop3A_643 : i32 to index
        %parallel_loop3A_660 = arith.constant 16 : index
        %parallel_loop3A_661 = tpu.vector_load %arg5[%parallel_loop3A_659, %parallel_loop3A_660] {strides = array<i32>} : memref<256x128xf32, #tpu.memory_space<vmem>>, vector<1x16xf32>,
        %parallel_loop3A_662 = vector.shape_cast %parallel_loop3A_661 : vector<1x16xf32> to vector<16xf32>
        %parallel_loop3A_663 = vector.shape_cast %parallel_loop3A_658 : vector<16xf32> to vector<1x16xf32>
        tpu.vector_store %arg5[%parallel_loop3A_659, %parallel_loop3A_660], %parallel_loop3A_663 {strides = array<i32>} : memref<256x128xf32, #tpu.memory_space<vmem>>, vector<1x16xf32>,
        %parallel_loop3A_664 = arith.index_cast %parallel_loop3A_643 : i32 to index
        %parallel_loop3A_665 = arith.constant 32 : index
        %parallel_loop3A_666 = tpu.vector_load %arg5[%parallel_loop3A_664, %parallel_loop3A_665] {strides = array<i32>} : memref<256x128xf32, #tpu.memory_space<vmem>>, vector<1x16xf32>,
        %parallel_loop3A_667 = vector.shape_cast %parallel_loop3A_666 : vector<1x16xf32> to vector<16xf32>
        %parallel_loop3A_668 = arith.mulf %parallel_loop3A_667, %div3A_260 : vector<16xf32>
        %parallel_loop3A_669 = arith.index_cast %parallel_loop3A_643 : i32 to index
        %parallel_loop3A_670 = arith.constant 32 : index
        %parallel_loop3A_671 = tpu.vector_load %arg5[%parallel_loop3A_669, %parallel_loop3A_670] {strides = array<i32>} : memref<256x128xf32, #tpu.memory_space<vmem>>, vector<1x16xf32>,
        %parallel_loop3A_672 = vector.shape_cast %parallel_loop3A_671 : vector<1x16xf32> to vector<16xf32>
        %parallel_loop3A_673 = vector.shape_cast %parallel_loop3A_668 : vector<16xf32> to vector<1x16xf32>
        tpu.vector_store %arg5[%parallel_loop3A_669, %parallel_loop3A_670], %parallel_loop3A_673 {strides = array<i32>} : memref<256x128xf32, #tpu.memory_space<vmem>>, vector<1x16xf32>,
        %parallel_loop3A_674 = arith.index_cast %parallel_loop3A_643 : i32 to index
        %parallel_loop3A_675 = arith.constant 48 : index
        %parallel_loop3A_676 = tpu.vector_load %arg5[%parallel_loop3A_674, %parallel_loop3A_675] {strides = array<i32>} : memref<256x128xf32, #tpu.memory_space<vmem>>, vector<1x16xf32>,
        %parallel_loop3A_677 = vector.shape_cast %parallel_loop3A_676 : vector<1x16xf32> to vector<16xf32>
        %parallel_loop3A_678 = arith.mulf %parallel_loop3A_677, %div3A_266 : vector<16xf32>
        %parallel_loop3A_679 = arith.index_cast %parallel_loop3A_643 : i32 to index
        %parallel_loop3A_680 = arith.constant 48 : index
        %parallel_loop3A_681 = tpu.vector_load %arg5[%parallel_loop3A_679, %parallel_loop3A_680] {strides = array<i32>} : memref<256x128xf32, #tpu.memory_space<vmem>>, vector<1x16xf32>,
        %parallel_loop3A_682 = vector.shape_cast %parallel_loop3A_681 : vector<1x16xf32> to vector<16xf32>
        %parallel_loop3A_683 = vector.shape_cast %parallel_loop3A_678 : vector<16xf32> to vector<1x16xf32>
        tpu.vector_store %arg5[%parallel_loop3A_679, %parallel_loop3A_680], %parallel_loop3A_683 {strides = array<i32>} : memref<256x128xf32, #tpu.memory_space<vmem>>, vector<1x16xf32>,
        %parallel_loop3A_684 = arith.index_cast %parallel_loop3A_643 : i32 to index
        %parallel_loop3A_685 = arith.constant 64 : index
        %parallel_loop3A_686 = tpu.vector_load %arg5[%parallel_loop3A_684, %parallel_loop3A_685] {strides = array<i32>} : memref<256x128xf32, #tpu.memory_space<vmem>>, vector<1x16xf32>,
        %parallel_loop3A_687 = vector.shape_cast %parallel_loop3A_686 : vector<1x16xf32> to vector<16xf32>
        %parallel_loop3A_688 = arith.mulf %parallel_loop3A_687, %div3A_272 : vector<16xf32>
        %parallel_loop3A_689 = arith.index_cast %parallel_loop3A_643 : i32 to index
        %parallel_loop3A_690 = arith.constant 64 : index
        %parallel_loop3A_691 = tpu.vector_load %arg5[%parallel_loop3A_689, %parallel_loop3A_690] {strides = array<i32>} : memref<256x128xf32, #tpu.memory_space<vmem>>, vector<1x16xf32>,
        %parallel_loop3A_692 = vector.shape_cast %parallel_loop3A_691 : vector<1x16xf32> to vector<16xf32>
        %parallel_loop3A_693 = vector.shape_cast %parallel_loop3A_688 : vector<16xf32> to vector<1x16xf32>
        tpu.vector_store %arg5[%parallel_loop3A_689, %parallel_loop3A_690], %parallel_loop3A_693 {strides = array<i32>} : memref<256x128xf32, #tpu.memory_space<vmem>>, vector<1x16xf32>,
        %parallel_loop3A_694 = arith.index_cast %parallel_loop3A_643 : i32 to index
        %parallel_loop3A_695 = arith.constant 80 : index
        %parallel_loop3A_696 = tpu.vector_load %arg5[%parallel_loop3A_694, %parallel_loop3A_695] {strides = array<i32>} : memref<256x128xf32, #tpu.memory_space<vmem>>, vector<1x16xf32>,
        %parallel_loop3A_697 = vector.shape_cast %parallel_loop3A_696 : vector<1x16xf32> to vector<16xf32>
        %parallel_loop3A_698 = arith.mulf %parallel_loop3A_697, %div3A_278 : vector<16xf32>
        %parallel_loop3A_699 = arith.index_cast %parallel_loop3A_643 : i32 to index
        %parallel_loop3A_700 = arith.constant 80 : index
        %parallel_loop3A_701 = tpu.vector_load %arg5[%parallel_loop3A_699, %parallel_loop3A_700] {strides = array<i32>} : memref<256x128xf32, #tpu.memory_space<vmem>>, vector<1x16xf32>,
        %parallel_loop3A_702 = vector.shape_cast %parallel_loop3A_701 : vector<1x16xf32> to vector<16xf32>
        %parallel_loop3A_703 = vector.shape_cast %parallel_loop3A_698 : vector<16xf32> to vector<1x16xf32>
        tpu.vector_store %arg5[%parallel_loop3A_699, %parallel_loop3A_700], %parallel_loop3A_703 {strides = array<i32>} : memref<256x128xf32, #tpu.memory_space<vmem>>, vector<1x16xf32>,
        %parallel_loop3A_704 = arith.index_cast %parallel_loop3A_643 : i32 to index
        %parallel_loop3A_705 = arith.constant 96 : index
        %parallel_loop3A_706 = tpu.vector_load %arg5[%parallel_loop3A_704, %parallel_loop3A_705] {strides = array<i32>} : memref<256x128xf32, #tpu.memory_space<vmem>>, vector<1x16xf32>,
        %parallel_loop3A_707 = vector.shape_cast %parallel_loop3A_706 : vector<1x16xf32> to vector<16xf32>
        %parallel_loop3A_708 = arith.mulf %parallel_loop3A_707, %div3A_284 : vector<16xf32>
        %parallel_loop3A_709 = arith.index_cast %parallel_loop3A_643 : i32 to index
        %parallel_loop3A_710 = arith.constant 96 : index
        %parallel_loop3A_711 = tpu.vector_load %arg5[%parallel_loop3A_709, %parallel_loop3A_710] {strides = array<i32>} : memref<256x128xf32, #tpu.memory_space<vmem>>, vector<1x16xf32>,
        %parallel_loop3A_712 = vector.shape_cast %parallel_loop3A_711 : vector<1x16xf32> to vector<16xf32>
        %parallel_loop3A_713 = vector.shape_cast %parallel_loop3A_708 : vector<16xf32> to vector<1x16xf32>
        tpu.vector_store %arg5[%parallel_loop3A_709, %parallel_loop3A_710], %parallel_loop3A_713 {strides = array<i32>} : memref<256x128xf32, #tpu.memory_space<vmem>>, vector<1x16xf32>,
        %parallel_loop3A_714 = arith.index_cast %parallel_loop3A_643 : i32 to index
        %parallel_loop3A_715 = arith.constant 112 : index
        %parallel_loop3A_716 = tpu.vector_load %arg5[%parallel_loop3A_714, %parallel_loop3A_715] {strides = array<i32>} : memref<256x128xf32, #tpu.memory_space<vmem>>, vector<1x16xf32>,
        %parallel_loop3A_717 = vector.shape_cast %parallel_loop3A_716 : vector<1x16xf32> to vector<16xf32>
        %parallel_loop3A_718 = arith.mulf %parallel_loop3A_717, %div3A_290 : vector<16xf32>
        %parallel_loop3A_719 = arith.index_cast %parallel_loop3A_643 : i32 to index
        %parallel_loop3A_720 = arith.constant 112 : index
        %parallel_loop3A_721 = tpu.vector_load %arg5[%parallel_loop3A_719, %parallel_loop3A_720] {strides = array<i32>} : memref<256x128xf32, #tpu.memory_space<vmem>>, vector<1x16xf32>,
        %parallel_loop3A_722 = vector.shape_cast %parallel_loop3A_721 : vector<1x16xf32> to vector<16xf32>
        %parallel_loop3A_723 = vector.shape_cast %parallel_loop3A_718 : vector<16xf32> to vector<1x16xf32>
        tpu.vector_store %arg5[%parallel_loop3A_719, %parallel_loop3A_720], %parallel_loop3A_723 {strides = array<i32>} : memref<256x128xf32, #tpu.memory_space<vmem>>, vector<1x16xf32>,
      } {sc.loop_unroll_factor = 1 : i64, sc.parallel_access}
      %rem3A_376 = arith.constant 16 : i32
      %rem3A_377 = arith.remsi %add3A_9, %rem3A_376 : i32
      %div3A_378 = arith.constant 16 : i32
      %div3A_379 = arith.divsi %add3A_9, %div3A_378 : i32
      %mul3A_380 = arith.constant 2048 : i32
      %mul3A_381 = arith.muli %rem3A_377, %mul3A_380 : i32
      %add3A_382 = arith.constant 1792 : i32
      %add3A_383 = arith.addi %mul3A_381, %add3A_382 : i32
      %mul3A_384 = arith.constant 128 : i32
      %mul3A_385 = arith.muli %div3A_379, %mul3A_384 : i32
      %dma_start3A_386 = tpu.memref_slice %arg3[%add3A_383, %mul3A_385] : memref<32768x512xf32, #tpu.memory_space<hbm>> -> memref<256x128xf32, #tpu.memory_space<hbm>>
      %dma_start3A_387 = tpu.memref_slice %arg3[%add3A_383, %mul3A_385] : memref<32768x512xf32, #tpu.memory_space<hbm>> -> memref<256x128xf32, #tpu.memory_space<hbm>>
      tpu.enqueue_dma source(%arg5 : memref<256x128xf32, #tpu.memory_space<vmem>>) target(%dma_start3A_387 : memref<256x128xf32, #tpu.memory_space<hbm>>) target_semaphore(%arg11 : memref<!tpu.dma_semaphore, #tpu.memory_space<semaphore_mem>>)
      %rem3A_388 = arith.constant 0 : i32
      %rem3A_389 = arith.constant 16 : i32
      %rem3A_390 = arith.remsi %rem3A_388, %rem3A_389 : i32
      %div3A_391 = arith.constant 0 : i32
      %div3A_392 = arith.constant 16 : i32
      %div3A_393 = arith.divsi %div3A_391, %div3A_392 : i32
      %mul3A_394 = arith.constant 2048 : i32
      %mul3A_395 = arith.muli %rem3A_390, %mul3A_394 : i32
      %add3A_396 = arith.constant 0 : i32
      %add3A_397 = arith.addi %mul3A_395, %add3A_396 : i32
      %mul3A_398 = arith.constant 128 : i32
      %mul3A_399 = arith.muli %div3A_393, %mul3A_398 : i32
      %dma_wait3A_400 = tpu.memref_slice %arg3[%add3A_397, %mul3A_399] : memref<32768x512xf32, #tpu.memory_space<hbm>> -> memref<256x128xf32, #tpu.memory_space<hbm>>
      %dma_wait3A_401 = tpu.memref_slice %arg3[%add3A_397, %mul3A_399] : memref<32768x512xf32, #tpu.memory_space<hbm>> -> memref<256x128xf32, #tpu.memory_space<hbm>>
      tpu.wait_dma2 semaphore(%arg11 : memref<!tpu.dma_semaphore, #tpu.memory_space<semaphore_mem>>) src(%arg5 : memref<256x128xf32, #tpu.memory_space<vmem>>) dst(%dma_wait3A_401 : memref<256x128xf32, #tpu.memory_space<hbm>>)
      %rem3A_402 = arith.constant 16 : i32
      %rem3A_403 = arith.remsi %add3A_9, %rem3A_402 : i32
      %div3A_404 = arith.constant 16 : i32
      %div3A_405 = arith.divsi %add3A_9, %div3A_404 : i32
      %mul3A_406 = arith.constant 2048 : i32
      %mul3A_407 = arith.muli %rem3A_403, %mul3A_406 : i32
      %add3A_408 = arith.constant 512 : i32
      %add3A_409 = arith.addi %mul3A_407, %add3A_408 : i32
      %mul3A_410 = arith.constant 128 : i32
      %mul3A_411 = arith.muli %div3A_405, %mul3A_410 : i32
      %dma_start3A_412 = tpu.memref_slice %arg2[%add3A_409, %mul3A_411] : memref<32768x512xf32, #tpu.memory_space<hbm>> -> memref<256x128xf32, #tpu.memory_space<hbm>>
      %dma_start3A_413 = tpu.memref_slice %arg2[%add3A_409, %mul3A_411] : memref<32768x512xf32, #tpu.memory_space<hbm>> -> memref<256x128xf32, #tpu.memory_space<hbm>>
      tpu.enqueue_dma source(%dma_start3A_413 : memref<256x128xf32, #tpu.memory_space<hbm>>) target(%arg5 : memref<256x128xf32, #tpu.memory_space<vmem>>) target_semaphore(%arg8 : memref<!tpu.dma_semaphore, #tpu.memory_space<semaphore_mem>>)
      %rem3A_414 = arith.constant 16 : i32
      %rem3A_415 = arith.remsi %add3A_9, %rem3A_414 : i32
      %div3A_416 = arith.constant 16 : i32
      %div3A_417 = arith.divsi %add3A_9, %div3A_416 : i32
      %mul3A_418 = arith.constant 2048 : i32
      %mul3A_419 = arith.muli %rem3A_415, %mul3A_418 : i32
      %add3A_420 = arith.constant 0 : i32
      %add3A_421 = arith.addi %mul3A_419, %add3A_420 : i32
      %mul3A_422 = arith.constant 128 : i32
      %mul3A_423 = arith.muli %div3A_417, %mul3A_422 : i32
      %dma_wait3A_424 = tpu.memref_slice %arg2[%add3A_421, %mul3A_423] : memref<32768x512xf32, #tpu.memory_space<hbm>> -> memref<256x128xf32, #tpu.memory_space<hbm>>
      %dma_wait3A_425 = tpu.memref_slice %arg2[%add3A_421, %mul3A_423] : memref<32768x512xf32, #tpu.memory_space<hbm>> -> memref<256x128xf32, #tpu.memory_space<hbm>>
      tpu.wait_dma2 semaphore(%arg9 : memref<!tpu.dma_semaphore, #tpu.memory_space<semaphore_mem>>) src(%dma_wait3A_425 : memref<256x128xf32, #tpu.memory_space<hbm>>) dst(%arg6 : memref<256x128xf32, #tpu.memory_space<vmem>>)
      %parallel_loop3A_426 = arith.constant 0 : i32
      %parallel_loop3A_427 = arith.constant 256 : i32
      %parallel_loop3A_428 = arith.constant 1 : i32
      scf.for %parallel_loop3A_643 = %parallel_loop3A_426 to %parallel_loop3A_427 step %parallel_loop3A_428  : i32 {
        %parallel_loop3A_644 = arith.index_cast %parallel_loop3A_643 : i32 to index
        %parallel_loop3A_645 = arith.constant 0 : index
        %parallel_loop3A_646 = tpu.vector_load %arg6[%parallel_loop3A_644, %parallel_loop3A_645] {strides = array<i32>} : memref<256x128xf32, #tpu.memory_space<vmem>>, vector<1x16xf32>,
        %parallel_loop3A_647 = vector.shape_cast %parallel_loop3A_646 : vector<1x16xf32> to vector<16xf32>
        %parallel_loop3A_648 = arith.mulf %parallel_loop3A_647, %div3A_248 : vector<16xf32>
        %parallel_loop3A_649 = arith.index_cast %parallel_loop3A_643 : i32 to index
        %parallel_loop3A_650 = arith.constant 0 : index
        %parallel_loop3A_651 = tpu.vector_load %arg6[%parallel_loop3A_649, %parallel_loop3A_650] {strides = array<i32>} : memref<256x128xf32, #tpu.memory_space<vmem>>, vector<1x16xf32>,
        %parallel_loop3A_652 = vector.shape_cast %parallel_loop3A_651 : vector<1x16xf32> to vector<16xf32>
        %parallel_loop3A_653 = vector.shape_cast %parallel_loop3A_648 : vector<16xf32> to vector<1x16xf32>
        tpu.vector_store %arg6[%parallel_loop3A_649, %parallel_loop3A_650], %parallel_loop3A_653 {strides = array<i32>} : memref<256x128xf32, #tpu.memory_space<vmem>>, vector<1x16xf32>,
        %parallel_loop3A_654 = arith.index_cast %parallel_loop3A_643 : i32 to index
        %parallel_loop3A_655 = arith.constant 16 : index
        %parallel_loop3A_656 = tpu.vector_load %arg6[%parallel_loop3A_654, %parallel_loop3A_655] {strides = array<i32>} : memref<256x128xf32, #tpu.memory_space<vmem>>, vector<1x16xf32>,
        %parallel_loop3A_657 = vector.shape_cast %parallel_loop3A_656 : vector<1x16xf32> to vector<16xf32>
        %parallel_loop3A_658 = arith.mulf %parallel_loop3A_657, %div3A_254 : vector<16xf32>
        %parallel_loop3A_659 = arith.index_cast %parallel_loop3A_643 : i32 to index
        %parallel_loop3A_660 = arith.constant 16 : index
        %parallel_loop3A_661 = tpu.vector_load %arg6[%parallel_loop3A_659, %parallel_loop3A_660] {strides = array<i32>} : memref<256x128xf32, #tpu.memory_space<vmem>>, vector<1x16xf32>,
        %parallel_loop3A_662 = vector.shape_cast %parallel_loop3A_661 : vector<1x16xf32> to vector<16xf32>
        %parallel_loop3A_663 = vector.shape_cast %parallel_loop3A_658 : vector<16xf32> to vector<1x16xf32>
        tpu.vector_store %arg6[%parallel_loop3A_659, %parallel_loop3A_660], %parallel_loop3A_663 {strides = array<i32>} : memref<256x128xf32, #tpu.memory_space<vmem>>, vector<1x16xf32>,
        %parallel_loop3A_664 = arith.index_cast %parallel_loop3A_643 : i32 to index
        %parallel_loop3A_665 = arith.constant 32 : index
        %parallel_loop3A_666 = tpu.vector_load %arg6[%parallel_loop3A_664, %parallel_loop3A_665] {strides = array<i32>} : memref<256x128xf32, #tpu.memory_space<vmem>>, vector<1x16xf32>,
        %parallel_loop3A_667 = vector.shape_cast %parallel_loop3A_666 : vector<1x16xf32> to vector<16xf32>
        %parallel_loop3A_668 = arith.mulf %parallel_loop3A_667, %div3A_260 : vector<16xf32>
        %parallel_loop3A_669 = arith.index_cast %parallel_loop3A_643 : i32 to index
        %parallel_loop3A_670 = arith.constant 32 : index
        %parallel_loop3A_671 = tpu.vector_load %arg6[%parallel_loop3A_669, %parallel_loop3A_670] {strides = array<i32>} : memref<256x128xf32, #tpu.memory_space<vmem>>, vector<1x16xf32>,
        %parallel_loop3A_672 = vector.shape_cast %parallel_loop3A_671 : vector<1x16xf32> to vector<16xf32>
        %parallel_loop3A_673 = vector.shape_cast %parallel_loop3A_668 : vector<16xf32> to vector<1x16xf32>
        tpu.vector_store %arg6[%parallel_loop3A_669, %parallel_loop3A_670], %parallel_loop3A_673 {strides = array<i32>} : memref<256x128xf32, #tpu.memory_space<vmem>>, vector<1x16xf32>,
        %parallel_loop3A_674 = arith.index_cast %parallel_loop3A_643 : i32 to index
        %parallel_loop3A_675 = arith.constant 48 : index
        %parallel_loop3A_676 = tpu.vector_load %arg6[%parallel_loop3A_674, %parallel_loop3A_675] {strides = array<i32>} : memref<256x128xf32, #tpu.memory_space<vmem>>, vector<1x16xf32>,
        %parallel_loop3A_677 = vector.shape_cast %parallel_loop3A_676 : vector<1x16xf32> to vector<16xf32>
        %parallel_loop3A_678 = arith.mulf %parallel_loop3A_677, %div3A_266 : vector<16xf32>
        %parallel_loop3A_679 = arith.index_cast %parallel_loop3A_643 : i32 to index
        %parallel_loop3A_680 = arith.constant 48 : index
        %parallel_loop3A_681 = tpu.vector_load %arg6[%parallel_loop3A_679, %parallel_loop3A_680] {strides = array<i32>} : memref<256x128xf32, #tpu.memory_space<vmem>>, vector<1x16xf32>,
        %parallel_loop3A_682 = vector.shape_cast %parallel_loop3A_681 : vector<1x16xf32> to vector<16xf32>
        %parallel_loop3A_683 = vector.shape_cast %parallel_loop3A_678 : vector<16xf32> to vector<1x16xf32>
        tpu.vector_store %arg6[%parallel_loop3A_679, %parallel_loop3A_680], %parallel_loop3A_683 {strides = array<i32>} : memref<256x128xf32, #tpu.memory_space<vmem>>, vector<1x16xf32>,
        %parallel_loop3A_684 = arith.index_cast %parallel_loop3A_643 : i32 to index
        %parallel_loop3A_685 = arith.constant 64 : index
        %parallel_loop3A_686 = tpu.vector_load %arg6[%parallel_loop3A_684, %parallel_loop3A_685] {strides = array<i32>} : memref<256x128xf32, #tpu.memory_space<vmem>>, vector<1x16xf32>,
        %parallel_loop3A_687 = vector.shape_cast %parallel_loop3A_686 : vector<1x16xf32> to vector<16xf32>
        %parallel_loop3A_688 = arith.mulf %parallel_loop3A_687, %div3A_272 : vector<16xf32>
        %parallel_loop3A_689 = arith.index_cast %parallel_loop3A_643 : i32 to index
        %parallel_loop3A_690 = arith.constant 64 : index
        %parallel_loop3A_691 = tpu.vector_load %arg6[%parallel_loop3A_689, %parallel_loop3A_690] {strides = array<i32>} : memref<256x128xf32, #tpu.memory_space<vmem>>, vector<1x16xf32>,
        %parallel_loop3A_692 = vector.shape_cast %parallel_loop3A_691 : vector<1x16xf32> to vector<16xf32>
        %parallel_loop3A_693 = vector.shape_cast %parallel_loop3A_688 : vector<16xf32> to vector<1x16xf32>
        tpu.vector_store %arg6[%parallel_loop3A_689, %parallel_loop3A_690], %parallel_loop3A_693 {strides = array<i32>} : memref<256x128xf32, #tpu.memory_space<vmem>>, vector<1x16xf32>,
        %parallel_loop3A_694 = arith.index_cast %parallel_loop3A_643 : i32 to index
        %parallel_loop3A_695 = arith.constant 80 : index
        %parallel_loop3A_696 = tpu.vector_load %arg6[%parallel_loop3A_694, %parallel_loop3A_695] {strides = array<i32>} : memref<256x128xf32, #tpu.memory_space<vmem>>, vector<1x16xf32>,
        %parallel_loop3A_697 = vector.shape_cast %parallel_loop3A_696 : vector<1x16xf32> to vector<16xf32>
        %parallel_loop3A_698 = arith.mulf %parallel_loop3A_697, %div3A_278 : vector<16xf32>
        %parallel_loop3A_699 = arith.index_cast %parallel_loop3A_643 : i32 to index
        %parallel_loop3A_700 = arith.constant 80 : index
        %parallel_loop3A_701 = tpu.vector_load %arg6[%parallel_loop3A_699, %parallel_loop3A_700] {strides = array<i32>} : memref<256x128xf32, #tpu.memory_space<vmem>>, vector<1x16xf32>,
        %parallel_loop3A_702 = vector.shape_cast %parallel_loop3A_701 : vector<1x16xf32> to vector<16xf32>
        %parallel_loop3A_703 = vector.shape_cast %parallel_loop3A_698 : vector<16xf32> to vector<1x16xf32>
        tpu.vector_store %arg6[%parallel_loop3A_699, %parallel_loop3A_700], %parallel_loop3A_703 {strides = array<i32>} : memref<256x128xf32, #tpu.memory_space<vmem>>, vector<1x16xf32>,
        %parallel_loop3A_704 = arith.index_cast %parallel_loop3A_643 : i32 to index
        %parallel_loop3A_705 = arith.constant 96 : index
        %parallel_loop3A_706 = tpu.vector_load %arg6[%parallel_loop3A_704, %parallel_loop3A_705] {strides = array<i32>} : memref<256x128xf32, #tpu.memory_space<vmem>>, vector<1x16xf32>,
        %parallel_loop3A_707 = vector.shape_cast %parallel_loop3A_706 : vector<1x16xf32> to vector<16xf32>
        %parallel_loop3A_708 = arith.mulf %parallel_loop3A_707, %div3A_284 : vector<16xf32>
        %parallel_loop3A_709 = arith.index_cast %parallel_loop3A_643 : i32 to index
        %parallel_loop3A_710 = arith.constant 96 : index
        %parallel_loop3A_711 = tpu.vector_load %arg6[%parallel_loop3A_709, %parallel_loop3A_710] {strides = array<i32>} : memref<256x128xf32, #tpu.memory_space<vmem>>, vector<1x16xf32>,
        %parallel_loop3A_712 = vector.shape_cast %parallel_loop3A_711 : vector<1x16xf32> to vector<16xf32>
        %parallel_loop3A_713 = vector.shape_cast %parallel_loop3A_708 : vector<16xf32> to vector<1x16xf32>
        tpu.vector_store %arg6[%parallel_loop3A_709, %parallel_loop3A_710], %parallel_loop3A_713 {strides = array<i32>} : memref<256x128xf32, #tpu.memory_space<vmem>>, vector<1x16xf32>,
        %parallel_loop3A_714 = arith.index_cast %parallel_loop3A_643 : i32 to index
        %parallel_loop3A_715 = arith.constant 112 : index
        %parallel_loop3A_716 = tpu.vector_load %arg6[%parallel_loop3A_714, %parallel_loop3A_715] {strides = array<i32>} : memref<256x128xf32, #tpu.memory_space<vmem>>, vector<1x16xf32>,
        %parallel_loop3A_717 = vector.shape_cast %parallel_loop3A_716 : vector<1x16xf32> to vector<16xf32>
        %parallel_loop3A_718 = arith.mulf %parallel_loop3A_717, %div3A_290 : vector<16xf32>
        %parallel_loop3A_719 = arith.index_cast %parallel_loop3A_643 : i32 to index
        %parallel_loop3A_720 = arith.constant 112 : index
        %parallel_loop3A_721 = tpu.vector_load %arg6[%parallel_loop3A_719, %parallel_loop3A_720] {strides = array<i32>} : memref<256x128xf32, #tpu.memory_space<vmem>>, vector<1x16xf32>,
        %parallel_loop3A_722 = vector.shape_cast %parallel_loop3A_721 : vector<1x16xf32> to vector<16xf32>
        %parallel_loop3A_723 = vector.shape_cast %parallel_loop3A_718 : vector<16xf32> to vector<1x16xf32>
        tpu.vector_store %arg6[%parallel_loop3A_719, %parallel_loop3A_720], %parallel_loop3A_723 {strides = array<i32>} : memref<256x128xf32, #tpu.memory_space<vmem>>, vector<1x16xf32>,
      } {sc.loop_unroll_factor = 1 : i64, sc.parallel_access}
      %rem3A_429 = arith.constant 16 : i32
      %rem3A_430 = arith.remsi %add3A_9, %rem3A_429 : i32
      %div3A_431 = arith.constant 16 : i32
      %div3A_432 = arith.divsi %add3A_9, %div3A_431 : i32
      %mul3A_433 = arith.constant 2048 : i32
      %mul3A_434 = arith.muli %rem3A_430, %mul3A_433 : i32
      %add3A_435 = arith.constant 0 : i32
      %add3A_436 = arith.addi %mul3A_434, %add3A_435 : i32
      %mul3A_437 = arith.constant 128 : i32
      %mul3A_438 = arith.muli %div3A_432, %mul3A_437 : i32
      %dma_start3A_439 = tpu.memref_slice %arg3[%add3A_436, %mul3A_438] : memref<32768x512xf32, #tpu.memory_space<hbm>> -> memref<256x128xf32, #tpu.memory_space<hbm>>
      %dma_start3A_440 = tpu.memref_slice %arg3[%add3A_436, %mul3A_438] : memref<32768x512xf32, #tpu.memory_space<hbm>> -> memref<256x128xf32, #tpu.memory_space<hbm>>
      tpu.enqueue_dma source(%arg6 : memref<256x128xf32, #tpu.memory_space<vmem>>) target(%dma_start3A_440 : memref<256x128xf32, #tpu.memory_space<hbm>>) target_semaphore(%arg12 : memref<!tpu.dma_semaphore, #tpu.memory_space<semaphore_mem>>)
      %rem3A_441 = arith.constant 0 : i32
      %rem3A_442 = arith.constant 16 : i32
      %rem3A_443 = arith.remsi %rem3A_441, %rem3A_442 : i32
      %div3A_444 = arith.constant 0 : i32
      %div3A_445 = arith.constant 16 : i32
      %div3A_446 = arith.divsi %div3A_444, %div3A_445 : i32
      %mul3A_447 = arith.constant 2048 : i32
      %mul3A_448 = arith.muli %rem3A_443, %mul3A_447 : i32
      %add3A_449 = arith.constant 0 : i32
      %add3A_450 = arith.addi %mul3A_448, %add3A_449 : i32
      %mul3A_451 = arith.constant 128 : i32
      %mul3A_452 = arith.muli %div3A_446, %mul3A_451 : i32
      %dma_wait3A_453 = tpu.memref_slice %arg3[%add3A_450, %mul3A_452] : memref<32768x512xf32, #tpu.memory_space<hbm>> -> memref<256x128xf32, #tpu.memory_space<hbm>>
      %dma_wait3A_454 = tpu.memref_slice %arg3[%add3A_450, %mul3A_452] : memref<32768x512xf32, #tpu.memory_space<hbm>> -> memref<256x128xf32, #tpu.memory_space<hbm>>
      tpu.wait_dma2 semaphore(%arg12 : memref<!tpu.dma_semaphore, #tpu.memory_space<semaphore_mem>>) src(%arg6 : memref<256x128xf32, #tpu.memory_space<vmem>>) dst(%dma_wait3A_454 : memref<256x128xf32, #tpu.memory_space<hbm>>)
      %rem3A_455 = arith.constant 16 : i32
      %rem3A_456 = arith.remsi %add3A_9, %rem3A_455 : i32
      %div3A_457 = arith.constant 16 : i32
      %div3A_458 = arith.divsi %add3A_9, %div3A_457 : i32
      %mul3A_459 = arith.constant 2048 : i32
      %mul3A_460 = arith.muli %rem3A_456, %mul3A_459 : i32
      %add3A_461 = arith.constant 768 : i32
      %add3A_462 = arith.addi %mul3A_460, %add3A_461 : i32
      %mul3A_463 = arith.constant 128 : i32
      %mul3A_464 = arith.muli %div3A_458, %mul3A_463 : i32
      %dma_start3A_465 = tpu.memref_slice %arg2[%add3A_462, %mul3A_464] : memref<32768x512xf32, #tpu.memory_space<hbm>> -> memref<256x128xf32, #tpu.memory_space<hbm>>
      %dma_start3A_466 = tpu.memref_slice %arg2[%add3A_462, %mul3A_464] : memref<32768x512xf32, #tpu.memory_space<hbm>> -> memref<256x128xf32, #tpu.memory_space<hbm>>
      tpu.enqueue_dma source(%dma_start3A_466 : memref<256x128xf32, #tpu.memory_space<hbm>>) target(%arg6 : memref<256x128xf32, #tpu.memory_space<vmem>>) target_semaphore(%arg9 : memref<!tpu.dma_semaphore, #tpu.memory_space<semaphore_mem>>)
      %rem3A_467 = arith.constant 16 : i32
      %rem3A_468 = arith.remsi %add3A_9, %rem3A_467 : i32
      %div3A_469 = arith.constant 16 : i32
      %div3A_470 = arith.divsi %add3A_9, %div3A_469 : i32
      %mul3A_471 = arith.constant 2048 : i32
      %mul3A_472 = arith.muli %rem3A_468, %mul3A_471 : i32
      %add3A_473 = arith.constant 256 : i32
      %add3A_474 = arith.addi %mul3A_472, %add3A_473 : i32
      %mul3A_475 = arith.constant 128 : i32
      %mul3A_476 = arith.muli %div3A_470, %mul3A_475 : i32
      %dma_wait3A_477 = tpu.memref_slice %arg2[%add3A_474, %mul3A_476] : memref<32768x512xf32, #tpu.memory_space<hbm>> -> memref<256x128xf32, #tpu.memory_space<hbm>>
      %dma_wait3A_478 = tpu.memref_slice %arg2[%add3A_474, %mul3A_476] : memref<32768x512xf32, #tpu.memory_space<hbm>> -> memref<256x128xf32, #tpu.memory_space<hbm>>
      tpu.wait_dma2 semaphore(%arg7 : memref<!tpu.dma_semaphore, #tpu.memory_space<semaphore_mem>>) src(%dma_wait3A_478 : memref<256x128xf32, #tpu.memory_space<hbm>>) dst(%arg4 : memref<256x128xf32, #tpu.memory_space<vmem>>)
      %parallel_loop3A_479 = arith.constant 0 : i32
      %parallel_loop3A_480 = arith.constant 256 : i32
      %parallel_loop3A_481 = arith.constant 1 : i32
      scf.for %parallel_loop3A_643 = %parallel_loop3A_479 to %parallel_loop3A_480 step %parallel_loop3A_481  : i32 {
        %parallel_loop3A_644 = arith.index_cast %parallel_loop3A_643 : i32 to index
        %parallel_loop3A_645 = arith.constant 0 : index
        %parallel_loop3A_646 = tpu.vector_load %arg4[%parallel_loop3A_644, %parallel_loop3A_645] {strides = array<i32>} : memref<256x128xf32, #tpu.memory_space<vmem>>, vector<1x16xf32>,
        %parallel_loop3A_647 = vector.shape_cast %parallel_loop3A_646 : vector<1x16xf32> to vector<16xf32>
        %parallel_loop3A_648 = arith.mulf %parallel_loop3A_647, %div3A_248 : vector<16xf32>
        %parallel_loop3A_649 = arith.index_cast %parallel_loop3A_643 : i32 to index
        %parallel_loop3A_650 = arith.constant 0 : index
        %parallel_loop3A_651 = tpu.vector_load %arg4[%parallel_loop3A_649, %parallel_loop3A_650] {strides = array<i32>} : memref<256x128xf32, #tpu.memory_space<vmem>>, vector<1x16xf32>,
        %parallel_loop3A_652 = vector.shape_cast %parallel_loop3A_651 : vector<1x16xf32> to vector<16xf32>
        %parallel_loop3A_653 = vector.shape_cast %parallel_loop3A_648 : vector<16xf32> to vector<1x16xf32>
        tpu.vector_store %arg4[%parallel_loop3A_649, %parallel_loop3A_650], %parallel_loop3A_653 {strides = array<i32>} : memref<256x128xf32, #tpu.memory_space<vmem>>, vector<1x16xf32>,
        %parallel_loop3A_654 = arith.index_cast %parallel_loop3A_643 : i32 to index
        %parallel_loop3A_655 = arith.constant 16 : index
        %parallel_loop3A_656 = tpu.vector_load %arg4[%parallel_loop3A_654, %parallel_loop3A_655] {strides = array<i32>} : memref<256x128xf32, #tpu.memory_space<vmem>>, vector<1x16xf32>,
        %parallel_loop3A_657 = vector.shape_cast %parallel_loop3A_656 : vector<1x16xf32> to vector<16xf32>
        %parallel_loop3A_658 = arith.mulf %parallel_loop3A_657, %div3A_254 : vector<16xf32>
        %parallel_loop3A_659 = arith.index_cast %parallel_loop3A_643 : i32 to index
        %parallel_loop3A_660 = arith.constant 16 : index
        %parallel_loop3A_661 = tpu.vector_load %arg4[%parallel_loop3A_659, %parallel_loop3A_660] {strides = array<i32>} : memref<256x128xf32, #tpu.memory_space<vmem>>, vector<1x16xf32>,
        %parallel_loop3A_662 = vector.shape_cast %parallel_loop3A_661 : vector<1x16xf32> to vector<16xf32>
        %parallel_loop3A_663 = vector.shape_cast %parallel_loop3A_658 : vector<16xf32> to vector<1x16xf32>
        tpu.vector_store %arg4[%parallel_loop3A_659, %parallel_loop3A_660], %parallel_loop3A_663 {strides = array<i32>} : memref<256x128xf32, #tpu.memory_space<vmem>>, vector<1x16xf32>,
        %parallel_loop3A_664 = arith.index_cast %parallel_loop3A_643 : i32 to index
        %parallel_loop3A_665 = arith.constant 32 : index
        %parallel_loop3A_666 = tpu.vector_load %arg4[%parallel_loop3A_664, %parallel_loop3A_665] {strides = array<i32>} : memref<256x128xf32, #tpu.memory_space<vmem>>, vector<1x16xf32>,
        %parallel_loop3A_667 = vector.shape_cast %parallel_loop3A_666 : vector<1x16xf32> to vector<16xf32>
        %parallel_loop3A_668 = arith.mulf %parallel_loop3A_667, %div3A_260 : vector<16xf32>
        %parallel_loop3A_669 = arith.index_cast %parallel_loop3A_643 : i32 to index
        %parallel_loop3A_670 = arith.constant 32 : index
        %parallel_loop3A_671 = tpu.vector_load %arg4[%parallel_loop3A_669, %parallel_loop3A_670] {strides = array<i32>} : memref<256x128xf32, #tpu.memory_space<vmem>>, vector<1x16xf32>,
        %parallel_loop3A_672 = vector.shape_cast %parallel_loop3A_671 : vector<1x16xf32> to vector<16xf32>
        %parallel_loop3A_673 = vector.shape_cast %parallel_loop3A_668 : vector<16xf32> to vector<1x16xf32>
        tpu.vector_store %arg4[%parallel_loop3A_669, %parallel_loop3A_670], %parallel_loop3A_673 {strides = array<i32>} : memref<256x128xf32, #tpu.memory_space<vmem>>, vector<1x16xf32>,
        %parallel_loop3A_674 = arith.index_cast %parallel_loop3A_643 : i32 to index
        %parallel_loop3A_675 = arith.constant 48 : index
        %parallel_loop3A_676 = tpu.vector_load %arg4[%parallel_loop3A_674, %parallel_loop3A_675] {strides = array<i32>} : memref<256x128xf32, #tpu.memory_space<vmem>>, vector<1x16xf32>,
        %parallel_loop3A_677 = vector.shape_cast %parallel_loop3A_676 : vector<1x16xf32> to vector<16xf32>
        %parallel_loop3A_678 = arith.mulf %parallel_loop3A_677, %div3A_266 : vector<16xf32>
        %parallel_loop3A_679 = arith.index_cast %parallel_loop3A_643 : i32 to index
        %parallel_loop3A_680 = arith.constant 48 : index
        %parallel_loop3A_681 = tpu.vector_load %arg4[%parallel_loop3A_679, %parallel_loop3A_680] {strides = array<i32>} : memref<256x128xf32, #tpu.memory_space<vmem>>, vector<1x16xf32>,
        %parallel_loop3A_682 = vector.shape_cast %parallel_loop3A_681 : vector<1x16xf32> to vector<16xf32>
        %parallel_loop3A_683 = vector.shape_cast %parallel_loop3A_678 : vector<16xf32> to vector<1x16xf32>
        tpu.vector_store %arg4[%parallel_loop3A_679, %parallel_loop3A_680], %parallel_loop3A_683 {strides = array<i32>} : memref<256x128xf32, #tpu.memory_space<vmem>>, vector<1x16xf32>,
        %parallel_loop3A_684 = arith.index_cast %parallel_loop3A_643 : i32 to index
        %parallel_loop3A_685 = arith.constant 64 : index
        %parallel_loop3A_686 = tpu.vector_load %arg4[%parallel_loop3A_684, %parallel_loop3A_685] {strides = array<i32>} : memref<256x128xf32, #tpu.memory_space<vmem>>, vector<1x16xf32>,
        %parallel_loop3A_687 = vector.shape_cast %parallel_loop3A_686 : vector<1x16xf32> to vector<16xf32>
        %parallel_loop3A_688 = arith.mulf %parallel_loop3A_687, %div3A_272 : vector<16xf32>
        %parallel_loop3A_689 = arith.index_cast %parallel_loop3A_643 : i32 to index
        %parallel_loop3A_690 = arith.constant 64 : index
        %parallel_loop3A_691 = tpu.vector_load %arg4[%parallel_loop3A_689, %parallel_loop3A_690] {strides = array<i32>} : memref<256x128xf32, #tpu.memory_space<vmem>>, vector<1x16xf32>,
        %parallel_loop3A_692 = vector.shape_cast %parallel_loop3A_691 : vector<1x16xf32> to vector<16xf32>
        %parallel_loop3A_693 = vector.shape_cast %parallel_loop3A_688 : vector<16xf32> to vector<1x16xf32>
        tpu.vector_store %arg4[%parallel_loop3A_689, %parallel_loop3A_690], %parallel_loop3A_693 {strides = array<i32>} : memref<256x128xf32, #tpu.memory_space<vmem>>, vector<1x16xf32>,
        %parallel_loop3A_694 = arith.index_cast %parallel_loop3A_643 : i32 to index
        %parallel_loop3A_695 = arith.constant 80 : index
        %parallel_loop3A_696 = tpu.vector_load %arg4[%parallel_loop3A_694, %parallel_loop3A_695] {strides = array<i32>} : memref<256x128xf32, #tpu.memory_space<vmem>>, vector<1x16xf32>,
        %parallel_loop3A_697 = vector.shape_cast %parallel_loop3A_696 : vector<1x16xf32> to vector<16xf32>
        %parallel_loop3A_698 = arith.mulf %parallel_loop3A_697, %div3A_278 : vector<16xf32>
        %parallel_loop3A_699 = arith.index_cast %parallel_loop3A_643 : i32 to index
        %parallel_loop3A_700 = arith.constant 80 : index
        %parallel_loop3A_701 = tpu.vector_load %arg4[%parallel_loop3A_699, %parallel_loop3A_700] {strides = array<i32>} : memref<256x128xf32, #tpu.memory_space<vmem>>, vector<1x16xf32>,
        %parallel_loop3A_702 = vector.shape_cast %parallel_loop3A_701 : vector<1x16xf32> to vector<16xf32>
        %parallel_loop3A_703 = vector.shape_cast %parallel_loop3A_698 : vector<16xf32> to vector<1x16xf32>
        tpu.vector_store %arg4[%parallel_loop3A_699, %parallel_loop3A_700], %parallel_loop3A_703 {strides = array<i32>} : memref<256x128xf32, #tpu.memory_space<vmem>>, vector<1x16xf32>,
        %parallel_loop3A_704 = arith.index_cast %parallel_loop3A_643 : i32 to index
        %parallel_loop3A_705 = arith.constant 96 : index
        %parallel_loop3A_706 = tpu.vector_load %arg4[%parallel_loop3A_704, %parallel_loop3A_705] {strides = array<i32>} : memref<256x128xf32, #tpu.memory_space<vmem>>, vector<1x16xf32>,
        %parallel_loop3A_707 = vector.shape_cast %parallel_loop3A_706 : vector<1x16xf32> to vector<16xf32>
        %parallel_loop3A_708 = arith.mulf %parallel_loop3A_707, %div3A_284 : vector<16xf32>
        %parallel_loop3A_709 = arith.index_cast %parallel_loop3A_643 : i32 to index
        %parallel_loop3A_710 = arith.constant 96 : index
        %parallel_loop3A_711 = tpu.vector_load %arg4[%parallel_loop3A_709, %parallel_loop3A_710] {strides = array<i32>} : memref<256x128xf32, #tpu.memory_space<vmem>>, vector<1x16xf32>,
        %parallel_loop3A_712 = vector.shape_cast %parallel_loop3A_711 : vector<1x16xf32> to vector<16xf32>
        %parallel_loop3A_713 = vector.shape_cast %parallel_loop3A_708 : vector<16xf32> to vector<1x16xf32>
        tpu.vector_store %arg4[%parallel_loop3A_709, %parallel_loop3A_710], %parallel_loop3A_713 {strides = array<i32>} : memref<256x128xf32, #tpu.memory_space<vmem>>, vector<1x16xf32>,
        %parallel_loop3A_714 = arith.index_cast %parallel_loop3A_643 : i32 to index
        %parallel_loop3A_715 = arith.constant 112 : index
        %parallel_loop3A_716 = tpu.vector_load %arg4[%parallel_loop3A_714, %parallel_loop3A_715] {strides = array<i32>} : memref<256x128xf32, #tpu.memory_space<vmem>>, vector<1x16xf32>,
        %parallel_loop3A_717 = vector.shape_cast %parallel_loop3A_716 : vector<1x16xf32> to vector<16xf32>
        %parallel_loop3A_718 = arith.mulf %parallel_loop3A_717, %div3A_290 : vector<16xf32>
        %parallel_loop3A_719 = arith.index_cast %parallel_loop3A_643 : i32 to index
        %parallel_loop3A_720 = arith.constant 112 : index
        %parallel_loop3A_721 = tpu.vector_load %arg4[%parallel_loop3A_719, %parallel_loop3A_720] {strides = array<i32>} : memref<256x128xf32, #tpu.memory_space<vmem>>, vector<1x16xf32>,
        %parallel_loop3A_722 = vector.shape_cast %parallel_loop3A_721 : vector<1x16xf32> to vector<16xf32>
        %parallel_loop3A_723 = vector.shape_cast %parallel_loop3A_718 : vector<16xf32> to vector<1x16xf32>
        tpu.vector_store %arg4[%parallel_loop3A_719, %parallel_loop3A_720], %parallel_loop3A_723 {strides = array<i32>} : memref<256x128xf32, #tpu.memory_space<vmem>>, vector<1x16xf32>,
      } {sc.loop_unroll_factor = 1 : i64, sc.parallel_access}
      %rem3A_482 = arith.constant 16 : i32
      %rem3A_483 = arith.remsi %add3A_9, %rem3A_482 : i32
      %div3A_484 = arith.constant 16 : i32
      %div3A_485 = arith.divsi %add3A_9, %div3A_484 : i32
      %mul3A_486 = arith.constant 2048 : i32
      %mul3A_487 = arith.muli %rem3A_483, %mul3A_486 : i32
      %add3A_488 = arith.constant 256 : i32
      %add3A_489 = arith.addi %mul3A_487, %add3A_488 : i32
      %mul3A_490 = arith.constant 128 : i32
      %mul3A_491 = arith.muli %div3A_485, %mul3A_490 : i32
      %dma_start3A_492 = tpu.memref_slice %arg3[%add3A_489, %mul3A_491] : memref<32768x512xf32, #tpu.memory_space<hbm>> -> memref<256x128xf32, #tpu.memory_space<hbm>>
      %dma_start3A_493 = tpu.memref_slice %arg3[%add3A_489, %mul3A_491] : memref<32768x512xf32, #tpu.memory_space<hbm>> -> memref<256x128xf32, #tpu.memory_space<hbm>>
      tpu.enqueue_dma source(%arg4 : memref<256x128xf32, #tpu.memory_space<vmem>>) target(%dma_start3A_493 : memref<256x128xf32, #tpu.memory_space<hbm>>) target_semaphore(%arg10 : memref<!tpu.dma_semaphore, #tpu.memory_space<semaphore_mem>>)
      %rem3A_494 = arith.constant 0 : i32
      %rem3A_495 = arith.constant 16 : i32
      %rem3A_496 = arith.remsi %rem3A_494, %rem3A_495 : i32
      %div3A_497 = arith.constant 0 : i32
      %div3A_498 = arith.constant 16 : i32
      %div3A_499 = arith.divsi %div3A_497, %div3A_498 : i32
      %mul3A_500 = arith.constant 2048 : i32
      %mul3A_501 = arith.muli %rem3A_496, %mul3A_500 : i32
      %add3A_502 = arith.constant 0 : i32
      %add3A_503 = arith.addi %mul3A_501, %add3A_502 : i32
      %mul3A_504 = arith.constant 128 : i32
      %mul3A_505 = arith.muli %div3A_499, %mul3A_504 : i32
      %dma_wait3A_506 = tpu.memref_slice %arg3[%add3A_503, %mul3A_505] : memref<32768x512xf32, #tpu.memory_space<hbm>> -> memref<256x128xf32, #tpu.memory_space<hbm>>
      %dma_wait3A_507 = tpu.memref_slice %arg3[%add3A_503, %mul3A_505] : memref<32768x512xf32, #tpu.memory_space<hbm>> -> memref<256x128xf32, #tpu.memory_space<hbm>>
      tpu.wait_dma2 semaphore(%arg10 : memref<!tpu.dma_semaphore, #tpu.memory_space<semaphore_mem>>) src(%arg4 : memref<256x128xf32, #tpu.memory_space<vmem>>) dst(%dma_wait3A_507 : memref<256x128xf32, #tpu.memory_space<hbm>>)
      %rem3A_508 = arith.constant 16 : i32
      %rem3A_509 = arith.remsi %add3A_9, %rem3A_508 : i32
      %div3A_510 = arith.constant 16 : i32
      %div3A_511 = arith.divsi %add3A_9, %div3A_510 : i32
      %mul3A_512 = arith.constant 2048 : i32
      %mul3A_513 = arith.muli %rem3A_509, %mul3A_512 : i32
      %add3A_514 = arith.constant 1024 : i32
      %add3A_515 = arith.addi %mul3A_513, %add3A_514 : i32
      %mul3A_516 = arith.constant 128 : i32
      %mul3A_517 = arith.muli %div3A_511, %mul3A_516 : i32
      %dma_start3A_518 = tpu.memref_slice %arg2[%add3A_515, %mul3A_517] : memref<32768x512xf32, #tpu.memory_space<hbm>> -> memref<256x128xf32, #tpu.memory_space<hbm>>
      %dma_start3A_519 = tpu.memref_slice %arg2[%add3A_515, %mul3A_517] : memref<32768x512xf32, #tpu.memory_space<hbm>> -> memref<256x128xf32, #tpu.memory_space<hbm>>
      tpu.enqueue_dma source(%dma_start3A_519 : memref<256x128xf32, #tpu.memory_space<hbm>>) target(%arg4 : memref<256x128xf32, #tpu.memory_space<vmem>>) target_semaphore(%arg7 : memref<!tpu.dma_semaphore, #tpu.memory_space<semaphore_mem>>)
      %rem3A_520 = arith.constant 16 : i32
      %rem3A_521 = arith.remsi %add3A_9, %rem3A_520 : i32
      %div3A_522 = arith.constant 16 : i32
      %div3A_523 = arith.divsi %add3A_9, %div3A_522 : i32
      %mul3A_524 = arith.constant 2048 : i32
      %mul3A_525 = arith.muli %rem3A_521, %mul3A_524 : i32
      %add3A_526 = arith.constant 512 : i32
      %add3A_527 = arith.addi %mul3A_525, %add3A_526 : i32
      %mul3A_528 = arith.constant 128 : i32
      %mul3A_529 = arith.muli %div3A_523, %mul3A_528 : i32
      %dma_wait3A_530 = tpu.memref_slice %arg2[%add3A_527, %mul3A_529] : memref<32768x512xf32, #tpu.memory_space<hbm>> -> memref<256x128xf32, #tpu.memory_space<hbm>>
      %dma_wait3A_531 = tpu.memref_slice %arg2[%add3A_527, %mul3A_529] : memref<32768x512xf32, #tpu.memory_space<hbm>> -> memref<256x128xf32, #tpu.memory_space<hbm>>
      tpu.wait_dma2 semaphore(%arg8 : memref<!tpu.dma_semaphore, #tpu.memory_space<semaphore_mem>>) src(%dma_wait3A_531 : memref<256x128xf32, #tpu.memory_space<hbm>>) dst(%arg5 : memref<256x128xf32, #tpu.memory_space<vmem>>)
      %parallel_loop3A_532 = arith.constant 0 : i32
      %parallel_loop3A_533 = arith.constant 256 : i32
      %parallel_loop3A_534 = arith.constant 1 : i32
      scf.for %parallel_loop3A_643 = %parallel_loop3A_532 to %parallel_loop3A_533 step %parallel_loop3A_534  : i32 {
        %parallel_loop3A_644 = arith.index_cast %parallel_loop3A_643 : i32 to index
        %parallel_loop3A_645 = arith.constant 0 : index
        %parallel_loop3A_646 = tpu.vector_load %arg5[%parallel_loop3A_644, %parallel_loop3A_645] {strides = array<i32>} : memref<256x128xf32, #tpu.memory_space<vmem>>, vector<1x16xf32>,
        %parallel_loop3A_647 = vector.shape_cast %parallel_loop3A_646 : vector<1x16xf32> to vector<16xf32>
        %parallel_loop3A_648 = arith.mulf %parallel_loop3A_647, %div3A_248 : vector<16xf32>
        %parallel_loop3A_649 = arith.index_cast %parallel_loop3A_643 : i32 to index
        %parallel_loop3A_650 = arith.constant 0 : index
        %parallel_loop3A_651 = tpu.vector_load %arg5[%parallel_loop3A_649, %parallel_loop3A_650] {strides = array<i32>} : memref<256x128xf32, #tpu.memory_space<vmem>>, vector<1x16xf32>,
        %parallel_loop3A_652 = vector.shape_cast %parallel_loop3A_651 : vector<1x16xf32> to vector<16xf32>
        %parallel_loop3A_653 = vector.shape_cast %parallel_loop3A_648 : vector<16xf32> to vector<1x16xf32>
        tpu.vector_store %arg5[%parallel_loop3A_649, %parallel_loop3A_650], %parallel_loop3A_653 {strides = array<i32>} : memref<256x128xf32, #tpu.memory_space<vmem>>, vector<1x16xf32>,
        %parallel_loop3A_654 = arith.index_cast %parallel_loop3A_643 : i32 to index
        %parallel_loop3A_655 = arith.constant 16 : index
        %parallel_loop3A_656 = tpu.vector_load %arg5[%parallel_loop3A_654, %parallel_loop3A_655] {strides = array<i32>} : memref<256x128xf32, #tpu.memory_space<vmem>>, vector<1x16xf32>,
        %parallel_loop3A_657 = vector.shape_cast %parallel_loop3A_656 : vector<1x16xf32> to vector<16xf32>
        %parallel_loop3A_658 = arith.mulf %parallel_loop3A_657, %div3A_254 : vector<16xf32>
        %parallel_loop3A_659 = arith.index_cast %parallel_loop3A_643 : i32 to index
        %parallel_loop3A_660 = arith.constant 16 : index
        %parallel_loop3A_661 = tpu.vector_load %arg5[%parallel_loop3A_659, %parallel_loop3A_660] {strides = array<i32>} : memref<256x128xf32, #tpu.memory_space<vmem>>, vector<1x16xf32>,
        %parallel_loop3A_662 = vector.shape_cast %parallel_loop3A_661 : vector<1x16xf32> to vector<16xf32>
        %parallel_loop3A_663 = vector.shape_cast %parallel_loop3A_658 : vector<16xf32> to vector<1x16xf32>
        tpu.vector_store %arg5[%parallel_loop3A_659, %parallel_loop3A_660], %parallel_loop3A_663 {strides = array<i32>} : memref<256x128xf32, #tpu.memory_space<vmem>>, vector<1x16xf32>,
        %parallel_loop3A_664 = arith.index_cast %parallel_loop3A_643 : i32 to index
        %parallel_loop3A_665 = arith.constant 32 : index
        %parallel_loop3A_666 = tpu.vector_load %arg5[%parallel_loop3A_664, %parallel_loop3A_665] {strides = array<i32>} : memref<256x128xf32, #tpu.memory_space<vmem>>, vector<1x16xf32>,
        %parallel_loop3A_667 = vector.shape_cast %parallel_loop3A_666 : vector<1x16xf32> to vector<16xf32>
        %parallel_loop3A_668 = arith.mulf %parallel_loop3A_667, %div3A_260 : vector<16xf32>
        %parallel_loop3A_669 = arith.index_cast %parallel_loop3A_643 : i32 to index
        %parallel_loop3A_670 = arith.constant 32 : index
        %parallel_loop3A_671 = tpu.vector_load %arg5[%parallel_loop3A_669, %parallel_loop3A_670] {strides = array<i32>} : memref<256x128xf32, #tpu.memory_space<vmem>>, vector<1x16xf32>,
        %parallel_loop3A_672 = vector.shape_cast %parallel_loop3A_671 : vector<1x16xf32> to vector<16xf32>
        %parallel_loop3A_673 = vector.shape_cast %parallel_loop3A_668 : vector<16xf32> to vector<1x16xf32>
        tpu.vector_store %arg5[%parallel_loop3A_669, %parallel_loop3A_670], %parallel_loop3A_673 {strides = array<i32>} : memref<256x128xf32, #tpu.memory_space<vmem>>, vector<1x16xf32>,
        %parallel_loop3A_674 = arith.index_cast %parallel_loop3A_643 : i32 to index
        %parallel_loop3A_675 = arith.constant 48 : index
        %parallel_loop3A_676 = tpu.vector_load %arg5[%parallel_loop3A_674, %parallel_loop3A_675] {strides = array<i32>} : memref<256x128xf32, #tpu.memory_space<vmem>>, vector<1x16xf32>,
        %parallel_loop3A_677 = vector.shape_cast %parallel_loop3A_676 : vector<1x16xf32> to vector<16xf32>
        %parallel_loop3A_678 = arith.mulf %parallel_loop3A_677, %div3A_266 : vector<16xf32>
        %parallel_loop3A_679 = arith.index_cast %parallel_loop3A_643 : i32 to index
        %parallel_loop3A_680 = arith.constant 48 : index
        %parallel_loop3A_681 = tpu.vector_load %arg5[%parallel_loop3A_679, %parallel_loop3A_680] {strides = array<i32>} : memref<256x128xf32, #tpu.memory_space<vmem>>, vector<1x16xf32>,
        %parallel_loop3A_682 = vector.shape_cast %parallel_loop3A_681 : vector<1x16xf32> to vector<16xf32>
        %parallel_loop3A_683 = vector.shape_cast %parallel_loop3A_678 : vector<16xf32> to vector<1x16xf32>
        tpu.vector_store %arg5[%parallel_loop3A_679, %parallel_loop3A_680], %parallel_loop3A_683 {strides = array<i32>} : memref<256x128xf32, #tpu.memory_space<vmem>>, vector<1x16xf32>,
        %parallel_loop3A_684 = arith.index_cast %parallel_loop3A_643 : i32 to index
        %parallel_loop3A_685 = arith.constant 64 : index
        %parallel_loop3A_686 = tpu.vector_load %arg5[%parallel_loop3A_684, %parallel_loop3A_685] {strides = array<i32>} : memref<256x128xf32, #tpu.memory_space<vmem>>, vector<1x16xf32>,
        %parallel_loop3A_687 = vector.shape_cast %parallel_loop3A_686 : vector<1x16xf32> to vector<16xf32>
        %parallel_loop3A_688 = arith.mulf %parallel_loop3A_687, %div3A_272 : vector<16xf32>
        %parallel_loop3A_689 = arith.index_cast %parallel_loop3A_643 : i32 to index
        %parallel_loop3A_690 = arith.constant 64 : index
        %parallel_loop3A_691 = tpu.vector_load %arg5[%parallel_loop3A_689, %parallel_loop3A_690] {strides = array<i32>} : memref<256x128xf32, #tpu.memory_space<vmem>>, vector<1x16xf32>,
        %parallel_loop3A_692 = vector.shape_cast %parallel_loop3A_691 : vector<1x16xf32> to vector<16xf32>
        %parallel_loop3A_693 = vector.shape_cast %parallel_loop3A_688 : vector<16xf32> to vector<1x16xf32>
        tpu.vector_store %arg5[%parallel_loop3A_689, %parallel_loop3A_690], %parallel_loop3A_693 {strides = array<i32>} : memref<256x128xf32, #tpu.memory_space<vmem>>, vector<1x16xf32>,
        %parallel_loop3A_694 = arith.index_cast %parallel_loop3A_643 : i32 to index
        %parallel_loop3A_695 = arith.constant 80 : index
        %parallel_loop3A_696 = tpu.vector_load %arg5[%parallel_loop3A_694, %parallel_loop3A_695] {strides = array<i32>} : memref<256x128xf32, #tpu.memory_space<vmem>>, vector<1x16xf32>,
        %parallel_loop3A_697 = vector.shape_cast %parallel_loop3A_696 : vector<1x16xf32> to vector<16xf32>
        %parallel_loop3A_698 = arith.mulf %parallel_loop3A_697, %div3A_278 : vector<16xf32>
        %parallel_loop3A_699 = arith.index_cast %parallel_loop3A_643 : i32 to index
        %parallel_loop3A_700 = arith.constant 80 : index
        %parallel_loop3A_701 = tpu.vector_load %arg5[%parallel_loop3A_699, %parallel_loop3A_700] {strides = array<i32>} : memref<256x128xf32, #tpu.memory_space<vmem>>, vector<1x16xf32>,
        %parallel_loop3A_702 = vector.shape_cast %parallel_loop3A_701 : vector<1x16xf32> to vector<16xf32>
        %parallel_loop3A_703 = vector.shape_cast %parallel_loop3A_698 : vector<16xf32> to vector<1x16xf32>
        tpu.vector_store %arg5[%parallel_loop3A_699, %parallel_loop3A_700], %parallel_loop3A_703 {strides = array<i32>} : memref<256x128xf32, #tpu.memory_space<vmem>>, vector<1x16xf32>,
        %parallel_loop3A_704 = arith.index_cast %parallel_loop3A_643 : i32 to index
        %parallel_loop3A_705 = arith.constant 96 : index
        %parallel_loop3A_706 = tpu.vector_load %arg5[%parallel_loop3A_704, %parallel_loop3A_705] {strides = array<i32>} : memref<256x128xf32, #tpu.memory_space<vmem>>, vector<1x16xf32>,
        %parallel_loop3A_707 = vector.shape_cast %parallel_loop3A_706 : vector<1x16xf32> to vector<16xf32>
        %parallel_loop3A_708 = arith.mulf %parallel_loop3A_707, %div3A_284 : vector<16xf32>
        %parallel_loop3A_709 = arith.index_cast %parallel_loop3A_643 : i32 to index
        %parallel_loop3A_710 = arith.constant 96 : index
        %parallel_loop3A_711 = tpu.vector_load %arg5[%parallel_loop3A_709, %parallel_loop3A_710] {strides = array<i32>} : memref<256x128xf32, #tpu.memory_space<vmem>>, vector<1x16xf32>,
        %parallel_loop3A_712 = vector.shape_cast %parallel_loop3A_711 : vector<1x16xf32> to vector<16xf32>
        %parallel_loop3A_713 = vector.shape_cast %parallel_loop3A_708 : vector<16xf32> to vector<1x16xf32>
        tpu.vector_store %arg5[%parallel_loop3A_709, %parallel_loop3A_710], %parallel_loop3A_713 {strides = array<i32>} : memref<256x128xf32, #tpu.memory_space<vmem>>, vector<1x16xf32>,
        %parallel_loop3A_714 = arith.index_cast %parallel_loop3A_643 : i32 to index
        %parallel_loop3A_715 = arith.constant 112 : index
        %parallel_loop3A_716 = tpu.vector_load %arg5[%parallel_loop3A_714, %parallel_loop3A_715] {strides = array<i32>} : memref<256x128xf32, #tpu.memory_space<vmem>>, vector<1x16xf32>,
        %parallel_loop3A_717 = vector.shape_cast %parallel_loop3A_716 : vector<1x16xf32> to vector<16xf32>
        %parallel_loop3A_718 = arith.mulf %parallel_loop3A_717, %div3A_290 : vector<16xf32>
        %parallel_loop3A_719 = arith.index_cast %parallel_loop3A_643 : i32 to index
        %parallel_loop3A_720 = arith.constant 112 : index
        %parallel_loop3A_721 = tpu.vector_load %arg5[%parallel_loop3A_719, %parallel_loop3A_720] {strides = array<i32>} : memref<256x128xf32, #tpu.memory_space<vmem>>, vector<1x16xf32>,
        %parallel_loop3A_722 = vector.shape_cast %parallel_loop3A_721 : vector<1x16xf32> to vector<16xf32>
        %parallel_loop3A_723 = vector.shape_cast %parallel_loop3A_718 : vector<16xf32> to vector<1x16xf32>
        tpu.vector_store %arg5[%parallel_loop3A_719, %parallel_loop3A_720], %parallel_loop3A_723 {strides = array<i32>} : memref<256x128xf32, #tpu.memory_space<vmem>>, vector<1x16xf32>,
      } {sc.loop_unroll_factor = 1 : i64, sc.parallel_access}
      %rem3A_535 = arith.constant 16 : i32
      %rem3A_536 = arith.remsi %add3A_9, %rem3A_535 : i32
      %div3A_537 = arith.constant 16 : i32
      %div3A_538 = arith.divsi %add3A_9, %div3A_537 : i32
      %mul3A_539 = arith.constant 2048 : i32
      %mul3A_540 = arith.muli %rem3A_536, %mul3A_539 : i32
      %add3A_541 = arith.constant 512 : i32
      %add3A_542 = arith.addi %mul3A_540, %add3A_541 : i32
      %mul3A_543 = arith.constant 128 : i32
      %mul3A_544 = arith.muli %div3A_538, %mul3A_543 : i32
      %dma_start3A_545 = tpu.memref_slice %arg3[%add3A_542, %mul3A_544] : memref<32768x512xf32, #tpu.memory_space<hbm>> -> memref<256x128xf32, #tpu.memory_space<hbm>>
      %dma_start3A_546 = tpu.memref_slice %arg3[%add3A_542, %mul3A_544] : memref<32768x512xf32, #tpu.memory_space<hbm>> -> memref<256x128xf32, #tpu.memory_space<hbm>>
      tpu.enqueue_dma source(%arg5 : memref<256x128xf32, #tpu.memory_space<vmem>>) target(%dma_start3A_546 : memref<256x128xf32, #tpu.memory_space<hbm>>) target_semaphore(%arg11 : memref<!tpu.dma_semaphore, #tpu.memory_space<semaphore_mem>>)
      %rem3A_547 = arith.constant 16 : i32
      %rem3A_548 = arith.remsi %add3A_9, %rem3A_547 : i32
      %div3A_549 = arith.constant 16 : i32
      %div3A_550 = arith.divsi %add3A_9, %div3A_549 : i32
      %mul3A_551 = arith.constant 2048 : i32
      %mul3A_552 = arith.muli %rem3A_548, %mul3A_551 : i32
      %add3A_553 = arith.constant 768 : i32
      %add3A_554 = arith.addi %mul3A_552, %add3A_553 : i32
      %mul3A_555 = arith.constant 128 : i32
      %mul3A_556 = arith.muli %div3A_550, %mul3A_555 : i32
      %dma_wait3A_557 = tpu.memref_slice %arg2[%add3A_554, %mul3A_556] : memref<32768x512xf32, #tpu.memory_space<hbm>> -> memref<256x128xf32, #tpu.memory_space<hbm>>
      %dma_wait3A_558 = tpu.memref_slice %arg2[%add3A_554, %mul3A_556] : memref<32768x512xf32, #tpu.memory_space<hbm>> -> memref<256x128xf32, #tpu.memory_space<hbm>>
      tpu.wait_dma2 semaphore(%arg9 : memref<!tpu.dma_semaphore, #tpu.memory_space<semaphore_mem>>) src(%dma_wait3A_558 : memref<256x128xf32, #tpu.memory_space<hbm>>) dst(%arg6 : memref<256x128xf32, #tpu.memory_space<vmem>>)
      %parallel_loop3A_559 = arith.constant 0 : i32
      %parallel_loop3A_560 = arith.constant 256 : i32
      %parallel_loop3A_561 = arith.constant 1 : i32
      scf.for %parallel_loop3A_643 = %parallel_loop3A_559 to %parallel_loop3A_560 step %parallel_loop3A_561  : i32 {
        %parallel_loop3A_644 = arith.index_cast %parallel_loop3A_643 : i32 to index
        %parallel_loop3A_645 = arith.constant 0 : index
        %parallel_loop3A_646 = tpu.vector_load %arg6[%parallel_loop3A_644, %parallel_loop3A_645] {strides = array<i32>} : memref<256x128xf32, #tpu.memory_space<vmem>>, vector<1x16xf32>,
        %parallel_loop3A_647 = vector.shape_cast %parallel_loop3A_646 : vector<1x16xf32> to vector<16xf32>
        %parallel_loop3A_648 = arith.mulf %parallel_loop3A_647, %div3A_248 : vector<16xf32>
        %parallel_loop3A_649 = arith.index_cast %parallel_loop3A_643 : i32 to index
        %parallel_loop3A_650 = arith.constant 0 : index
        %parallel_loop3A_651 = tpu.vector_load %arg6[%parallel_loop3A_649, %parallel_loop3A_650] {strides = array<i32>} : memref<256x128xf32, #tpu.memory_space<vmem>>, vector<1x16xf32>,
        %parallel_loop3A_652 = vector.shape_cast %parallel_loop3A_651 : vector<1x16xf32> to vector<16xf32>
        %parallel_loop3A_653 = vector.shape_cast %parallel_loop3A_648 : vector<16xf32> to vector<1x16xf32>
        tpu.vector_store %arg6[%parallel_loop3A_649, %parallel_loop3A_650], %parallel_loop3A_653 {strides = array<i32>} : memref<256x128xf32, #tpu.memory_space<vmem>>, vector<1x16xf32>,
        %parallel_loop3A_654 = arith.index_cast %parallel_loop3A_643 : i32 to index
        %parallel_loop3A_655 = arith.constant 16 : index
        %parallel_loop3A_656 = tpu.vector_load %arg6[%parallel_loop3A_654, %parallel_loop3A_655] {strides = array<i32>} : memref<256x128xf32, #tpu.memory_space<vmem>>, vector<1x16xf32>,
        %parallel_loop3A_657 = vector.shape_cast %parallel_loop3A_656 : vector<1x16xf32> to vector<16xf32>
        %parallel_loop3A_658 = arith.mulf %parallel_loop3A_657, %div3A_254 : vector<16xf32>
        %parallel_loop3A_659 = arith.index_cast %parallel_loop3A_643 : i32 to index
        %parallel_loop3A_660 = arith.constant 16 : index
        %parallel_loop3A_661 = tpu.vector_load %arg6[%parallel_loop3A_659, %parallel_loop3A_660] {strides = array<i32>} : memref<256x128xf32, #tpu.memory_space<vmem>>, vector<1x16xf32>,
        %parallel_loop3A_662 = vector.shape_cast %parallel_loop3A_661 : vector<1x16xf32> to vector<16xf32>
        %parallel_loop3A_663 = vector.shape_cast %parallel_loop3A_658 : vector<16xf32> to vector<1x16xf32>
        tpu.vector_store %arg6[%parallel_loop3A_659, %parallel_loop3A_660], %parallel_loop3A_663 {strides = array<i32>} : memref<256x128xf32, #tpu.memory_space<vmem>>, vector<1x16xf32>,
        %parallel_loop3A_664 = arith.index_cast %parallel_loop3A_643 : i32 to index
        %parallel_loop3A_665 = arith.constant 32 : index
        %parallel_loop3A_666 = tpu.vector_load %arg6[%parallel_loop3A_664, %parallel_loop3A_665] {strides = array<i32>} : memref<256x128xf32, #tpu.memory_space<vmem>>, vector<1x16xf32>,
        %parallel_loop3A_667 = vector.shape_cast %parallel_loop3A_666 : vector<1x16xf32> to vector<16xf32>
        %parallel_loop3A_668 = arith.mulf %parallel_loop3A_667, %div3A_260 : vector<16xf32>
        %parallel_loop3A_669 = arith.index_cast %parallel_loop3A_643 : i32 to index
        %parallel_loop3A_670 = arith.constant 32 : index
        %parallel_loop3A_671 = tpu.vector_load %arg6[%parallel_loop3A_669, %parallel_loop3A_670] {strides = array<i32>} : memref<256x128xf32, #tpu.memory_space<vmem>>, vector<1x16xf32>,
        %parallel_loop3A_672 = vector.shape_cast %parallel_loop3A_671 : vector<1x16xf32> to vector<16xf32>
        %parallel_loop3A_673 = vector.shape_cast %parallel_loop3A_668 : vector<16xf32> to vector<1x16xf32>
        tpu.vector_store %arg6[%parallel_loop3A_669, %parallel_loop3A_670], %parallel_loop3A_673 {strides = array<i32>} : memref<256x128xf32, #tpu.memory_space<vmem>>, vector<1x16xf32>,
        %parallel_loop3A_674 = arith.index_cast %parallel_loop3A_643 : i32 to index
        %parallel_loop3A_675 = arith.constant 48 : index
        %parallel_loop3A_676 = tpu.vector_load %arg6[%parallel_loop3A_674, %parallel_loop3A_675] {strides = array<i32>} : memref<256x128xf32, #tpu.memory_space<vmem>>, vector<1x16xf32>,
        %parallel_loop3A_677 = vector.shape_cast %parallel_loop3A_676 : vector<1x16xf32> to vector<16xf32>
        %parallel_loop3A_678 = arith.mulf %parallel_loop3A_677, %div3A_266 : vector<16xf32>
        %parallel_loop3A_679 = arith.index_cast %parallel_loop3A_643 : i32 to index
        %parallel_loop3A_680 = arith.constant 48 : index
        %parallel_loop3A_681 = tpu.vector_load %arg6[%parallel_loop3A_679, %parallel_loop3A_680] {strides = array<i32>} : memref<256x128xf32, #tpu.memory_space<vmem>>, vector<1x16xf32>,
        %parallel_loop3A_682 = vector.shape_cast %parallel_loop3A_681 : vector<1x16xf32> to vector<16xf32>
        %parallel_loop3A_683 = vector.shape_cast %parallel_loop3A_678 : vector<16xf32> to vector<1x16xf32>
        tpu.vector_store %arg6[%parallel_loop3A_679, %parallel_loop3A_680], %parallel_loop3A_683 {strides = array<i32>} : memref<256x128xf32, #tpu.memory_space<vmem>>, vector<1x16xf32>,
        %parallel_loop3A_684 = arith.index_cast %parallel_loop3A_643 : i32 to index
        %parallel_loop3A_685 = arith.constant 64 : index
        %parallel_loop3A_686 = tpu.vector_load %arg6[%parallel_loop3A_684, %parallel_loop3A_685] {strides = array<i32>} : memref<256x128xf32, #tpu.memory_space<vmem>>, vector<1x16xf32>,
        %parallel_loop3A_687 = vector.shape_cast %parallel_loop3A_686 : vector<1x16xf32> to vector<16xf32>
        %parallel_loop3A_688 = arith.mulf %parallel_loop3A_687, %div3A_272 : vector<16xf32>
        %parallel_loop3A_689 = arith.index_cast %parallel_loop3A_643 : i32 to index
        %parallel_loop3A_690 = arith.constant 64 : index
        %parallel_loop3A_691 = tpu.vector_load %arg6[%parallel_loop3A_689, %parallel_loop3A_690] {strides = array<i32>} : memref<256x128xf32, #tpu.memory_space<vmem>>, vector<1x16xf32>,
        %parallel_loop3A_692 = vector.shape_cast %parallel_loop3A_691 : vector<1x16xf32> to vector<16xf32>
        %parallel_loop3A_693 = vector.shape_cast %parallel_loop3A_688 : vector<16xf32> to vector<1x16xf32>
        tpu.vector_store %arg6[%parallel_loop3A_689, %parallel_loop3A_690], %parallel_loop3A_693 {strides = array<i32>} : memref<256x128xf32, #tpu.memory_space<vmem>>, vector<1x16xf32>,
        %parallel_loop3A_694 = arith.index_cast %parallel_loop3A_643 : i32 to index
        %parallel_loop3A_695 = arith.constant 80 : index
        %parallel_loop3A_696 = tpu.vector_load %arg6[%parallel_loop3A_694, %parallel_loop3A_695] {strides = array<i32>} : memref<256x128xf32, #tpu.memory_space<vmem>>, vector<1x16xf32>,
        %parallel_loop3A_697 = vector.shape_cast %parallel_loop3A_696 : vector<1x16xf32> to vector<16xf32>
        %parallel_loop3A_698 = arith.mulf %parallel_loop3A_697, %div3A_278 : vector<16xf32>
        %parallel_loop3A_699 = arith.index_cast %parallel_loop3A_643 : i32 to index
        %parallel_loop3A_700 = arith.constant 80 : index
        %parallel_loop3A_701 = tpu.vector_load %arg6[%parallel_loop3A_699, %parallel_loop3A_700] {strides = array<i32>} : memref<256x128xf32, #tpu.memory_space<vmem>>, vector<1x16xf32>,
        %parallel_loop3A_702 = vector.shape_cast %parallel_loop3A_701 : vector<1x16xf32> to vector<16xf32>
        %parallel_loop3A_703 = vector.shape_cast %parallel_loop3A_698 : vector<16xf32> to vector<1x16xf32>
        tpu.vector_store %arg6[%parallel_loop3A_699, %parallel_loop3A_700], %parallel_loop3A_703 {strides = array<i32>} : memref<256x128xf32, #tpu.memory_space<vmem>>, vector<1x16xf32>,
        %parallel_loop3A_704 = arith.index_cast %parallel_loop3A_643 : i32 to index
        %parallel_loop3A_705 = arith.constant 96 : index
        %parallel_loop3A_706 = tpu.vector_load %arg6[%parallel_loop3A_704, %parallel_loop3A_705] {strides = array<i32>} : memref<256x128xf32, #tpu.memory_space<vmem>>, vector<1x16xf32>,
        %parallel_loop3A_707 = vector.shape_cast %parallel_loop3A_706 : vector<1x16xf32> to vector<16xf32>
        %parallel_loop3A_708 = arith.mulf %parallel_loop3A_707, %div3A_284 : vector<16xf32>
        %parallel_loop3A_709 = arith.index_cast %parallel_loop3A_643 : i32 to index
        %parallel_loop3A_710 = arith.constant 96 : index
        %parallel_loop3A_711 = tpu.vector_load %arg6[%parallel_loop3A_709, %parallel_loop3A_710] {strides = array<i32>} : memref<256x128xf32, #tpu.memory_space<vmem>>, vector<1x16xf32>,
        %parallel_loop3A_712 = vector.shape_cast %parallel_loop3A_711 : vector<1x16xf32> to vector<16xf32>
        %parallel_loop3A_713 = vector.shape_cast %parallel_loop3A_708 : vector<16xf32> to vector<1x16xf32>
        tpu.vector_store %arg6[%parallel_loop3A_709, %parallel_loop3A_710], %parallel_loop3A_713 {strides = array<i32>} : memref<256x128xf32, #tpu.memory_space<vmem>>, vector<1x16xf32>,
        %parallel_loop3A_714 = arith.index_cast %parallel_loop3A_643 : i32 to index
        %parallel_loop3A_715 = arith.constant 112 : index
        %parallel_loop3A_716 = tpu.vector_load %arg6[%parallel_loop3A_714, %parallel_loop3A_715] {strides = array<i32>} : memref<256x128xf32, #tpu.memory_space<vmem>>, vector<1x16xf32>,
        %parallel_loop3A_717 = vector.shape_cast %parallel_loop3A_716 : vector<1x16xf32> to vector<16xf32>
        %parallel_loop3A_718 = arith.mulf %parallel_loop3A_717, %div3A_290 : vector<16xf32>
        %parallel_loop3A_719 = arith.index_cast %parallel_loop3A_643 : i32 to index
        %parallel_loop3A_720 = arith.constant 112 : index
        %parallel_loop3A_721 = tpu.vector_load %arg6[%parallel_loop3A_719, %parallel_loop3A_720] {strides = array<i32>} : memref<256x128xf32, #tpu.memory_space<vmem>>, vector<1x16xf32>,
        %parallel_loop3A_722 = vector.shape_cast %parallel_loop3A_721 : vector<1x16xf32> to vector<16xf32>
        %parallel_loop3A_723 = vector.shape_cast %parallel_loop3A_718 : vector<16xf32> to vector<1x16xf32>
        tpu.vector_store %arg6[%parallel_loop3A_719, %parallel_loop3A_720], %parallel_loop3A_723 {strides = array<i32>} : memref<256x128xf32, #tpu.memory_space<vmem>>, vector<1x16xf32>,
      } {sc.loop_unroll_factor = 1 : i64, sc.parallel_access}
      %rem3A_562 = arith.constant 16 : i32
      %rem3A_563 = arith.remsi %add3A_9, %rem3A_562 : i32
      %div3A_564 = arith.constant 16 : i32
      %div3A_565 = arith.divsi %add3A_9, %div3A_564 : i32
      %mul3A_566 = arith.constant 2048 : i32
      %mul3A_567 = arith.muli %rem3A_563, %mul3A_566 : i32
      %add3A_568 = arith.constant 768 : i32
      %add3A_569 = arith.addi %mul3A_567, %add3A_568 : i32
      %mul3A_570 = arith.constant 128 : i32
      %mul3A_571 = arith.muli %div3A_565, %mul3A_570 : i32
      %dma_start3A_572 = tpu.memref_slice %arg3[%add3A_569, %mul3A_571] : memref<32768x512xf32, #tpu.memory_space<hbm>> -> memref<256x128xf32, #tpu.memory_space<hbm>>
      %dma_start3A_573 = tpu.memref_slice %arg3[%add3A_569, %mul3A_571] : memref<32768x512xf32, #tpu.memory_space<hbm>> -> memref<256x128xf32, #tpu.memory_space<hbm>>
      tpu.enqueue_dma source(%arg6 : memref<256x128xf32, #tpu.memory_space<vmem>>) target(%dma_start3A_573 : memref<256x128xf32, #tpu.memory_space<hbm>>) target_semaphore(%arg12 : memref<!tpu.dma_semaphore, #tpu.memory_space<semaphore_mem>>)
      %rem3A_574 = arith.constant 16 : i32
      %rem3A_575 = arith.remsi %add3A_9, %rem3A_574 : i32
      %div3A_576 = arith.constant 16 : i32
      %div3A_577 = arith.divsi %add3A_9, %div3A_576 : i32
      %mul3A_578 = arith.constant 2048 : i32
      %mul3A_579 = arith.muli %rem3A_575, %mul3A_578 : i32
      %add3A_580 = arith.constant 1024 : i32
      %add3A_581 = arith.addi %mul3A_579, %add3A_580 : i32
      %mul3A_582 = arith.constant 128 : i32
      %mul3A_583 = arith.muli %div3A_577, %mul3A_582 : i32
      %dma_wait3A_584 = tpu.memref_slice %arg2[%add3A_581, %mul3A_583] : memref<32768x512xf32, #tpu.memory_space<hbm>> -> memref<256x128xf32, #tpu.memory_space<hbm>>
      %dma_wait3A_585 = tpu.memref_slice %arg2[%add3A_581, %mul3A_583] : memref<32768x512xf32, #tpu.memory_space<hbm>> -> memref<256x128xf32, #tpu.memory_space<hbm>>
      tpu.wait_dma2 semaphore(%arg7 : memref<!tpu.dma_semaphore, #tpu.memory_space<semaphore_mem>>) src(%dma_wait3A_585 : memref<256x128xf32, #tpu.memory_space<hbm>>) dst(%arg4 : memref<256x128xf32, #tpu.memory_space<vmem>>)
      %parallel_loop3A_586 = arith.constant 0 : i32
      %parallel_loop3A_587 = arith.constant 256 : i32
      %parallel_loop3A_588 = arith.constant 1 : i32
      scf.for %parallel_loop3A_643 = %parallel_loop3A_586 to %parallel_loop3A_587 step %parallel_loop3A_588  : i32 {
        %parallel_loop3A_644 = arith.index_cast %parallel_loop3A_643 : i32 to index
        %parallel_loop3A_645 = arith.constant 0 : index
        %parallel_loop3A_646 = tpu.vector_load %arg4[%parallel_loop3A_644, %parallel_loop3A_645] {strides = array<i32>} : memref<256x128xf32, #tpu.memory_space<vmem>>, vector<1x16xf32>,
        %parallel_loop3A_647 = vector.shape_cast %parallel_loop3A_646 : vector<1x16xf32> to vector<16xf32>
        %parallel_loop3A_648 = arith.mulf %parallel_loop3A_647, %div3A_248 : vector<16xf32>
        %parallel_loop3A_649 = arith.index_cast %parallel_loop3A_643 : i32 to index
        %parallel_loop3A_650 = arith.constant 0 : index
        %parallel_loop3A_651 = tpu.vector_load %arg4[%parallel_loop3A_649, %parallel_loop3A_650] {strides = array<i32>} : memref<256x128xf32, #tpu.memory_space<vmem>>, vector<1x16xf32>,
        %parallel_loop3A_652 = vector.shape_cast %parallel_loop3A_651 : vector<1x16xf32> to vector<16xf32>
        %parallel_loop3A_653 = vector.shape_cast %parallel_loop3A_648 : vector<16xf32> to vector<1x16xf32>
        tpu.vector_store %arg4[%parallel_loop3A_649, %parallel_loop3A_650], %parallel_loop3A_653 {strides = array<i32>} : memref<256x128xf32, #tpu.memory_space<vmem>>, vector<1x16xf32>,
        %parallel_loop3A_654 = arith.index_cast %parallel_loop3A_643 : i32 to index
        %parallel_loop3A_655 = arith.constant 16 : index
        %parallel_loop3A_656 = tpu.vector_load %arg4[%parallel_loop3A_654, %parallel_loop3A_655] {strides = array<i32>} : memref<256x128xf32, #tpu.memory_space<vmem>>, vector<1x16xf32>,
        %parallel_loop3A_657 = vector.shape_cast %parallel_loop3A_656 : vector<1x16xf32> to vector<16xf32>
        %parallel_loop3A_658 = arith.mulf %parallel_loop3A_657, %div3A_254 : vector<16xf32>
        %parallel_loop3A_659 = arith.index_cast %parallel_loop3A_643 : i32 to index
        %parallel_loop3A_660 = arith.constant 16 : index
        %parallel_loop3A_661 = tpu.vector_load %arg4[%parallel_loop3A_659, %parallel_loop3A_660] {strides = array<i32>} : memref<256x128xf32, #tpu.memory_space<vmem>>, vector<1x16xf32>,
        %parallel_loop3A_662 = vector.shape_cast %parallel_loop3A_661 : vector<1x16xf32> to vector<16xf32>
        %parallel_loop3A_663 = vector.shape_cast %parallel_loop3A_658 : vector<16xf32> to vector<1x16xf32>
        tpu.vector_store %arg4[%parallel_loop3A_659, %parallel_loop3A_660], %parallel_loop3A_663 {strides = array<i32>} : memref<256x128xf32, #tpu.memory_space<vmem>>, vector<1x16xf32>,
        %parallel_loop3A_664 = arith.index_cast %parallel_loop3A_643 : i32 to index
        %parallel_loop3A_665 = arith.constant 32 : index
        %parallel_loop3A_666 = tpu.vector_load %arg4[%parallel_loop3A_664, %parallel_loop3A_665] {strides = array<i32>} : memref<256x128xf32, #tpu.memory_space<vmem>>, vector<1x16xf32>,
        %parallel_loop3A_667 = vector.shape_cast %parallel_loop3A_666 : vector<1x16xf32> to vector<16xf32>
        %parallel_loop3A_668 = arith.mulf %parallel_loop3A_667, %div3A_260 : vector<16xf32>
        %parallel_loop3A_669 = arith.index_cast %parallel_loop3A_643 : i32 to index
        %parallel_loop3A_670 = arith.constant 32 : index
        %parallel_loop3A_671 = tpu.vector_load %arg4[%parallel_loop3A_669, %parallel_loop3A_670] {strides = array<i32>} : memref<256x128xf32, #tpu.memory_space<vmem>>, vector<1x16xf32>,
        %parallel_loop3A_672 = vector.shape_cast %parallel_loop3A_671 : vector<1x16xf32> to vector<16xf32>
        %parallel_loop3A_673 = vector.shape_cast %parallel_loop3A_668 : vector<16xf32> to vector<1x16xf32>
        tpu.vector_store %arg4[%parallel_loop3A_669, %parallel_loop3A_670], %parallel_loop3A_673 {strides = array<i32>} : memref<256x128xf32, #tpu.memory_space<vmem>>, vector<1x16xf32>,
        %parallel_loop3A_674 = arith.index_cast %parallel_loop3A_643 : i32 to index
        %parallel_loop3A_675 = arith.constant 48 : index
        %parallel_loop3A_676 = tpu.vector_load %arg4[%parallel_loop3A_674, %parallel_loop3A_675] {strides = array<i32>} : memref<256x128xf32, #tpu.memory_space<vmem>>, vector<1x16xf32>,
        %parallel_loop3A_677 = vector.shape_cast %parallel_loop3A_676 : vector<1x16xf32> to vector<16xf32>
        %parallel_loop3A_678 = arith.mulf %parallel_loop3A_677, %div3A_266 : vector<16xf32>
        %parallel_loop3A_679 = arith.index_cast %parallel_loop3A_643 : i32 to index
        %parallel_loop3A_680 = arith.constant 48 : index
        %parallel_loop3A_681 = tpu.vector_load %arg4[%parallel_loop3A_679, %parallel_loop3A_680] {strides = array<i32>} : memref<256x128xf32, #tpu.memory_space<vmem>>, vector<1x16xf32>,
        %parallel_loop3A_682 = vector.shape_cast %parallel_loop3A_681 : vector<1x16xf32> to vector<16xf32>
        %parallel_loop3A_683 = vector.shape_cast %parallel_loop3A_678 : vector<16xf32> to vector<1x16xf32>
        tpu.vector_store %arg4[%parallel_loop3A_679, %parallel_loop3A_680], %parallel_loop3A_683 {strides = array<i32>} : memref<256x128xf32, #tpu.memory_space<vmem>>, vector<1x16xf32>,
        %parallel_loop3A_684 = arith.index_cast %parallel_loop3A_643 : i32 to index
        %parallel_loop3A_685 = arith.constant 64 : index
        %parallel_loop3A_686 = tpu.vector_load %arg4[%parallel_loop3A_684, %parallel_loop3A_685] {strides = array<i32>} : memref<256x128xf32, #tpu.memory_space<vmem>>, vector<1x16xf32>,
        %parallel_loop3A_687 = vector.shape_cast %parallel_loop3A_686 : vector<1x16xf32> to vector<16xf32>
        %parallel_loop3A_688 = arith.mulf %parallel_loop3A_687, %div3A_272 : vector<16xf32>
        %parallel_loop3A_689 = arith.index_cast %parallel_loop3A_643 : i32 to index
        %parallel_loop3A_690 = arith.constant 64 : index
        %parallel_loop3A_691 = tpu.vector_load %arg4[%parallel_loop3A_689, %parallel_loop3A_690] {strides = array<i32>} : memref<256x128xf32, #tpu.memory_space<vmem>>, vector<1x16xf32>,
        %parallel_loop3A_692 = vector.shape_cast %parallel_loop3A_691 : vector<1x16xf32> to vector<16xf32>
        %parallel_loop3A_693 = vector.shape_cast %parallel_loop3A_688 : vector<16xf32> to vector<1x16xf32>
        tpu.vector_store %arg4[%parallel_loop3A_689, %parallel_loop3A_690], %parallel_loop3A_693 {strides = array<i32>} : memref<256x128xf32, #tpu.memory_space<vmem>>, vector<1x16xf32>,
        %parallel_loop3A_694 = arith.index_cast %parallel_loop3A_643 : i32 to index
        %parallel_loop3A_695 = arith.constant 80 : index
        %parallel_loop3A_696 = tpu.vector_load %arg4[%parallel_loop3A_694, %parallel_loop3A_695] {strides = array<i32>} : memref<256x128xf32, #tpu.memory_space<vmem>>, vector<1x16xf32>,
        %parallel_loop3A_697 = vector.shape_cast %parallel_loop3A_696 : vector<1x16xf32> to vector<16xf32>
        %parallel_loop3A_698 = arith.mulf %parallel_loop3A_697, %div3A_278 : vector<16xf32>
        %parallel_loop3A_699 = arith.index_cast %parallel_loop3A_643 : i32 to index
        %parallel_loop3A_700 = arith.constant 80 : index
        %parallel_loop3A_701 = tpu.vector_load %arg4[%parallel_loop3A_699, %parallel_loop3A_700] {strides = array<i32>} : memref<256x128xf32, #tpu.memory_space<vmem>>, vector<1x16xf32>,
        %parallel_loop3A_702 = vector.shape_cast %parallel_loop3A_701 : vector<1x16xf32> to vector<16xf32>
        %parallel_loop3A_703 = vector.shape_cast %parallel_loop3A_698 : vector<16xf32> to vector<1x16xf32>
        tpu.vector_store %arg4[%parallel_loop3A_699, %parallel_loop3A_700], %parallel_loop3A_703 {strides = array<i32>} : memref<256x128xf32, #tpu.memory_space<vmem>>, vector<1x16xf32>,
        %parallel_loop3A_704 = arith.index_cast %parallel_loop3A_643 : i32 to index
        %parallel_loop3A_705 = arith.constant 96 : index
        %parallel_loop3A_706 = tpu.vector_load %arg4[%parallel_loop3A_704, %parallel_loop3A_705] {strides = array<i32>} : memref<256x128xf32, #tpu.memory_space<vmem>>, vector<1x16xf32>,
        %parallel_loop3A_707 = vector.shape_cast %parallel_loop3A_706 : vector<1x16xf32> to vector<16xf32>
        %parallel_loop3A_708 = arith.mulf %parallel_loop3A_707, %div3A_284 : vector<16xf32>
        %parallel_loop3A_709 = arith.index_cast %parallel_loop3A_643 : i32 to index
        %parallel_loop3A_710 = arith.constant 96 : index
        %parallel_loop3A_711 = tpu.vector_load %arg4[%parallel_loop3A_709, %parallel_loop3A_710] {strides = array<i32>} : memref<256x128xf32, #tpu.memory_space<vmem>>, vector<1x16xf32>,
        %parallel_loop3A_712 = vector.shape_cast %parallel_loop3A_711 : vector<1x16xf32> to vector<16xf32>
        %parallel_loop3A_713 = vector.shape_cast %parallel_loop3A_708 : vector<16xf32> to vector<1x16xf32>
        tpu.vector_store %arg4[%parallel_loop3A_709, %parallel_loop3A_710], %parallel_loop3A_713 {strides = array<i32>} : memref<256x128xf32, #tpu.memory_space<vmem>>, vector<1x16xf32>,
        %parallel_loop3A_714 = arith.index_cast %parallel_loop3A_643 : i32 to index
        %parallel_loop3A_715 = arith.constant 112 : index
        %parallel_loop3A_716 = tpu.vector_load %arg4[%parallel_loop3A_714, %parallel_loop3A_715] {strides = array<i32>} : memref<256x128xf32, #tpu.memory_space<vmem>>, vector<1x16xf32>,
        %parallel_loop3A_717 = vector.shape_cast %parallel_loop3A_716 : vector<1x16xf32> to vector<16xf32>
        %parallel_loop3A_718 = arith.mulf %parallel_loop3A_717, %div3A_290 : vector<16xf32>
        %parallel_loop3A_719 = arith.index_cast %parallel_loop3A_643 : i32 to index
        %parallel_loop3A_720 = arith.constant 112 : index
        %parallel_loop3A_721 = tpu.vector_load %arg4[%parallel_loop3A_719, %parallel_loop3A_720] {strides = array<i32>} : memref<256x128xf32, #tpu.memory_space<vmem>>, vector<1x16xf32>,
        %parallel_loop3A_722 = vector.shape_cast %parallel_loop3A_721 : vector<1x16xf32> to vector<16xf32>
        %parallel_loop3A_723 = vector.shape_cast %parallel_loop3A_718 : vector<16xf32> to vector<1x16xf32>
        tpu.vector_store %arg4[%parallel_loop3A_719, %parallel_loop3A_720], %parallel_loop3A_723 {strides = array<i32>} : memref<256x128xf32, #tpu.memory_space<vmem>>, vector<1x16xf32>,
      } {sc.loop_unroll_factor = 1 : i64, sc.parallel_access}
      %rem3A_589 = arith.constant 16 : i32
      %rem3A_590 = arith.remsi %add3A_9, %rem3A_589 : i32
      %div3A_591 = arith.constant 16 : i32
      %div3A_592 = arith.divsi %add3A_9, %div3A_591 : i32
      %mul3A_593 = arith.constant 2048 : i32
      %mul3A_594 = arith.muli %rem3A_590, %mul3A_593 : i32
      %add3A_595 = arith.constant 1024 : i32
      %add3A_596 = arith.addi %mul3A_594, %add3A_595 : i32
      %mul3A_597 = arith.constant 128 : i32
      %mul3A_598 = arith.muli %div3A_592, %mul3A_597 : i32
      %dma_start3A_599 = tpu.memref_slice %arg3[%add3A_596, %mul3A_598] : memref<32768x512xf32, #tpu.memory_space<hbm>> -> memref<256x128xf32, #tpu.memory_space<hbm>>
      %dma_start3A_600 = tpu.memref_slice %arg3[%add3A_596, %mul3A_598] : memref<32768x512xf32, #tpu.memory_space<hbm>> -> memref<256x128xf32, #tpu.memory_space<hbm>>
      tpu.enqueue_dma source(%arg4 : memref<256x128xf32, #tpu.memory_space<vmem>>) target(%dma_start3A_600 : memref<256x128xf32, #tpu.memory_space<hbm>>) target_semaphore(%arg10 : memref<!tpu.dma_semaphore, #tpu.memory_space<semaphore_mem>>)
      %rem3A_601 = arith.constant 0 : i32
      %rem3A_602 = arith.constant 16 : i32
      %rem3A_603 = arith.remsi %rem3A_601, %rem3A_602 : i32
      %div3A_604 = arith.constant 0 : i32
      %div3A_605 = arith.constant 16 : i32
      %div3A_606 = arith.divsi %div3A_604, %div3A_605 : i32
      %mul3A_607 = arith.constant 2048 : i32
      %mul3A_608 = arith.muli %rem3A_603, %mul3A_607 : i32
      %add3A_609 = arith.constant 0 : i32
      %add3A_610 = arith.addi %mul3A_608, %add3A_609 : i32
      %mul3A_611 = arith.constant 128 : i32
      %mul3A_612 = arith.muli %div3A_606, %mul3A_611 : i32
      %dma_wait3A_613 = tpu.memref_slice %arg3[%add3A_610, %mul3A_612] : memref<32768x512xf32, #tpu.memory_space<hbm>> -> memref<256x128xf32, #tpu.memory_space<hbm>>
      %dma_wait3A_614 = tpu.memref_slice %arg3[%add3A_610, %mul3A_612] : memref<32768x512xf32, #tpu.memory_space<hbm>> -> memref<256x128xf32, #tpu.memory_space<hbm>>
      tpu.wait_dma2 semaphore(%arg11 : memref<!tpu.dma_semaphore, #tpu.memory_space<semaphore_mem>>) src(%arg5 : memref<256x128xf32, #tpu.memory_space<vmem>>) dst(%dma_wait3A_614 : memref<256x128xf32, #tpu.memory_space<hbm>>)
      %rem3A_615 = arith.constant 0 : i32
      %rem3A_616 = arith.constant 16 : i32
      %rem3A_617 = arith.remsi %rem3A_615, %rem3A_616 : i32
      %div3A_618 = arith.constant 0 : i32
      %div3A_619 = arith.constant 16 : i32
      %div3A_620 = arith.divsi %div3A_618, %div3A_619 : i32
      %mul3A_621 = arith.constant 2048 : i32
      %mul3A_622 = arith.muli %rem3A_617, %mul3A_621 : i32
      %add3A_623 = arith.constant 0 : i32
      %add3A_624 = arith.addi %mul3A_622, %add3A_623 : i32
      %mul3A_625 = arith.constant 128 : i32
      %mul3A_626 = arith.muli %div3A_620, %mul3A_625 : i32
      %dma_wait3A_627 = tpu.memref_slice %arg3[%add3A_624, %mul3A_626] : memref<32768x512xf32, #tpu.memory_space<hbm>> -> memref<256x128xf32, #tpu.memory_space<hbm>>
      %dma_wait3A_628 = tpu.memref_slice %arg3[%add3A_624, %mul3A_626] : memref<32768x512xf32, #tpu.memory_space<hbm>> -> memref<256x128xf32, #tpu.memory_space<hbm>>
      tpu.wait_dma2 semaphore(%arg12 : memref<!tpu.dma_semaphore, #tpu.memory_space<semaphore_mem>>) src(%arg6 : memref<256x128xf32, #tpu.memory_space<vmem>>) dst(%dma_wait3A_628 : memref<256x128xf32, #tpu.memory_space<hbm>>)
      %rem3A_629 = arith.constant 0 : i32
      %rem3A_630 = arith.constant 16 : i32
      %rem3A_631 = arith.remsi %rem3A_629, %rem3A_630 : i32
      %div3A_632 = arith.constant 0 : i32
      %div3A_633 = arith.constant 16 : i32
      %div3A_634 = arith.divsi %div3A_632, %div3A_633 : i32
      %mul3A_635 = arith.constant 2048 : i32
      %mul3A_636 = arith.muli %rem3A_631, %mul3A_635 : i32
      %add3A_637 = arith.constant 0 : i32
      %add3A_638 = arith.addi %mul3A_636, %add3A_637 : i32
      %mul3A_639 = arith.constant 128 : i32
      %mul3A_640 = arith.muli %div3A_634, %mul3A_639 : i32
      %dma_wait3A_641 = tpu.memref_slice %arg3[%add3A_638, %mul3A_640] : memref<32768x512xf32, #tpu.memory_space<hbm>> -> memref<256x128xf32, #tpu.memory_space<hbm>>
      %dma_wait3A_642 = tpu.memref_slice %arg3[%add3A_638, %mul3A_640] : memref<32768x512xf32, #tpu.memory_space<hbm>> -> memref<256x128xf32, #tpu.memory_space<hbm>>
      tpu.wait_dma2 semaphore(%arg10 : memref<!tpu.dma_semaphore, #tpu.memory_space<semaphore_mem>>) src(%arg4 : memref<256x128xf32, #tpu.memory_space<vmem>>) dst(%dma_wait3A_642 : memref<256x128xf32, #tpu.memory_space<hbm>>)
    }
    %scan3A_7 = arith.constant 2 : i32
    return
  }
}

</mosaic_0001>

<sc_bundles>
// kernel: _lp2_norm.3.cloned.1.call-start
scs
__scs_entry_jumppad:
0x0: {  	(pc) =	sbr.rel $0x88, $3  }
0x1: {  	(tag) =	ssettag $0x0;
	lr =	simm.s32 $0x1  }
0x2: {  	[smem:$0x3FA0] =	sst lr;
	_ =	strace $0xD0000000  }
0x3: {  	_ = 	snop  }
0x4: {  	_ = 	snop  }
0x5: {  	_ = 	snop  }
0x6: {  	_ = 	snop  }
0x7: {  	_ = 	snop  }
__scs_overlays_trampoline_lowered:
0x8: {  	[smem:$0x3FAF] =	sst s0  }
0x9: {  	[smem:$0x3FB0] =	sst s1  }
0xa: {  	[smem:$0x3FB1] =	sst s2  }
0xb: {  	[smem:$0x3FB2] =	sst s3  }
0xc: {  	[smem:$0x3FB3] =	sst s4  }
0xd: {  	[smem:$0x3FB4] =	sst s5  }
0xe: {  	[smem:$0x3FB5] =	sst s6  }
0xf: {  	[smem:$0x3FB6] =	sst s7  }
0x10: {  	[smem:$0x3FB7] =	sst s8  }
0x11: {  	[smem:$0x3FB8] =	sst s9;
	s0 =	simm.s32 @!p0 $0x0  }
0x12: {  	s1 =	sld [smem:$0x3F9E];
	s0 =	simm.s32 @p0 $0x1  }
0x13: {  	[smem:$0x3FB9] =	sst s0;
	s0 =	simm.s32 @!p1 $0x0  }
0x14: {  	s2 =	sld [smem:$0x3F9D];
	s0 =	simm.s32 @p1 $0x1  }
0x15: {  	[smem:$0x3FBA] =	sst s0;
	s0 =	simm.s32 @!p2 $0x0  }
0x16: {  	s3 =	sld [smem:$0x3FDB];
	s0 =	simm.s32 @p2 $0x1  }
0x17: {  	s4 =	simm.s32 $0x1BF5;
	[smem:$0x3FBC] =	sst s0  }
0x18: {  	s0 =	sld [smem:$0x3F9F];
	_ =	swait.ge [sflag:s4], $0x0  }
0x19: {  	s7 =	sld [smem:$0x3FA0]  }
0x1a: {  	s8 =	sadd.s32 $0xFFFFE003, lr  }
0x1b: {  	s9 =	sadd.s32 $0xFFFFFEF7, lr;
	s5 =	simm.s32 $0xFFFFFFFF;
	p2 =	slt.u32 s8, $0xFFFFF086  }
0x1c: {  	p1 =	slt.u32 s9, $0xF7A;
	s5 =	simm.s32 @!p2 $0x0  }
0x1d: {  	s5 =	simm.s32 @p1 $0x1;
	p0 =	seq.s32 s7, s2  }
0x1e: {  	s7 =	smul.u32 @!p0 $0xF7A, s2;
	p2 =	seq.s32 @!p0 s5, $0x0  }
0x1f: {  	s9 =	smul.u32 $0xF7A, s1;
	s8 =	simm.s32 @!p0 $0x1BF5;
	p2 =	por !p2, p0  }
0x20: {  	[sflag:s8] =	ssyncset.s32 @!p0 $0xFFFFF086;
	s6 =	sadd.s32 @!p0 s3, s7;
	s7 =	simm.s32 @!p0 $0x108  }
0x21: {  	s3 =	sadd.s32 s3, s9;
	s6 =	sadd.s32 @!p0 $0x88, s6;
	s7 =	simm.s32 @p2 $0x1082  }
0x22: {  	[simem:s7], [sflag:s8] =	dma.local @!p0 [hbm:s6], $0xF7A  }
0x23: {  	s9 =	sor.u32 $0xD0000000, s2;
	s6 =	simm.s32 $0x108;
	_ =	swait.ge @!p0 [sflag:s8], $0x0  }
0x24: {  	s3 =	sadd.s32 $0x88, s3;
	s6 =	simm.s32 @!p1 $0x1082;
	[sflag:s4] =	ssyncset.s32 $0xFFFFF086  }
0x25: {  	[simem:s6], [sflag:s4] =	dma.local [hbm:s3], $0xF7A  }
0x26: {  	[smem:$0x3FA0] =	sst s1;
	(tag) =	ssettag s2;
	_ =	strace s9  }
0x27: {  	s1 =	sld [smem:$0x3FB0]  }
0x28: {  	s2 =	sld [smem:$0x3FB1]  }
0x29: {  	s4 =	sld [smem:$0x3FB3]  }
0x2a: {  	p0 =	seq.s32 s5, $0x0;
	s5 =	sld [smem:$0x3FB4]  }
0x2b: {  	s6 =	sld [smem:$0x3FB5]  }
0x2c: {  	s7 =	sld [smem:$0x3FB6]  }
0x2d: {  	s3 =	simm.s32 $0x108;
	s8 =	sld [smem:$0x3FB7]  }
0x2e: {  	s3 =	simm.s32 @!p0 $0x1082;
	s9 =	sld [smem:$0x3FB8]  }
0x2f: {  	lr =	sadd.s32 s0, s3;
	s0 =	sld [smem:$0x3FAF]  }
0x30: {  	s3 =	sld [smem:$0x3FB2]  }
0x31: {  	[smem:$0x3FBB] =	sst s10  }
0x32: {  	s10 =	sld [smem:$0x3FB9];
	_ =	sdelay $0x3  }
0x33: {  	p0 =	seq.s32 s10, $0x1;
	s10 =	sld [smem:$0x3FBB];
	_ =	sdelay $0x3  }
0x34: {  	[smem:$0x3FBB] =	sst s10  }
0x35: {  	s10 =	sld [smem:$0x3FBA];
	_ =	sdelay $0x3  }
0x36: {  	p1 =	seq.s32 s10, $0x1;
	s10 =	sld [smem:$0x3FBB];
	_ =	sdelay $0x3  }
0x37: {  	[smem:$0x3FBB] =	sst s10  }
0x38: {  	s10 =	sld [smem:$0x3FBC]  }
0x39: {  	_ = 	snop;
	(pc) =	sbr.ind lr, $3  }
0x3a: {  	_ = 	snop  }
0x3b: {  	_ = 	snop  }
0x3c: {  	p2 =	seq.s32 s10, $0x1;
	s10 =	sld [smem:$0x3FBB]  }
0x3d: {  	_ =	shalt  }
0x3e: {  	_ =	shalt  }
0x3f: {  	_ =	shalt  }
0x40: {  	_ =	shalt  }
0x41: {  	_ =	shalt  }
0x42: {  	_ =	shalt  }
0x43: {  	_ =	shalt  }
0x44: {  	_ =	shalt  }
0x45: {  	_ =	shalt  }
0x46: {  	_ =	shalt  }
0x47: {  	_ =	shalt  }
0x48: {  	_ =	shalt  }
0x49: {  	_ =	shalt  }
0x4a: {  	_ =	shalt  }
0x4b: {  	_ =	shalt  }
0x4c: {  	_ =	shalt  }
0x4d: {  	_ =	shalt  }
0x4e: {  	_ =	shalt  }
0x4f: {  	_ =	shalt  }
0x50: {  	_ =	shalt  }
0x51: {  	_ =	shalt  }
0x52: {  	_ =	shalt  }
0x53: {  	_ =	shalt  }
0x54: {  	_ =	shalt  }
0x55: {  	_ =	shalt  }
0x56: {  	_ =	shalt  }
0x57: {  	_ =	shalt  }
0x58: {  	_ =	shalt  }
0x59: {  	_ =	shalt  }
0x5a: {  	_ =	shalt  }
0x5b: {  	_ =	shalt  }
0x5c: {  	_ =	shalt  }
0x5d: {  	_ =	shalt  }
0x5e: {  	_ =	shalt  }
0x5f: {  	_ =	shalt  }
0x60: {  	_ =	shalt  }
0x61: {  	_ =	shalt  }
0x62: {  	_ =	shalt  }
0x63: {  	_ =	shalt  }
0x64: {  	_ =	shalt  }
0x65: {  	_ =	shalt  }
0x66: {  	_ =	shalt  }
0x67: {  	_ =	shalt  }
0x68: {  	_ =	shalt  }
0x69: {  	_ =	shalt  }
0x6a: {  	_ =	shalt  }
0x6b: {  	_ =	shalt  }
0x6c: {  	_ =	shalt  }
0x6d: {  	_ =	shalt  }
0x6e: {  	_ =	shalt  }
0x6f: {  	_ =	shalt  }
0x70: {  	_ =	shalt  }
0x71: {  	_ =	shalt  }
0x72: {  	_ =	shalt  }
0x73: {  	_ =	shalt  }
0x74: {  	_ =	shalt  }
0x75: {  	_ =	shalt  }
0x76: {  	_ =	shalt  }
0x77: {  	_ =	shalt  }
0x78: {  	_ =	shalt  }
0x79: {  	_ =	shalt  }
0x7a: {  	_ =	shalt  }
0x7b: {  	_ =	shalt  }
0x7c: {  	_ =	shalt  }
0x7d: {  	_ =	shalt  }
0x7e: {  	_ =	shalt  }
0x7f: {  	_ =	shalt  }
0x80: {  	_ =	shalt  }
0x81: {  	_ =	shalt  }
0x82: {  	_ =	shalt  }
0x83: {  	_ =	shalt  }
0x84: {  	_ =	shalt  }
0x85: {  	_ =	shalt  }
0x86: {  	_ =	shalt  }
0x87: {  	_ =	shalt  }
.Lfunc_end0:
.L_simem_size_0:
called_computation_lowered:
.L_overlay_start_0:
0x88: {  	s2 =	sld [smem:$0x3FD9]  }
0x89: {  	s3 =	sld [smem:$0x3FFE];
	_ =	sdelay $0x1  }
0x8a: {  	s1 =	srdreg.scid  }
0x8b: {  	s0 =	sand.u32 $0x1, s1  }
0x8c: {  	s18 =	sshll.u32 s0, $0xA;
	s2 =	sadd.s32 s3, s2  }
0x8d: {  	s2 =	sadd.s32 s2, s18  }
0x8e: {  	[smem:$0x3FC7] =	sst s2  }
0x8f: {  	_ = 	snop  }
0x90: {  	s2 =	sld [smem:$0x3FC9]  }
0x91: {  	s19 =	sld [smem:$0x3FD0];
	(tm) =	ssettm $0x1  }
0x92: {  	s4 =	sld [smem:$0x3FFB];
	_ =	sdelay $0x3  }
0x93: {  	_ =	strace s4  }
0x94: {  	s4 =	sld [smem:$0x3FFC];
	_ =	sdelay $0x3  }
0x95: {  	_ =	strace s4  }
0x96: {  	s4 =	sld [smem:$0x3FFD];
	_ =	sdelay $0x3  }
0x97: {  	_ =	strace s4  }
0x98: {  	_ =	strace $0x8FFFFFFF  }
0x99: {  	s20 =	sld [smem:$0x3FDB];
	_ =	sdelay $0x1  }
0x9a: {  	s5 =	simm.s32 $_scs_section_size  }
0x9b: {  	s6 =	simm.s32 $_size__tile_overlayer_lowered;
	s7 =	simm.s32 $_tile_overlayer_lowered  }
0x9c: {  	s23 =	simm.s32 $0x1BFF;
	s22 =	sshll.u32 s7, $0x1;
	s4 =	sadd.s32 s5, s20  }
0x9d: {  	s8 =	simm.s32 $0x0;
	s21 =	sshll.u32 s6, $0x1;
	s6 =	sadd.s32 s22, s4  }
0x9e: {  	[timem:s8], [sflag:s23] =	dma.local [hbm:s6], s21  }
0x9f: {  	_ =	swait.ge [sflag:s23], s21  }
0xa0: {  	s5 =	ssub.s32 $0x0, s21;
	[sflag:s23] =	ssyncset.done $0x0  }
0xa1: {  	[sflag:s23] =	ssyncadd.s32 s5;
	_ =	sdelay $0x1  }
0xa2: {  	s24 =	simm.s32 $0x1B8B  }
0xa3: {  	_ =	swait.ge [sflag:s24], $0x1  }
0xa4: {  	[sflag:s24] =	ssyncset.done $0x0  }
0xa5: {  	s25 =	simm.s32 $0x1B8E;
	[sflag:s24] =	ssyncadd.s32 $0xFFFFFFFF  }
0xa6: {  	s26 =	simm.s32 $execute0_lowered;
	[smem:$0x3FD2] =	sst s25  }
0xa7: {  	s5 =	sshll.u32 s26, $0x1;
	_ =	strace $0x80000046;
	[dreg:$0x1] =	wrdreg $0xFFFFFFFF  }
0xa8: {  	s28 =	simm.s32 $_size_execute0_lowered;
	s4 =	sadd.s32 s4, s5;
	[dreg:$0x0] =	wrdreg $0x0  }
0xa9: {  	s5 =	sshll.u32 s28, $0x1;
	[dreg:$0x2] =	wrdreg s4  }
0xaa: {  	[dreg:$0x3] =	wrdreg s5  }
0xab: {  	[dreg:$0x4] =	wrdreg $0xC0  }
0xac: {  	_ =	task [dreg:s8], $0x5FFFF  }
0xad: {  	[dreg:$0x1] =	wrdreg $0xFFFFFFFF  }
0xae: {  	[dreg:$0x0] =	wrdreg $0x60  }
0xaf: {  	[dreg:$0x2] =	wrdreg s2  }
0xb0: {  	[dreg:$0x3] =	wrdreg s19  }
0xb1: {  	[dreg:$0x4] =	wrdreg $0x9  }
0xb2: {  	_ =	task.clear_ibuf [dreg:s8], $0x5FFFF;
	_ =	strace $0x90000046  }
0xb3: {  	s29 =	simm.s32 $0x9;
	_ =	strace $0x80000048  }
0xb4: {  	_ =	swait.ge [sflag:s29], $0x1  }
0xb5: {  	[sflag:s29] =	ssyncadd.s32 $0xFFFFFFFF  }
0xb6: {  	_ =	strace $0x90000048  }
0xb7: {  	_ =	sfence  }
0xb8: {  	s30 =	sld [smem:$0x0];
	_ =	sdelay $0x2  }
0xb9: {  	s31 =	sshll.u32 s1, $0xD;
	s1 =	sshrl.u32 s1, $0x2  }
0xba: {  	s3 =	sand.u32 $0x4000, s31;
	s1 =	sadd.s32 s1, s30  }
0xbb: {  	s0 =	sor.u32 s3, s0;
	s1 =	sshll.u32 s1, $0x11  }
0xbc: {  	s0 =	sor.u32 s1, s0  }
0xbd: {  	s0 =	sadd.s32 $0x8F2B, s0  }
0xbe: {  	[sflag:s0] =	ssyncadd.remote.s32 $0x1  }
0xbf: {  	_ =	sfence.sel $0xFFFF  }
0xc0: {  	[dreg:$0x0] =	wrdreg $0xFFFFFFFF;
	(pc) =	sbr.abs _section_cstart, $3  }
0xc1: {  	[dreg:$0x1] =	wrdreg $0xFFFFFFFF  }
0xc2: {  	_ =	task.clear_ibuf [dreg:s8], $0x2FFFF;
	_ =	strace $0x9FFFFFFF  }
0xc3: {  	(tm) =	ssettm $0x7FFFFFFF  }
tec
execute0_lowered:
.L_overlay_start_1:
0x0: {  	(tag) =	ssettag $0x1  }
0x1: {  	s1 =	rddreg [dreg:$0x0]  }
0x2: {  	s0 =	srdreg.scid;
	s2 =	rddreg [dreg:$0x1];
	s4 =	simm.s32 $0x0  }
0x3: {  	s6 =	stileid.u32;
	s7 =	simm.s32 $0x400;
	s8 =	simm.s32 $0x1000  }
0x4: {  	s9 =	simm.s32 $0x8000;
	s10 =	simm.s32 $0x10000;
	s11 =	simm.s32 $0x1  }
0x5: {  	s12 =	simm.s32 $0x2;
	s13 =	simm.s32 $0x3;
	s14 =	simm.s32 $0x6  }
0x6: {  	s15 =	simm.s32 $0x4;
	s16 =	simm.s32 $0x5;
	s0 =	sand.u32 $0x1, s0  }
0x7: {  	s17 =	simm.s32 $0x0;
	[smem:$0x7FF] =	sst s4;
	s3 =	ssub.s32 $0x2, s0  }
0x8: {  	s30 =	sshll.u32 s6, $0x13;
	s6 =	sshll.u32 s6, $0x5;
	s5 =	sshrl.u32 s3, $0x1  }
0x9: {  	s0 =	sshll.u32 s0, $0x12;
	s3 =	ssub.s32 s3, s5;
	s5 =	sand.u32 $0x180000, s30  }
0xa: {  	s31 =	sand.u32 $0x180, s6;
	s0 =	sor.u32 s0, s5;
	s3 =	smax.u32 s3, $0x1  }
0xb: {  	_ =	strace $0x80000047;
	[dreg:$0x3] =	wrdreg s3;
	s6 =	sor.u32 s31, s0  }
.LBB2_1:
0xc: {  	p1 =	por $0x1, $0x1;
	s0 =	simm.s32 $0x0  }
.LBB2_2:
0xd: {  	s22 =	sor.u32 s6, s0  }
0xe: {  	s31 =	simm.s32 $0x0;
	s28 =	sadd.s32 s1, s22;
	s21 =	sor.u32 $0x4000, s22  }
0xf: {  	[tilespmem:s31], [sflag:$0x1] =	stream.strided.gather [hbm4b:s28+s7], $0x8000, s8, s7, $0x38;
	[tilespmem:$0x18000] =	vst v63  }
0x10: {  	s20 =	sor.u32 $0x8000, s22;
	s26 =	sadd.s32 s1, s21  }
0x11: {  	[tilespmem:s9], [sflag:$0x2] =	stream.strided.gather [hbm4b:s26+s7], $0x8000, s8, s7, $0x38;
	[tilespmem:$0x18000] =	vst v63  }
0x12: {  	s25 =	sadd.s32 s1, s20  }
0x13: {  	[tilespmem:s10], [sflag:$0x3] =	stream.strided.gather [hbm4b:s25+s7], $0x8000, s8, s7, $0x38;
	[tilespmem:$0x18000] =	vst v63  }
0x14: {  	_ =	swait.ge [sflag:s11], $0x8000  }
0x15: {  	[sflag:s11] =	ssyncset.done $0x0  }
0x16: {  	s5 =	simm.s32 $0x0;
	[sflag:s11] =	ssyncadd.s32 $0xFFFF8000  }
0x17: {  	v0 =	vld [tilespmem:s5+$0x70]  }
0x18: {  	v1 =	vld [tilespmem:s5+$0x0]  }
0x19: {  	v3 =	vld [tilespmem:s5+$0x10];
	_ =	sdelay $0x1  }
0x1a: {  	v9 =	vld [tilespmem:s5+$0x20]  }
0x1b: {  	v2 =	vimm.f32 $0.0e+00;
	v6 =	vimm.f32 $0.0e+00;
	v8 =	vld [tilespmem:s5+$0x30]  }
0x1c: {  	v4 =	vimm.f32 $0.0e+00;
	v7 =	vimm.f32 $0.0e+00;
	v5 =	vimm.f32 $0.0e+00;
	v10 =	vld [tilespmem:s5+$0x40]  }
0x1d: {  	v11 =	vld [tilespmem:s5+$0x50];
	v0 =	vand.u32 $0x7FFFFFFF, v0;
	v1 =	vand.u32 $0x7FFFFFFF, v1;
	v13 =	vand.u32 $0x7FFFFFFF, v3  }
0x1e: {  	p0 =	por p1, p1;
	s0 =	simm.s32 $0x80;
	s3 =	simm.s32 $0x400;
	v12 =	vld [tilespmem:s5+$0x60];
	v3 =	vimm.f32 $0.0e+00;
	v0 =	vmax.f32 v2, v0;
	v1 =	vmax.f32 v2, v1  }
.LBB2_3:
0x1f: {  	p1 =	sne.s32 s3, $0x1FE00;
	v14 =	vld [tilespmem:s0+$0x70];
	v9 =	vand.u32 $0x7FFFFFFF, v9;
	v2 =	vmax.f32 v2, v13  }
0x20: {  	v13 =	vld [tilespmem:s0+$0x0];
	v8 =	vand.u32 $0x7FFFFFFF, v8;
	v6 =	vmax.f32 v6, v9  }
0x21: {  	v15 =	vld [tilespmem:s0+$0x10];
	v10 =	vand.u32 $0x7FFFFFFF, v10;
	v4 =	vmax.f32 v4, v8  }
.Ltmp0:
0x22: {  	v9 =	vld [tilespmem:s0+$0x20];
	v11 =	vand.u32 $0x7FFFFFFF, v11;
	v7 =	vmax.f32 v7, v10;
	(pc) =	sbr.rel @p1 .LBB2_3-.Ltmp0, $4  }
0x23: {  	v8 =	vld [tilespmem:s0+$0x30];
	v12 =	vand.u32 $0x7FFFFFFF, v12;
	v5 =	vmax.f32 v5, v11  }
0x24: {  	v10 =	vld [tilespmem:s0+$0x40];
	v14 =	vand.u32 $0x7FFFFFFF, v14;
	v3 =	vmax.f32 v3, v12  }
0x25: {  	v16 =	vand.u32 $0x7FFFFFFF, v13;
	v11 =	vld [tilespmem:s0+$0x50];
	v0 =	vmax.f32 v0, v14  }
0x26: {  	v13 =	vand.u32 $0x7FFFFFFF, v15;
	v12 =	vld [tilespmem:s0+$0x60];
	s0 =	sshra.s32 s3, $0x2;
	s3 =	sadd.s32 $0x200, s3;
	v1 =	vmax.f32 v1, v16  }
0x27: {  	v14 =	vld [tilespmem:s0+$0x70]  }
0x28: {  	v15 =	vld [tilespmem:s0+$0x0]  }
0x29: {  	v16 =	vld [tilespmem:s0+$0x10]  }
0x2a: {  	v17 =	vld [tilespmem:s0+$0x20]  }
0x2b: {  	v18 =	vld [tilespmem:s0+$0x30]  }
0x2c: {  	v19 =	vld [tilespmem:s0+$0x40];
	s18 =	sor.u32 $0xC000, s22  }
0x2d: {  	v20 =	vld [tilespmem:s0+$0x50];
	s31 =	simm.s32 $0x0;
	s24 =	sadd.s32 s1, s18  }
0x2e: {  	v21 =	vld [tilespmem:s0+$0x60];
	[tilespmem:s31], [sflag:$0x1] =	stream.strided.gather [hbm4b:s24+s7], $0x8000, s8, s7, $0x38  }
0x2f: {  	v2 =	vmax.f32 v2, v13;
	v9 =	vand.u32 $0x7FFFFFFF, v9;
	_ =	swait.ge [sflag:s12], $0x8000  }
0x30: {  	v6 =	vmax.f32 v6, v9;
	v8 =	vand.u32 $0x7FFFFFFF, v8;
	v9 =	vand.u32 $0x7FFFFFFF, v10;
	[sflag:s12] =	ssyncset.done $0x0  }
0x31: {  	s5 =	simm.s32 $0x0;
	v10 =	vmax.f32 v4, v8;
	v7 =	vmax.f32 v7, v9;
	v4 =	vand.u32 $0x7FFFFFFF, v11;
	[sflag:s12] =	ssyncadd.s32 $0xFFFF8000  }
0x32: {  	v8 =	vand.u32 $0x7FFFFFFF, v12;
	v11 =	vmax.f32 v5, v4;
	v4 =	vand.u32 $0x7FFFFFFF, v14;
	v12 =	vld [tilespmem:s5+$0x8070]  }
0x33: {  	v3 =	vmax.f32 v3, v8;
	v5 =	vand.u32 $0x7FFFFFFF, v15;
	v13 =	vmax.f32 v0, v4;
	v14 =	vld [tilespmem:s5+$0x8000]  }
0x34: {  	v0 =	vand.u32 $0x7FFFFFFF, v16;
	v15 =	vmax.f32 v1, v5;
	v1 =	vand.u32 $0x7FFFFFFF, v17;
	v63 =	vld [tilespmem:s5+$0x8010]  }
0x35: {  	v8 =	vld [tilespmem:s5+$0x8020];
	v5 =	vmax.f32 v2, v0;
	v0 =	vand.u32 $0x7FFFFFFF, v18;
	v4 =	vmax.f32 v6, v1  }
0x36: {  	v9 =	vld [tilespmem:s5+$0x8030];
	v1 =	vand.u32 $0x7FFFFFFF, v19;
	v2 =	vmax.f32 v10, v0;
	v0 =	vand.u32 $0x7FFFFFFF, v20  }
0x37: {  	v6 =	vmax.f32 v7, v1;
	v7 =	vand.u32 $0x7FFFFFFF, v21;
	v10 =	vld [tilespmem:s5+$0x8040];
	v1 =	vmax.f32 v11, v0  }
0x38: {  	v0 =	vmax.f32 v3, v7;
	v11 =	vld [tilespmem:s5+$0x8050];
	v3 =	vand.u32 $0x7FFFFFFF, v12;
	v7 =	vand.u32 $0x7FFFFFFF, v14  }
0x39: {  	s0 =	simm.s32 $0x80;
	s3 =	simm.s32 $0x400;
	v12 =	vld [tilespmem:s5+$0x8060];
	v3 =	vmax.f32 v13, v3;
	v13 =	vand.u32 $0x7FFFFFFF, v63;
	v7 =	vmax.f32 v15, v7  }
.LBB2_5:
0x3a: {  	p1 =	sne.s32 s3, $0x1FE00;
	v14 =	vld [tilespmem:s0+$0x8070];
	v8 =	vand.u32 $0x7FFFFFFF, v8;
	v5 =	vmax.f32 v5, v13  }
0x3b: {  	v13 =	vld [tilespmem:s0+$0x8000];
	v9 =	vand.u32 $0x7FFFFFFF, v9;
	v4 =	vmax.f32 v4, v8  }
0x3c: {  	v15 =	vld [tilespmem:s0+$0x8010];
	v10 =	vand.u32 $0x7FFFFFFF, v10;
	v2 =	vmax.f32 v2, v9  }
.Ltmp1:
0x3d: {  	v8 =	vld [tilespmem:s0+$0x8020];
	v11 =	vand.u32 $0x7FFFFFFF, v11;
	v6 =	vmax.f32 v6, v10;
	(pc) =	sbr.rel @p1 .LBB2_5-.Ltmp1, $4  }
0x3e: {  	v9 =	vld [tilespmem:s0+$0x8030];
	v12 =	vand.u32 $0x7FFFFFFF, v12;
	v1 =	vmax.f32 v1, v11  }
0x3f: {  	v10 =	vld [tilespmem:s0+$0x8040];
	v14 =	vand.u32 $0x7FFFFFFF, v14;
	v0 =	vmax.f32 v0, v12  }
0x40: {  	v16 =	vand.u32 $0x7FFFFFFF, v13;
	v11 =	vld [tilespmem:s0+$0x8050];
	v3 =	vmax.f32 v3, v14  }
0x41: {  	v13 =	vand.u32 $0x7FFFFFFF, v15;
	v12 =	vld [tilespmem:s0+$0x8060];
	s0 =	sshra.s32 s3, $0x2;
	s3 =	sadd.s32 $0x200, s3;
	v7 =	vmax.f32 v7, v16  }
0x42: {  	v14 =	vld [tilespmem:s0+$0x8070]  }
0x43: {  	v15 =	vld [tilespmem:s0+$0x8000]  }
0x44: {  	v16 =	vld [tilespmem:s0+$0x8010]  }
0x45: {  	v17 =	vld [tilespmem:s0+$0x8020]  }
0x46: {  	v18 =	vld [tilespmem:s0+$0x8030]  }
0x47: {  	v19 =	vld [tilespmem:s0+$0x8040];
	s19 =	sor.u32 $0x10000, s22  }
0x48: {  	v20 =	vld [tilespmem:s0+$0x8050];
	s23 =	sadd.s32 s1, s19  }
0x49: {  	v21 =	vld [tilespmem:s0+$0x8060];
	[tilespmem:s9], [sflag:$0x2] =	stream.strided.gather [hbm4b:s23+s7], $0x8000, s8, s7, $0x38  }
0x4a: {  	v5 =	vmax.f32 v5, v13;
	v8 =	vand.u32 $0x7FFFFFFF, v8;
	_ =	swait.ge [sflag:s13], $0x8000  }
0x4b: {  	v4 =	vmax.f32 v4, v8;
	v8 =	vand.u32 $0x7FFFFFFF, v9;
	v9 =	vand.u32 $0x7FFFFFFF, v10;
	[sflag:s13] =	ssyncset.done $0x0  }
0x4c: {  	s5 =	simm.s32 $0x0;
	v2 =	vmax.f32 v2, v8;
	v6 =	vmax.f32 v6, v9;
	v8 =	vand.u32 $0x7FFFFFFF, v11;
	[sflag:s13] =	ssyncadd.s32 $0xFFFF8000  }
0x4d: {  	v9 =	vand.u32 $0x7FFFFFFF, v12;
	v1 =	vmax.f32 v1, v8;
	v8 =	vand.u32 $0x7FFFFFFF, v14;
	v11 =	vld [tilespmem:s5+$0x10070]  }
0x4e: {  	v0 =	vmax.f32 v0, v9;
	v9 =	vand.u32 $0x7FFFFFFF, v15;
	v10 =	vand.u32 $0x7FFFFFFF, v18;
	v12 =	vld [tilespmem:s5+$0x10000]  }
0x4f: {  	v14 =	vand.u32 $0x7FFFFFFF, v19;
	v3 =	vmax.f32 v3, v8;
	v8 =	vand.u32 $0x7FFFFFFF, v16;
	v13 =	vld [tilespmem:s5+$0x10010]  }
0x50: {  	v7 =	vmax.f32 v7, v9;
	v9 =	vand.u32 $0x7FFFFFFF, v17;
	v5 =	vmax.f32 v5, v8;
	v8 =	vld [tilespmem:s5+$0x10020]  }
0x51: {  	v2 =	vmax.f32 v2, v10;
	v10 =	vand.u32 $0x7FFFFFFF, v20;
	v4 =	vmax.f32 v4, v9;
	v9 =	vld [tilespmem:s5+$0x10030]  }
0x52: {  	v6 =	vmax.f32 v6, v14;
	v14 =	vand.u32 $0x7FFFFFFF, v21;
	v1 =	vmax.f32 v1, v10;
	v10 =	vld [tilespmem:s5+$0x10040]  }
0x53: {  	v0 =	vmax.f32 v0, v14;
	v14 =	vand.u32 $0x7FFFFFFF, v11;
	v15 =	vand.u32 $0x7FFFFFFF, v12;
	v11 =	vld [tilespmem:s5+$0x10050]  }
0x54: {  	s0 =	simm.s32 $0x80;
	s3 =	simm.s32 $0x400;
	v13 =	vand.u32 $0x7FFFFFFF, v13;
	v12 =	vld [tilespmem:s5+$0x10060];
	v3 =	vmax.f32 v3, v14;
	v7 =	vmax.f32 v7, v15  }
.LBB2_7:
0x55: {  	p1 =	sne.s32 s3, $0x1FE00;
	v14 =	vld [tilespmem:s0+$0x10070];
	v8 =	vand.u32 $0x7FFFFFFF, v8;
	v5 =	vmax.f32 v5, v13  }
0x56: {  	v13 =	vld [tilespmem:s0+$0x10000];
	v9 =	vand.u32 $0x7FFFFFFF, v9;
	v4 =	vmax.f32 v4, v8  }
0x57: {  	v15 =	vld [tilespmem:s0+$0x10010];
	v10 =	vand.u32 $0x7FFFFFFF, v10;
	v2 =	vmax.f32 v2, v9  }
.Ltmp2:
0x58: {  	v8 =	vld [tilespmem:s0+$0x10020];
	v11 =	vand.u32 $0x7FFFFFFF, v11;
	v6 =	vmax.f32 v6, v10;
	(pc) =	sbr.rel @p1 .LBB2_7-.Ltmp2, $4  }
0x59: {  	v9 =	vld [tilespmem:s0+$0x10030];
	v12 =	vand.u32 $0x7FFFFFFF, v12;
	v1 =	vmax.f32 v1, v11  }
0x5a: {  	v10 =	vld [tilespmem:s0+$0x10040];
	v14 =	vand.u32 $0x7FFFFFFF, v14;
	v0 =	vmax.f32 v0, v12  }
0x5b: {  	v16 =	vand.u32 $0x7FFFFFFF, v13;
	v11 =	vld [tilespmem:s0+$0x10050];
	v3 =	vmax.f32 v3, v14  }
0x5c: {  	v13 =	vand.u32 $0x7FFFFFFF, v15;
	v12 =	vld [tilespmem:s0+$0x10060];
	s0 =	sshra.s32 s3, $0x2;
	s3 =	sadd.s32 $0x200, s3;
	v7 =	vmax.f32 v7, v16  }
0x5d: {  	v14 =	vld [tilespmem:s0+$0x10070]  }
0x5e: {  	v15 =	vld [tilespmem:s0+$0x10000]  }
0x5f: {  	v16 =	vld [tilespmem:s0+$0x10010]  }
0x60: {  	v17 =	vld [tilespmem:s0+$0x10020]  }
0x61: {  	v18 =	vld [tilespmem:s0+$0x10030]  }
0x62: {  	v19 =	vld [tilespmem:s0+$0x10040];
	s31 =	sor.u32 $0x14000, s22  }
0x63: {  	v20 =	vld [tilespmem:s0+$0x10050];
	s30 =	sadd.s32 s1, s31  }
0x64: {  	v21 =	vld [tilespmem:s0+$0x10060];
	[tilespmem:s10], [sflag:$0x3] =	stream.strided.gather [hbm4b:s30+s7], $0x8000, s8, s7, $0x38  }
0x65: {  	v5 =	vmax.f32 v5, v13;
	v8 =	vand.u32 $0x7FFFFFFF, v8;
	_ =	swait.ge [sflag:s11], $0x8000  }
0x66: {  	v4 =	vmax.f32 v4, v8;
	v8 =	vand.u32 $0x7FFFFFFF, v9;
	v9 =	vand.u32 $0x7FFFFFFF, v10;
	[sflag:s11] =	ssyncset.done $0x0  }
0x67: {  	s5 =	simm.s32 $0x0;
	v2 =	vmax.f32 v2, v8;
	v6 =	vmax.f32 v6, v9;
	v8 =	vand.u32 $0x7FFFFFFF, v11;
	[sflag:s11] =	ssyncadd.s32 $0xFFFF8000  }
0x68: {  	v9 =	vand.u32 $0x7FFFFFFF, v12;
	v1 =	vmax.f32 v1, v8;
	v8 =	vand.u32 $0x7FFFFFFF, v14;
	v11 =	vld [tilespmem:s5+$0x70]  }
0x69: {  	v0 =	vmax.f32 v0, v9;
	v9 =	vand.u32 $0x7FFFFFFF, v15;
	v10 =	vand.u32 $0x7FFFFFFF, v18;
	v12 =	vld [tilespmem:s5+$0x0]  }
0x6a: {  	v14 =	vand.u32 $0x7FFFFFFF, v19;
	v3 =	vmax.f32 v3, v8;
	v8 =	vand.u32 $0x7FFFFFFF, v16;
	v13 =	vld [tilespmem:s5+$0x10]  }
0x6b: {  	v7 =	vmax.f32 v7, v9;
	v9 =	vand.u32 $0x7FFFFFFF, v17;
	v5 =	vmax.f32 v5, v8;
	v8 =	vld [tilespmem:s5+$0x20]  }
0x6c: {  	v2 =	vmax.f32 v2, v10;
	v10 =	vand.u32 $0x7FFFFFFF, v20;
	v4 =	vmax.f32 v4, v9;
	v9 =	vld [tilespmem:s5+$0x30]  }
0x6d: {  	v6 =	vmax.f32 v6, v14;
	v14 =	vand.u32 $0x7FFFFFFF, v21;
	v1 =	vmax.f32 v1, v10;
	v10 =	vld [tilespmem:s5+$0x40]  }
0x6e: {  	v0 =	vmax.f32 v0, v14;
	v14 =	vand.u32 $0x7FFFFFFF, v11;
	v15 =	vand.u32 $0x7FFFFFFF, v12;
	v11 =	vld [tilespmem:s5+$0x50]  }
0x6f: {  	s0 =	simm.s32 $0x80;
	s3 =	simm.s32 $0x400;
	v13 =	vand.u32 $0x7FFFFFFF, v13;
	v12 =	vld [tilespmem:s5+$0x60];
	v3 =	vmax.f32 v3, v14;
	v7 =	vmax.f32 v7, v15  }
.LBB2_9:
0x70: {  	p1 =	sne.s32 s3, $0x1FE00;
	v14 =	vld [tilespmem:s0+$0x70];
	v8 =	vand.u32 $0x7FFFFFFF, v8;
	v5 =	vmax.f32 v5, v13  }
0x71: {  	v13 =	vld [tilespmem:s0+$0x0];
	v9 =	vand.u32 $0x7FFFFFFF, v9;
	v4 =	vmax.f32 v4, v8  }
0x72: {  	v15 =	vld [tilespmem:s0+$0x10];
	v10 =	vand.u32 $0x7FFFFFFF, v10;
	v2 =	vmax.f32 v2, v9  }
.Ltmp3:
0x73: {  	v8 =	vld [tilespmem:s0+$0x20];
	v11 =	vand.u32 $0x7FFFFFFF, v11;
	v6 =	vmax.f32 v6, v10;
	(pc) =	sbr.rel @p1 .LBB2_9-.Ltmp3, $4  }
0x74: {  	v9 =	vld [tilespmem:s0+$0x30];
	v12 =	vand.u32 $0x7FFFFFFF, v12;
	v1 =	vmax.f32 v1, v11  }
0x75: {  	v10 =	vld [tilespmem:s0+$0x40];
	v14 =	vand.u32 $0x7FFFFFFF, v14;
	v0 =	vmax.f32 v0, v12  }
0x76: {  	v16 =	vand.u32 $0x7FFFFFFF, v13;
	v11 =	vld [tilespmem:s0+$0x50];
	v3 =	vmax.f32 v3, v14  }
0x77: {  	v13 =	vand.u32 $0x7FFFFFFF, v15;
	v12 =	vld [tilespmem:s0+$0x60];
	s0 =	sshra.s32 s3, $0x2;
	s3 =	sadd.s32 $0x200, s3;
	v7 =	vmax.f32 v7, v16  }
0x78: {  	v14 =	vld [tilespmem:s0+$0x70]  }
0x79: {  	v15 =	vld [tilespmem:s0+$0x0]  }
0x7a: {  	v16 =	vld [tilespmem:s0+$0x10]  }
0x7b: {  	v17 =	vld [tilespmem:s0+$0x20]  }
0x7c: {  	v18 =	vld [tilespmem:s0+$0x30]  }
0x7d: {  	v19 =	vld [tilespmem:s0+$0x40];
	s30 =	sor.u32 $0x18000, s22  }
0x7e: {  	v20 =	vld [tilespmem:s0+$0x50];
	s3 =	simm.s32 $0x0;
	s29 =	sadd.s32 s1, s30  }
0x7f: {  	v21 =	vld [tilespmem:s0+$0x60];
	[tilespmem:s3], [sflag:$0x1] =	stream.strided.gather [hbm4b:s29+s7], $0x8000, s8, s7, $0x38  }
0x80: {  	v5 =	vmax.f32 v5, v13;
	v8 =	vand.u32 $0x7FFFFFFF, v8;
	_ =	swait.ge [sflag:s12], $0x8000  }
0x81: {  	v4 =	vmax.f32 v4, v8;
	v8 =	vand.u32 $0x7FFFFFFF, v9;
	v9 =	vand.u32 $0x7FFFFFFF, v10;
	[sflag:s12] =	ssyncset.done $0x0  }
0x82: {  	s5 =	simm.s32 $0x0;
	v2 =	vmax.f32 v2, v8;
	v6 =	vmax.f32 v6, v9;
	v8 =	vand.u32 $0x7FFFFFFF, v11;
	[sflag:s12] =	ssyncadd.s32 $0xFFFF8000  }
0x83: {  	v9 =	vand.u32 $0x7FFFFFFF, v12;
	v1 =	vmax.f32 v1, v8;
	v8 =	vand.u32 $0x7FFFFFFF, v14;
	v11 =	vld [tilespmem:s5+$0x8070]  }
0x84: {  	v0 =	vmax.f32 v0, v9;
	v9 =	vand.u32 $0x7FFFFFFF, v15;
	v10 =	vand.u32 $0x7FFFFFFF, v18;
	v12 =	vld [tilespmem:s5+$0x8000]  }
0x85: {  	v14 =	vand.u32 $0x7FFFFFFF, v19;
	v3 =	vmax.f32 v3, v8;
	v8 =	vand.u32 $0x7FFFFFFF, v16;
	v13 =	vld [tilespmem:s5+$0x8010]  }
0x86: {  	v7 =	vmax.f32 v7, v9;
	v9 =	vand.u32 $0x7FFFFFFF, v17;
	v5 =	vmax.f32 v5, v8;
	v8 =	vld [tilespmem:s5+$0x8020]  }
0x87: {  	v2 =	vmax.f32 v2, v10;
	v10 =	vand.u32 $0x7FFFFFFF, v20;
	v4 =	vmax.f32 v4, v9;
	v9 =	vld [tilespmem:s5+$0x8030]  }
0x88: {  	v6 =	vmax.f32 v6, v14;
	v14 =	vand.u32 $0x7FFFFFFF, v21;
	v1 =	vmax.f32 v1, v10;
	v10 =	vld [tilespmem:s5+$0x8040]  }
0x89: {  	v0 =	vmax.f32 v0, v14;
	v14 =	vand.u32 $0x7FFFFFFF, v11;
	v15 =	vand.u32 $0x7FFFFFFF, v12;
	v11 =	vld [tilespmem:s5+$0x8050]  }
0x8a: {  	s0 =	simm.s32 $0x80;
	s3 =	simm.s32 $0x400;
	v13 =	vand.u32 $0x7FFFFFFF, v13;
	v12 =	vld [tilespmem:s5+$0x8060];
	v3 =	vmax.f32 v3, v14;
	v7 =	vmax.f32 v7, v15  }
.LBB2_11:
0x8b: {  	p1 =	sne.s32 s3, $0x1FE00;
	v14 =	vld [tilespmem:s0+$0x8070];
	v8 =	vand.u32 $0x7FFFFFFF, v8;
	v5 =	vmax.f32 v5, v13  }
0x8c: {  	v13 =	vld [tilespmem:s0+$0x8000];
	v9 =	vand.u32 $0x7FFFFFFF, v9;
	v4 =	vmax.f32 v4, v8  }
0x8d: {  	v15 =	vld [tilespmem:s0+$0x8010];
	v10 =	vand.u32 $0x7FFFFFFF, v10;
	v2 =	vmax.f32 v2, v9  }
.Ltmp4:
0x8e: {  	v8 =	vld [tilespmem:s0+$0x8020];
	v11 =	vand.u32 $0x7FFFFFFF, v11;
	v6 =	vmax.f32 v6, v10;
	(pc) =	sbr.rel @p1 .LBB2_11-.Ltmp4, $4  }
0x8f: {  	v9 =	vld [tilespmem:s0+$0x8030];
	v12 =	vand.u32 $0x7FFFFFFF, v12;
	v1 =	vmax.f32 v1, v11  }
0x90: {  	v10 =	vld [tilespmem:s0+$0x8040];
	v14 =	vand.u32 $0x7FFFFFFF, v14;
	v0 =	vmax.f32 v0, v12  }
0x91: {  	v16 =	vand.u32 $0x7FFFFFFF, v13;
	v11 =	vld [tilespmem:s0+$0x8050];
	v3 =	vmax.f32 v3, v14  }
0x92: {  	v13 =	vand.u32 $0x7FFFFFFF, v15;
	v12 =	vld [tilespmem:s0+$0x8060];
	s0 =	sshra.s32 s3, $0x2;
	s3 =	sadd.s32 $0x200, s3;
	v7 =	vmax.f32 v7, v16  }
0x93: {  	v14 =	vld [tilespmem:s0+$0x8070]  }
0x94: {  	v15 =	vld [tilespmem:s0+$0x8000]  }
0x95: {  	v16 =	vld [tilespmem:s0+$0x8010]  }
0x96: {  	v17 =	vld [tilespmem:s0+$0x8020]  }
0x97: {  	v18 =	vld [tilespmem:s0+$0x8030]  }
0x98: {  	v19 =	vld [tilespmem:s0+$0x8040];
	s29 =	sor.u32 $0x1C000, s22  }
0x99: {  	v20 =	vld [tilespmem:s0+$0x8050];
	s5 =	sadd.s32 s1, s29  }
0x9a: {  	v21 =	vld [tilespmem:s0+$0x8060];
	[tilespmem:s9], [sflag:$0x2] =	stream.strided.gather [hbm4b:s5+s7], $0x8000, s8, s7, $0x38  }
0x9b: {  	v5 =	vmax.f32 v5, v13;
	v8 =	vand.u32 $0x7FFFFFFF, v8;
	_ =	swait.ge [sflag:s13], $0x8000  }
0x9c: {  	v4 =	vmax.f32 v4, v8;
	v8 =	vand.u32 $0x7FFFFFFF, v9;
	v9 =	vand.u32 $0x7FFFFFFF, v10;
	[sflag:s13] =	ssyncset.done $0x0  }
0x9d: {  	v2 =	vmax.f32 v2, v8;
	s5 =	simm.s32 $0x0;
	v6 =	vmax.f32 v6, v9;
	v8 =	vand.u32 $0x7FFFFFFF, v11;
	[sflag:s13] =	ssyncadd.s32 $0xFFFF8000  }
0x9e: {  	v9 =	vand.u32 $0x7FFFFFFF, v12;
	v1 =	vmax.f32 v1, v8;
	v8 =	vand.u32 $0x7FFFFFFF, v14;
	v11 =	vld [tilespmem:s5+$0x10070]  }
0x9f: {  	v0 =	vmax.f32 v0, v9;
	v9 =	vand.u32 $0x7FFFFFFF, v15;
	v10 =	vand.u32 $0x7FFFFFFF, v18;
	v12 =	vld [tilespmem:s5+$0x10000]  }
0xa0: {  	v14 =	vand.u32 $0x7FFFFFFF, v19;
	v3 =	vmax.f32 v3, v8;
	v8 =	vand.u32 $0x7FFFFFFF, v16;
	v13 =	vld [tilespmem:s5+$0x10010]  }
0xa1: {  	v7 =	vmax.f32 v7, v9;
	v9 =	vand.u32 $0x7FFFFFFF, v17;
	v5 =	vmax.f32 v5, v8;
	v8 =	vld [tilespmem:s5+$0x10020]  }
0xa2: {  	v2 =	vmax.f32 v2, v10;
	v10 =	vand.u32 $0x7FFFFFFF, v20;
	v4 =	vmax.f32 v4, v9;
	v9 =	vld [tilespmem:s5+$0x10030]  }
0xa3: {  	v6 =	vmax.f32 v6, v14;
	v14 =	vand.u32 $0x7FFFFFFF, v21;
	v1 =	vmax.f32 v1, v10;
	v10 =	vld [tilespmem:s5+$0x10040]  }
0xa4: {  	v0 =	vmax.f32 v0, v14;
	v14 =	vand.u32 $0x7FFFFFFF, v11;
	v15 =	vand.u32 $0x7FFFFFFF, v12;
	v11 =	vld [tilespmem:s5+$0x10050]  }
0xa5: {  	s0 =	simm.s32 $0x80;
	s3 =	simm.s32 $0x400;
	v13 =	vand.u32 $0x7FFFFFFF, v13;
	v12 =	vld [tilespmem:s5+$0x10060];
	v3 =	vmax.f32 v3, v14;
	v7 =	vmax.f32 v7, v15  }
.LBB2_13:
0xa6: {  	p1 =	sne.s32 s3, $0x1FE00;
	v14 =	vld [tilespmem:s0+$0x10070];
	v8 =	vand.u32 $0x7FFFFFFF, v8;
	v5 =	vmax.f32 v5, v13  }
0xa7: {  	v13 =	vld [tilespmem:s0+$0x10000];
	v9 =	vand.u32 $0x7FFFFFFF, v9;
	v4 =	vmax.f32 v4, v8  }
0xa8: {  	v15 =	vld [tilespmem:s0+$0x10010];
	v10 =	vand.u32 $0x7FFFFFFF, v10;
	v2 =	vmax.f32 v2, v9  }
.Ltmp5:
0xa9: {  	v8 =	vld [tilespmem:s0+$0x10020];
	v11 =	vand.u32 $0x7FFFFFFF, v11;
	v6 =	vmax.f32 v6, v10;
	(pc) =	sbr.rel @p1 .LBB2_13-.Ltmp5, $4  }
0xaa: {  	v9 =	vld [tilespmem:s0+$0x10030];
	v12 =	vand.u32 $0x7FFFFFFF, v12;
	v1 =	vmax.f32 v1, v11  }
0xab: {  	v10 =	vld [tilespmem:s0+$0x10040];
	v14 =	vand.u32 $0x7FFFFFFF, v14;
	v0 =	vmax.f32 v0, v12  }
0xac: {  	v16 =	vand.u32 $0x7FFFFFFF, v13;
	v11 =	vld [tilespmem:s0+$0x10050];
	v3 =	vmax.f32 v3, v14  }
0xad: {  	v13 =	vand.u32 $0x7FFFFFFF, v15;
	v12 =	vld [tilespmem:s0+$0x10060];
	s0 =	sshra.s32 s3, $0x2;
	s3 =	sadd.s32 $0x200, s3;
	v7 =	vmax.f32 v7, v16  }
0xae: {  	v14 =	vld [tilespmem:s0+$0x10070]  }
0xaf: {  	v15 =	vld [tilespmem:s0+$0x10000]  }
0xb0: {  	v16 =	vld [tilespmem:s0+$0x10010]  }
0xb1: {  	v17 =	vld [tilespmem:s0+$0x10020]  }
0xb2: {  	v18 =	vld [tilespmem:s0+$0x10030]  }
0xb3: {  	v19 =	vld [tilespmem:s0+$0x10040]  }
0xb4: {  	v20 =	vld [tilespmem:s0+$0x10050]  }
0xb5: {  	v21 =	vld [tilespmem:s0+$0x10060];
	v5 =	vmax.f32 v5, v13;
	v8 =	vand.u32 $0x7FFFFFFF, v8;
	_ =	swait.ge [sflag:s11], $0x8000  }
0xb6: {  	v4 =	vmax.f32 v4, v8;
	v8 =	vand.u32 $0x7FFFFFFF, v9;
	[sflag:s11] =	ssyncset.done $0x0;
	v9 =	vand.u32 $0x7FFFFFFF, v10  }
0xb7: {  	s5 =	simm.s32 $0x0;
	v2 =	vmax.f32 v2, v8;
	[sflag:s11] =	ssyncadd.s32 $0xFFFF8000;
	v6 =	vmax.f32 v6, v9;
	v8 =	vand.u32 $0x7FFFFFFF, v11  }
0xb8: {  	v11 =	vld [tilespmem:s5+$0x70];
	v9 =	vand.u32 $0x7FFFFFFF, v12;
	v1 =	vmax.f32 v1, v8;
	v8 =	vand.u32 $0x7FFFFFFF, v14  }
0xb9: {  	v12 =	vld [tilespmem:s5+$0x0];
	v0 =	vmax.f32 v0, v9;
	v9 =	vand.u32 $0x7FFFFFFF, v15;
	v10 =	vand.u32 $0x7FFFFFFF, v18  }
0xba: {  	v13 =	vld [tilespmem:s5+$0x10];
	v14 =	vand.u32 $0x7FFFFFFF, v19;
	v3 =	vmax.f32 v3, v8;
	v8 =	vand.u32 $0x7FFFFFFF, v16  }
0xbb: {  	v7 =	vmax.f32 v7, v9;
	v9 =	vand.u32 $0x7FFFFFFF, v17;
	v5 =	vmax.f32 v5, v8;
	v8 =	vld [tilespmem:s5+$0x20]  }
0xbc: {  	v2 =	vmax.f32 v2, v10;
	v10 =	vand.u32 $0x7FFFFFFF, v20;
	v4 =	vmax.f32 v4, v9;
	v9 =	vld [tilespmem:s5+$0x30]  }
0xbd: {  	v6 =	vmax.f32 v6, v14;
	v14 =	vand.u32 $0x7FFFFFFF, v21;
	v1 =	vmax.f32 v1, v10;
	v10 =	vld [tilespmem:s5+$0x40]  }
0xbe: {  	v0 =	vmax.f32 v0, v14;
	v14 =	vand.u32 $0x7FFFFFFF, v11;
	v11 =	vld [tilespmem:s5+$0x50];
	v15 =	vand.u32 $0x7FFFFFFF, v12  }
0xbf: {  	s0 =	simm.s32 $0x80;
	s3 =	simm.s32 $0x400;
	v13 =	vand.u32 $0x7FFFFFFF, v13;
	v3 =	vmax.f32 v3, v14;
	v12 =	vld [tilespmem:s5+$0x60];
	v7 =	vmax.f32 v7, v15  }
.LBB2_15:
0xc0: {  	p1 =	sne.s32 s3, $0x1FE00;
	v14 =	vld [tilespmem:s0+$0x70];
	v8 =	vand.u32 $0x7FFFFFFF, v8;
	v5 =	vmax.f32 v5, v13  }
0xc1: {  	v13 =	vld [tilespmem:s0+$0x0];
	v9 =	vand.u32 $0x7FFFFFFF, v9;
	v4 =	vmax.f32 v4, v8  }
0xc2: {  	v15 =	vld [tilespmem:s0+$0x10];
	v10 =	vand.u32 $0x7FFFFFFF, v10;
	v2 =	vmax.f32 v2, v9  }
.Ltmp6:
0xc3: {  	v8 =	vld [tilespmem:s0+$0x20];
	v11 =	vand.u32 $0x7FFFFFFF, v11;
	v6 =	vmax.f32 v6, v10;
	(pc) =	sbr.rel @p1 .LBB2_15-.Ltmp6, $4  }
0xc4: {  	v9 =	vld [tilespmem:s0+$0x30];
	v12 =	vand.u32 $0x7FFFFFFF, v12;
	v1 =	vmax.f32 v1, v11  }
0xc5: {  	v10 =	vld [tilespmem:s0+$0x40];
	v14 =	vand.u32 $0x7FFFFFFF, v14;
	v0 =	vmax.f32 v0, v12  }
0xc6: {  	v16 =	vand.u32 $0x7FFFFFFF, v13;
	v11 =	vld [tilespmem:s0+$0x50];
	v3 =	vmax.f32 v3, v14  }
0xc7: {  	v13 =	vand.u32 $0x7FFFFFFF, v15;
	v12 =	vld [tilespmem:s0+$0x60];
	s0 =	sshra.s32 s3, $0x2;
	s3 =	sadd.s32 $0x200, s3;
	v7 =	vmax.f32 v7, v16  }
0xc8: {  	v14 =	vld [tilespmem:s0+$0x70]  }
0xc9: {  	v15 =	vld [tilespmem:s0+$0x0]  }
0xca: {  	v16 =	vld [tilespmem:s0+$0x10]  }
0xcb: {  	v17 =	vld [tilespmem:s0+$0x20]  }
0xcc: {  	v18 =	vld [tilespmem:s0+$0x30]  }
0xcd: {  	v19 =	vld [tilespmem:s0+$0x40]  }
0xce: {  	v20 =	vld [tilespmem:s0+$0x50]  }
0xcf: {  	v21 =	vld [tilespmem:s0+$0x60];
	v5 =	vmax.f32 v5, v13;
	v8 =	vand.u32 $0x7FFFFFFF, v8;
	_ =	swait.ge [sflag:s12], $0x8000  }
0xd0: {  	v4 =	vmax.f32 v4, v8;
	v8 =	vand.u32 $0x7FFFFFFF, v9;
	[sflag:s12] =	ssyncset.done $0x0;
	v9 =	vand.u32 $0x7FFFFFFF, v10  }
0xd1: {  	s5 =	simm.s32 $0x0;
	v10 =	vmax.f32 v2, v8;
	[sflag:s12] =	ssyncadd.s32 $0xFFFF8000;
	v6 =	vmax.f32 v6, v9;
	v2 =	vand.u32 $0x7FFFFFFF, v11  }
0xd2: {  	v11 =	vld [tilespmem:s5+$0x8070];
	v8 =	vand.u32 $0x7FFFFFFF, v12;
	v1 =	vmax.f32 v1, v2;
	v2 =	vand.u32 $0x7FFFFFFF, v14  }
0xd3: {  	v13 =	vld [tilespmem:s5+$0x8000];
	v0 =	vmax.f32 v0, v8;
	v8 =	vand.u32 $0x7FFFFFFF, v15;
	v15 =	vand.u32 $0x7FFFFFFF, v19  }
0xd4: {  	v14 =	vld [tilespmem:s5+$0x8010];
	v12 =	vmax.f32 v3, v2;
	v2 =	vand.u32 $0x7FFFFFFF, v16;
	v7 =	vmax.f32 v7, v8  }
0xd5: {  	v3 =	vand.u32 $0x7FFFFFFF, v17;
	v8 =	vld [tilespmem:s5+$0x8020];
	v2 =	vmax.f32 v5, v2;
	v5 =	vand.u32 $0x7FFFFFFF, v18  }
0xd6: {  	v9 =	vld [tilespmem:s5+$0x8030];
	v3 =	vmax.f32 v4, v3;
	v4 =	vmax.f32 v10, v5;
	v10 =	vand.u32 $0x7FFFFFFF, v20  }
0xd7: {  	v5 =	vmax.f32 v6, v15;
	v15 =	vand.u32 $0x7FFFFFFF, v21;
	v6 =	vmax.f32 v1, v10;
	v10 =	vld [tilespmem:s5+$0x8040]  }
0xd8: {  	v1 =	vmax.f32 v0, v15;
	v0 =	vand.u32 $0x7FFFFFFF, v11;
	v15 =	vand.u32 $0x7FFFFFFF, v13;
	v11 =	vld [tilespmem:s5+$0x8050]  }
0xd9: {  	s0 =	simm.s32 $0x80;
	s3 =	simm.s32 $0x400;
	v0 =	vmax.f32 v12, v0;
	v13 =	vand.u32 $0x7FFFFFFF, v14;
	v12 =	vld [tilespmem:s5+$0x8060];
	v7 =	vmax.f32 v7, v15  }
.LBB2_17:
0xda: {  	p1 =	sne.s32 s3, $0x1FE00;
	v14 =	vld [tilespmem:s0+$0x8070];
	v8 =	vand.u32 $0x7FFFFFFF, v8;
	v2 =	vmax.f32 v2, v13  }
0xdb: {  	v13 =	vld [tilespmem:s0+$0x8000];
	v9 =	vand.u32 $0x7FFFFFFF, v9;
	v3 =	vmax.f32 v3, v8  }
0xdc: {  	v15 =	vld [tilespmem:s0+$0x8010];
	v10 =	vand.u32 $0x7FFFFFFF, v10;
	v4 =	vmax.f32 v4, v9  }
.Ltmp7:
0xdd: {  	v8 =	vld [tilespmem:s0+$0x8020];
	v11 =	vand.u32 $0x7FFFFFFF, v11;
	v5 =	vmax.f32 v5, v10;
	(pc) =	sbr.rel @p1 .LBB2_17-.Ltmp7, $4  }
0xde: {  	v9 =	vld [tilespmem:s0+$0x8030];
	v12 =	vand.u32 $0x7FFFFFFF, v12;
	v6 =	vmax.f32 v6, v11  }
0xdf: {  	v10 =	vld [tilespmem:s0+$0x8040];
	v14 =	vand.u32 $0x7FFFFFFF, v14;
	v1 =	vmax.f32 v1, v12  }
0xe0: {  	v16 =	vand.u32 $0x7FFFFFFF, v13;
	v11 =	vld [tilespmem:s0+$0x8050];
	v0 =	vmax.f32 v0, v14  }
0xe1: {  	v13 =	vand.u32 $0x7FFFFFFF, v15;
	v12 =	vld [tilespmem:s0+$0x8060];
	s0 =	sshra.s32 s3, $0x2;
	s3 =	sadd.s32 $0x200, s3;
	v7 =	vmax.f32 v7, v16  }
0xe2: {  	v14 =	vld [tilespmem:s0+$0x8070]  }
0xe3: {  	v15 =	vld [tilespmem:s0+$0x8000]  }
0xe4: {  	v16 =	vld [tilespmem:s0+$0x8010]  }
0xe5: {  	v8 =	vand.u32 $0x7FFFFFFF, v8;
	v17 =	vld [tilespmem:s0+$0x8020]  }
0xe6: {  	v2 =	vmax.f32 v2, v13;
	v9 =	vand.u32 $0x7FFFFFFF, v9;
	v3 =	vmax.f32 v3, v8;
	v8 =	vld [tilespmem:s0+$0x8030]  }
0xe7: {  	v10 =	vand.u32 $0x7FFFFFFF, v10;
	v4 =	vmax.f32 v4, v9;
	v9 =	vand.u32 $0x7FFFFFFF, v11;
	v11 =	vld [tilespmem:s0+$0x8040]  }
0xe8: {  	v5 =	vmax.f32 v5, v10;
	v10 =	vand.u32 $0x7FFFFFFF, v12;
	v6 =	vmax.f32 v6, v9;
	v9 =	vld [tilespmem:s0+$0x8050]  }
0xe9: {  	v12 =	vand.u32 $0x7FFFFFFF, v14;
	v1 =	vmax.f32 v1, v10;
	v10 =	vand.u32 $0x7FFFFFFF, v15  }
0xea: {  	v13 =	vand.u32 $0x7FFFFFFF, v16;
	v14 =	vld [tilespmem:s0+$0x8060];
	v7 =	vmax.f32 v7, v10;
	v10 =	vand.u32 $0x7FFFFFFF, v17  }
0xeb: {  	v2 =	vmax.f32 v2, v13;
	v8 =	vand.u32 $0x7FFFFFFF, v8;
	v3 =	vmax.f32 v3, v10  }
0xec: {  	v4 =	vmax.f32 v4, v8;
	v7 =	vmax.f32 v7, $9.999999960e-13;
	v2 =	vmax.f32 v2, $9.999999960e-13  }
0xed: {  	v10 =	vand.u32 $0x7FFFFFFF, v11;
	(erf) = vrcp.f32 v7;
	v8 =	vand.u32 $0x7FFFFFFF, v9  }
0xee: {  	v5 =	vmax.f32 v5, v10;
	(erf) = vrcp.f32 v2;
	v2 =	vmax.f32 v3, $9.999999960e-13  }
0xef: {  	v3 =	vand.u32 $0x7FFFFFFF, v14;
	(erf) = vrcp.f32 v2;
	v2 =	vmax.f32 v4, $9.999999960e-13  }
0xf0: {  	v4 =	vmax.f32 v6, v8;
	(erf) = vrcp.f32 v2;
	v2 =	vmax.f32 v5, $9.999999960e-13  }
0xf1: {  	v1 =	vmax.f32 v1, v3;
	(erf) = vrcp.f32 v2;
	v2 =	vmax.f32 v4, $9.999999960e-13  }
0xf2: {  	v0 =	vmax.f32 v0, v12;
	v1 =	vmax.f32 v1, $9.999999960e-13;
	(erf) = vrcp.f32 v2  }
0xf3: {  	v0 =	vmax.f32 v0, $9.999999960e-13;
	(erf) = vrcp.f32 v1  }
0xf4: {  	(erf) = vrcp.f32 v0;
	_ =	sdelay $0x1  }
0xf5: {  	v6 =	vpop (erf)  }
0xf6: {  	v5 =	vpop (erf)  }
0xf7: {  	s0 =	simm.s32 $0x0;
	v0 =	vpop (erf)  }
0xf8: {  	v9 =	vld [tilespmem:s0+$0x10070];
	v1 =	vpop (erf)  }
0xf9: {  	v13 =	vld [tilespmem:s0+$0x10000];
	v2 =	vpop (erf)  }
0xfa: {  	v14 =	vld [tilespmem:s0+$0x10010];
	v3 =	vpop (erf)  }
0xfb: {  	v12 =	vld [tilespmem:s0+$0x10020];
	v4 =	vpop (erf)  }
0xfc: {  	v10 =	vld [tilespmem:s0+$0x10030];
	v7 =	vpop (erf)  }
0xfd: {  	v8 =	vld [tilespmem:s0+$0x10040];
	v15 =	vmul.f32 v9, v7  }
0xfe: {  	v13 =	vmul.f32 v13, v6;
	v9 =	vld [tilespmem:s0+$0x10050]  }
0xff: {  	s3 =	simm.s32 $0x80;
	s5 =	simm.s32 $0x400;
	v11 =	vld [tilespmem:s0+$0x10060];
	v14 =	vmul.f32 v14, v5;
	[tilespmem:s0+$0x10070] =	vst v15  }
.LBB2_19:
0x100: {  	p1 =	sne.s32 s5, $0x1FE00;
	v15 =	vld [tilespmem:s3+$0x10070];
	[tilespmem:s0+$0x10000] =	vst v13;
	v12 =	vmul.f32 v12, v0  }
0x101: {  	v13 =	vld [tilespmem:s3+$0x10000];
	[tilespmem:s0+$0x10010] =	vst v14;
	v10 =	vmul.f32 v10, v1  }
0x102: {  	v14 =	vld [tilespmem:s3+$0x10010];
	[tilespmem:s0+$0x10020] =	vst v12;
	v8 =	vmul.f32 v8, v2  }
.Ltmp8:
0x103: {  	v12 =	vld [tilespmem:s3+$0x10020];
	[tilespmem:s0+$0x10030] =	vst v10;
	v9 =	vmul.f32 v9, v3;
	(pc) =	sbr.rel @p1 .LBB2_19-.Ltmp8, $4  }
0x104: {  	v10 =	vld [tilespmem:s3+$0x10030];
	[tilespmem:s0+$0x10040] =	vst v8;
	v11 =	vmul.f32 v11, v4  }
0x105: {  	v8 =	vld [tilespmem:s3+$0x10040];
	v15 =	vmul.f32 v15, v7;
	[tilespmem:s0+$0x10050] =	vst v9  }
0x106: {  	v13 =	vmul.f32 v13, v6;
	v9 =	vld [tilespmem:s3+$0x10050];
	[tilespmem:s0+$0x10060] =	vst v11;
	s0 =	smov.u32 s3  }
0x107: {  	s3 =	sshra.s32 s5, $0x2;
	s5 =	sadd.s32 $0x200, s5;
	v14 =	vmul.f32 v14, v5;
	v11 =	vld [tilespmem:s0+$0x10060];
	[tilespmem:s0+$0x10070] =	vst v15  }
0x108: {  	v15 =	vld [tilespmem:s3+$0x10070];
	[tilespmem:s0+$0x10000] =	vst v13;
	v12 =	vmul.f32 v12, v0  }
0x109: {  	v13 =	vld [tilespmem:s3+$0x10000];
	[tilespmem:s0+$0x10010] =	vst v14;
	v10 =	vmul.f32 v10, v1  }
0x10a: {  	v14 =	vld [tilespmem:s3+$0x10010];
	[tilespmem:s0+$0x10020] =	vst v12;
	v8 =	vmul.f32 v8, v2  }
0x10b: {  	v12 =	vld [tilespmem:s3+$0x10020];
	[tilespmem:s0+$0x10030] =	vst v10;
	v9 =	vmul.f32 v9, v3  }
0x10c: {  	v10 =	vld [tilespmem:s3+$0x10030];
	[tilespmem:s0+$0x10040] =	vst v8;
	v8 =	vmul.f32 v11, v4  }
0x10d: {  	v11 =	vld [tilespmem:s3+$0x10040];
	v15 =	vmul.f32 v15, v7;
	[tilespmem:s0+$0x10050] =	vst v9  }
0x10e: {  	v9 =	vld [tilespmem:s3+$0x10050];
	v13 =	vmul.f32 v13, v6;
	[tilespmem:s0+$0x10060] =	vst v8  }
0x10f: {  	v8 =	vld [tilespmem:s3+$0x10060];
	v14 =	vmul.f32 v14, v5;
	[tilespmem:s3+$0x10070] =	vst v15  }
0x110: {  	[tilespmem:s3+$0x10000] =	vst v13;
	v12 =	vmul.f32 v12, v0  }
0x111: {  	[tilespmem:s3+$0x10010] =	vst v14;
	v10 =	vmul.f32 v10, v1  }
0x112: {  	[tilespmem:s3+$0x10020] =	vst v12;
	v11 =	vmul.f32 v11, v2  }
0x113: {  	[tilespmem:s3+$0x10030] =	vst v10;
	v9 =	vmul.f32 v9, v3  }
0x114: {  	[tilespmem:s3+$0x10040] =	vst v11;
	v8 =	vmul.f32 v8, v4  }
0x115: {  	[tilespmem:s3+$0x10050] =	vst v9  }
0x116: {  	s31 =	sadd.s32 s2, s31;
	[tilespmem:s3+$0x10060] =	vst v8  }
0x117: {  	[hbm4b:s31+s7] =	stream.strided.scatter [tilespmem:s10], [sflag:$0x6], $0x8000, s8, s7, $0x38;
	[tilespmem:$0x18000] =	vst v63  }
0x118: {  	_ =	swait.ge [sflag:s14], $0x8000  }
0x119: {  	[sflag:s14] =	ssyncset.done $0x0  }
0x11a: {  	s3 =	simm.s32 $0x0;
	[sflag:s14] =	ssyncadd.s32 $0xFFFF8000  }
0x11b: {  	[tilespmem:s10], [sflag:$0x3] =	stream.strided.gather [hbm4b:s28+s7], $0x8000, s8, s7, $0x38;
	[tilespmem:$0x18000] =	vst v63  }
0x11c: {  	v9 =	vld [tilespmem:s3+$0x70]  }
0x11d: {  	v13 =	vld [tilespmem:s3+$0x0]  }
0x11e: {  	v14 =	vld [tilespmem:s3+$0x10]  }
0x11f: {  	v12 =	vld [tilespmem:s3+$0x20]  }
0x120: {  	v11 =	vld [tilespmem:s3+$0x30]  }
0x121: {  	v8 =	vld [tilespmem:s3+$0x40];
	v15 =	vmul.f32 v9, v7  }
0x122: {  	v9 =	vld [tilespmem:s3+$0x50];
	v13 =	vmul.f32 v13, v6  }
0x123: {  	s5 =	simm.s32 $0x400;
	s0 =	simm.s32 $0x80;
	v10 =	vld [tilespmem:s3+$0x60];
	v14 =	vmul.f32 v14, v5;
	[tilespmem:s3+$0x70] =	vst v15  }
.LBB2_21:
0x124: {  	p1 =	sne.s32 s5, $0x1FE00;
	v15 =	vld [tilespmem:s0+$0x70];
	[tilespmem:s3+$0x0] =	vst v13;
	v12 =	vmul.f32 v12, v0  }
0x125: {  	v13 =	vld [tilespmem:s0+$0x0];
	[tilespmem:s3+$0x10] =	vst v14;
	v11 =	vmul.f32 v11, v1  }
0x126: {  	v14 =	vld [tilespmem:s0+$0x10];
	[tilespmem:s3+$0x20] =	vst v12;
	v8 =	vmul.f32 v8, v2  }
.Ltmp9:
0x127: {  	v12 =	vld [tilespmem:s0+$0x20];
	[tilespmem:s3+$0x30] =	vst v11;
	v9 =	vmul.f32 v9, v3;
	(pc) =	sbr.rel @p1 .LBB2_21-.Ltmp9, $4  }
0x128: {  	v11 =	vld [tilespmem:s0+$0x30];
	[tilespmem:s3+$0x40] =	vst v8;
	v10 =	vmul.f32 v10, v4  }
0x129: {  	v8 =	vld [tilespmem:s0+$0x40];
	v15 =	vmul.f32 v15, v7;
	[tilespmem:s3+$0x50] =	vst v9  }
0x12a: {  	v13 =	vmul.f32 v13, v6;
	v9 =	vld [tilespmem:s0+$0x50];
	[tilespmem:s3+$0x60] =	vst v10;
	s3 =	smov.u32 s0  }
0x12b: {  	s0 =	sshra.s32 s5, $0x2;
	s5 =	sadd.s32 $0x200, s5;
	v14 =	vmul.f32 v14, v5;
	v10 =	vld [tilespmem:s3+$0x60];
	[tilespmem:s3+$0x70] =	vst v15  }
0x12c: {  	v15 =	vld [tilespmem:s0+$0x70];
	[tilespmem:s3+$0x0] =	vst v13;
	v12 =	vmul.f32 v12, v0  }
0x12d: {  	v13 =	vld [tilespmem:s0+$0x0];
	[tilespmem:s3+$0x10] =	vst v14;
	v11 =	vmul.f32 v11, v1  }
0x12e: {  	v14 =	vld [tilespmem:s0+$0x10];
	[tilespmem:s3+$0x20] =	vst v12;
	v8 =	vmul.f32 v8, v2  }
0x12f: {  	v12 =	vld [tilespmem:s0+$0x20];
	[tilespmem:s3+$0x30] =	vst v11;
	v9 =	vmul.f32 v9, v3  }
0x130: {  	v11 =	vld [tilespmem:s0+$0x30];
	[tilespmem:s3+$0x40] =	vst v8;
	v8 =	vmul.f32 v10, v4  }
0x131: {  	v10 =	vld [tilespmem:s0+$0x40];
	v15 =	vmul.f32 v15, v7;
	[tilespmem:s3+$0x50] =	vst v9  }
0x132: {  	v9 =	vld [tilespmem:s0+$0x50];
	v13 =	vmul.f32 v13, v6;
	[tilespmem:s3+$0x60] =	vst v8  }
0x133: {  	v8 =	vld [tilespmem:s0+$0x60];
	v14 =	vmul.f32 v14, v5;
	[tilespmem:s0+$0x70] =	vst v15  }
0x134: {  	[tilespmem:s0+$0x0] =	vst v13;
	v12 =	vmul.f32 v12, v0  }
0x135: {  	[tilespmem:s0+$0x10] =	vst v14;
	v11 =	vmul.f32 v11, v1  }
0x136: {  	[tilespmem:s0+$0x20] =	vst v12;
	v10 =	vmul.f32 v10, v2  }
0x137: {  	[tilespmem:s0+$0x30] =	vst v11;
	v9 =	vmul.f32 v9, v3  }
0x138: {  	[tilespmem:s0+$0x40] =	vst v10;
	v8 =	vmul.f32 v8, v4  }
0x139: {  	[tilespmem:s0+$0x50] =	vst v9  }
0x13a: {  	s30 =	sadd.s32 s2, s30;
	s31 =	simm.s32 $0x0;
	[tilespmem:s0+$0x60] =	vst v8  }
0x13b: {  	[hbm4b:s30+s7] =	stream.strided.scatter [tilespmem:s31], [sflag:$0x4], $0x8000, s8, s7, $0x38;
	[tilespmem:$0x18000] =	vst v63  }
0x13c: {  	_ =	swait.ge [sflag:s15], $0x8000  }
0x13d: {  	[sflag:s15] =	ssyncset.done $0x0  }
0x13e: {  	s3 =	simm.s32 $0x0;
	[sflag:s15] =	ssyncadd.s32 $0xFFFF8000  }
0x13f: {  	[tilespmem:s31], [sflag:$0x1] =	stream.strided.gather [hbm4b:s26+s7], $0x8000, s8, s7, $0x38;
	[tilespmem:$0x18000] =	vst v63  }
0x140: {  	v9 =	vld [tilespmem:s3+$0x8070]  }
0x141: {  	v13 =	vld [tilespmem:s3+$0x8000]  }
0x142: {  	v14 =	vld [tilespmem:s3+$0x8010]  }
0x143: {  	v12 =	vld [tilespmem:s3+$0x8020]  }
0x144: {  	v11 =	vld [tilespmem:s3+$0x8030]  }
0x145: {  	v8 =	vld [tilespmem:s3+$0x8040];
	v15 =	vmul.f32 v9, v7  }
0x146: {  	v9 =	vld [tilespmem:s3+$0x8050];
	v13 =	vmul.f32 v13, v6  }
0x147: {  	s5 =	simm.s32 $0x400;
	s0 =	simm.s32 $0x80;
	v10 =	vld [tilespmem:s3+$0x8060];
	v14 =	vmul.f32 v14, v5;
	[tilespmem:s3+$0x8070] =	vst v15  }
.LBB2_23:
0x148: {  	p1 =	sne.s32 s5, $0x1FE00;
	v15 =	vld [tilespmem:s0+$0x8070];
	[tilespmem:s3+$0x8000] =	vst v13;
	v12 =	vmul.f32 v12, v0  }
0x149: {  	v13 =	vld [tilespmem:s0+$0x8000];
	[tilespmem:s3+$0x8010] =	vst v14;
	v11 =	vmul.f32 v11, v1  }
0x14a: {  	v14 =	vld [tilespmem:s0+$0x8010];
	[tilespmem:s3+$0x8020] =	vst v12;
	v8 =	vmul.f32 v8, v2  }
.Ltmp10:
0x14b: {  	v12 =	vld [tilespmem:s0+$0x8020];
	[tilespmem:s3+$0x8030] =	vst v11;
	v9 =	vmul.f32 v9, v3;
	(pc) =	sbr.rel @p1 .LBB2_23-.Ltmp10, $4  }
0x14c: {  	v11 =	vld [tilespmem:s0+$0x8030];
	[tilespmem:s3+$0x8040] =	vst v8;
	v10 =	vmul.f32 v10, v4  }
0x14d: {  	v8 =	vld [tilespmem:s0+$0x8040];
	v15 =	vmul.f32 v15, v7;
	[tilespmem:s3+$0x8050] =	vst v9  }
0x14e: {  	v13 =	vmul.f32 v13, v6;
	v9 =	vld [tilespmem:s0+$0x8050];
	[tilespmem:s3+$0x8060] =	vst v10;
	s3 =	smov.u32 s0  }
0x14f: {  	s0 =	sshra.s32 s5, $0x2;
	s5 =	sadd.s32 $0x200, s5;
	v14 =	vmul.f32 v14, v5;
	v10 =	vld [tilespmem:s3+$0x8060];
	[tilespmem:s3+$0x8070] =	vst v15  }
0x150: {  	v15 =	vld [tilespmem:s0+$0x8070];
	[tilespmem:s3+$0x8000] =	vst v13;
	v12 =	vmul.f32 v12, v0  }
0x151: {  	v13 =	vld [tilespmem:s0+$0x8000];
	[tilespmem:s3+$0x8010] =	vst v14;
	v11 =	vmul.f32 v11, v1  }
0x152: {  	v14 =	vld [tilespmem:s0+$0x8010];
	[tilespmem:s3+$0x8020] =	vst v12;
	v8 =	vmul.f32 v8, v2  }
0x153: {  	v12 =	vld [tilespmem:s0+$0x8020];
	[tilespmem:s3+$0x8030] =	vst v11;
	v9 =	vmul.f32 v9, v3  }
0x154: {  	v11 =	vld [tilespmem:s0+$0x8030];
	[tilespmem:s3+$0x8040] =	vst v8;
	v8 =	vmul.f32 v10, v4  }
0x155: {  	v10 =	vld [tilespmem:s0+$0x8040];
	v15 =	vmul.f32 v15, v7;
	[tilespmem:s3+$0x8050] =	vst v9  }
0x156: {  	v9 =	vld [tilespmem:s0+$0x8050];
	v13 =	vmul.f32 v13, v6;
	[tilespmem:s3+$0x8060] =	vst v8  }
0x157: {  	v8 =	vld [tilespmem:s0+$0x8060];
	v14 =	vmul.f32 v14, v5;
	[tilespmem:s0+$0x8070] =	vst v15  }
0x158: {  	[tilespmem:s0+$0x8000] =	vst v13;
	v12 =	vmul.f32 v12, v0  }
0x159: {  	[tilespmem:s0+$0x8010] =	vst v14;
	v11 =	vmul.f32 v11, v1  }
0x15a: {  	[tilespmem:s0+$0x8020] =	vst v12;
	v10 =	vmul.f32 v10, v2  }
0x15b: {  	[tilespmem:s0+$0x8030] =	vst v11;
	v9 =	vmul.f32 v9, v3  }
0x15c: {  	[tilespmem:s0+$0x8040] =	vst v10;
	v8 =	vmul.f32 v8, v4  }
0x15d: {  	[tilespmem:s0+$0x8050] =	vst v9  }
0x15e: {  	s31 =	sadd.s32 s2, s29;
	[tilespmem:s0+$0x8060] =	vst v8  }
0x15f: {  	[hbm4b:s31+s7] =	stream.strided.scatter [tilespmem:s9], [sflag:$0x5], $0x8000, s8, s7, $0x38;
	[tilespmem:$0x18000] =	vst v63  }
0x160: {  	_ =	swait.ge [sflag:s16], $0x8000  }
0x161: {  	[sflag:s16] =	ssyncset.done $0x0  }
0x162: {  	[sflag:s16] =	ssyncadd.s32 $0xFFFF8000  }
0x163: {  	[tilespmem:s9], [sflag:$0x2] =	stream.strided.gather [hbm4b:s25+s7], $0x8000, s8, s7, $0x38;
	[tilespmem:$0x18000] =	vst v63  }
0x164: {  	_ =	swait.ge [sflag:s13], $0x8000  }
0x165: {  	[sflag:s13] =	ssyncset.done $0x0  }
0x166: {  	s3 =	simm.s32 $0x0;
	[sflag:s13] =	ssyncadd.s32 $0xFFFF8000  }
0x167: {  	v9 =	vld [tilespmem:s3+$0x10070]  }
0x168: {  	v13 =	vld [tilespmem:s3+$0x10000]  }
0x169: {  	v14 =	vld [tilespmem:s3+$0x10010]  }
0x16a: {  	v12 =	vld [tilespmem:s3+$0x10020]  }
0x16b: {  	v11 =	vld [tilespmem:s3+$0x10030]  }
0x16c: {  	v8 =	vld [tilespmem:s3+$0x10040];
	v15 =	vmul.f32 v9, v7  }
0x16d: {  	v9 =	vld [tilespmem:s3+$0x10050];
	v13 =	vmul.f32 v13, v6  }
0x16e: {  	s5 =	simm.s32 $0x400;
	s0 =	simm.s32 $0x80;
	v10 =	vld [tilespmem:s3+$0x10060];
	v14 =	vmul.f32 v14, v5;
	[tilespmem:s3+$0x10070] =	vst v15  }
.LBB2_25:
0x16f: {  	p1 =	sne.s32 s5, $0x1FE00;
	v15 =	vld [tilespmem:s0+$0x10070];
	[tilespmem:s3+$0x10000] =	vst v13;
	v12 =	vmul.f32 v12, v0  }
0x170: {  	v13 =	vld [tilespmem:s0+$0x10000];
	[tilespmem:s3+$0x10010] =	vst v14;
	v11 =	vmul.f32 v11, v1  }
0x171: {  	v14 =	vld [tilespmem:s0+$0x10010];
	[tilespmem:s3+$0x10020] =	vst v12;
	v8 =	vmul.f32 v8, v2  }
.Ltmp11:
0x172: {  	v12 =	vld [tilespmem:s0+$0x10020];
	[tilespmem:s3+$0x10030] =	vst v11;
	v9 =	vmul.f32 v9, v3;
	(pc) =	sbr.rel @p1 .LBB2_25-.Ltmp11, $4  }
0x173: {  	v11 =	vld [tilespmem:s0+$0x10030];
	[tilespmem:s3+$0x10040] =	vst v8;
	v10 =	vmul.f32 v10, v4  }
0x174: {  	v8 =	vld [tilespmem:s0+$0x10040];
	v15 =	vmul.f32 v15, v7;
	[tilespmem:s3+$0x10050] =	vst v9  }
0x175: {  	v13 =	vmul.f32 v13, v6;
	v9 =	vld [tilespmem:s0+$0x10050];
	[tilespmem:s3+$0x10060] =	vst v10;
	s3 =	smov.u32 s0  }
0x176: {  	s0 =	sshra.s32 s5, $0x2;
	s5 =	sadd.s32 $0x200, s5;
	v14 =	vmul.f32 v14, v5;
	v10 =	vld [tilespmem:s3+$0x10060];
	[tilespmem:s3+$0x10070] =	vst v15  }
0x177: {  	v15 =	vld [tilespmem:s0+$0x10070];
	[tilespmem:s3+$0x10000] =	vst v13;
	v12 =	vmul.f32 v12, v0  }
0x178: {  	v13 =	vld [tilespmem:s0+$0x10000];
	[tilespmem:s3+$0x10010] =	vst v14;
	v11 =	vmul.f32 v11, v1  }
0x179: {  	v14 =	vld [tilespmem:s0+$0x10010];
	[tilespmem:s3+$0x10020] =	vst v12;
	v8 =	vmul.f32 v8, v2  }
0x17a: {  	v12 =	vld [tilespmem:s0+$0x10020];
	[tilespmem:s3+$0x10030] =	vst v11;
	v9 =	vmul.f32 v9, v3  }
0x17b: {  	v11 =	vld [tilespmem:s0+$0x10030];
	[tilespmem:s3+$0x10040] =	vst v8;
	v8 =	vmul.f32 v10, v4  }
0x17c: {  	v10 =	vld [tilespmem:s0+$0x10040];
	v15 =	vmul.f32 v15, v7;
	[tilespmem:s3+$0x10050] =	vst v9  }
0x17d: {  	v9 =	vld [tilespmem:s0+$0x10050];
	v13 =	vmul.f32 v13, v6;
	[tilespmem:s3+$0x10060] =	vst v8  }
0x17e: {  	v8 =	vld [tilespmem:s0+$0x10060];
	v14 =	vmul.f32 v14, v5;
	[tilespmem:s0+$0x10070] =	vst v15  }
0x17f: {  	[tilespmem:s0+$0x10000] =	vst v13;
	v12 =	vmul.f32 v12, v0  }
0x180: {  	[tilespmem:s0+$0x10010] =	vst v14;
	v11 =	vmul.f32 v11, v1  }
0x181: {  	[tilespmem:s0+$0x10020] =	vst v12;
	v10 =	vmul.f32 v10, v2  }
0x182: {  	[tilespmem:s0+$0x10030] =	vst v11;
	v9 =	vmul.f32 v9, v3  }
0x183: {  	[tilespmem:s0+$0x10040] =	vst v10;
	v8 =	vmul.f32 v8, v4  }
0x184: {  	[tilespmem:s0+$0x10050] =	vst v9  }
0x185: {  	s31 =	sadd.s32 s2, s22;
	[tilespmem:s0+$0x10060] =	vst v8  }
0x186: {  	[hbm4b:s31+s7] =	stream.strided.scatter [tilespmem:s10], [sflag:$0x6], $0x8000, s8, s7, $0x38;
	[tilespmem:$0x18000] =	vst v63  }
0x187: {  	_ =	swait.ge [sflag:s14], $0x8000  }
0x188: {  	[sflag:s14] =	ssyncset.done $0x0  }
0x189: {  	[sflag:s14] =	ssyncadd.s32 $0xFFFF8000  }
0x18a: {  	[tilespmem:s10], [sflag:$0x3] =	stream.strided.gather [hbm4b:s24+s7], $0x8000, s8, s7, $0x38;
	[tilespmem:$0x18000] =	vst v63  }
0x18b: {  	_ =	swait.ge [sflag:s11], $0x8000  }
0x18c: {  	[sflag:s11] =	ssyncset.done $0x0  }
0x18d: {  	s3 =	simm.s32 $0x0;
	[sflag:s11] =	ssyncadd.s32 $0xFFFF8000  }
0x18e: {  	v9 =	vld [tilespmem:s3+$0x70]  }
0x18f: {  	v13 =	vld [tilespmem:s3+$0x0]  }
0x190: {  	v14 =	vld [tilespmem:s3+$0x10]  }
0x191: {  	v12 =	vld [tilespmem:s3+$0x20]  }
0x192: {  	v11 =	vld [tilespmem:s3+$0x30]  }
0x193: {  	v8 =	vld [tilespmem:s3+$0x40];
	v15 =	vmul.f32 v9, v7  }
0x194: {  	v9 =	vld [tilespmem:s3+$0x50];
	v13 =	vmul.f32 v13, v6  }
0x195: {  	s5 =	simm.s32 $0x400;
	s0 =	simm.s32 $0x80;
	v10 =	vld [tilespmem:s3+$0x60];
	v14 =	vmul.f32 v14, v5;
	[tilespmem:s3+$0x70] =	vst v15  }
.LBB2_27:
0x196: {  	p1 =	sne.s32 s5, $0x1FE00;
	v15 =	vld [tilespmem:s0+$0x70];
	[tilespmem:s3+$0x0] =	vst v13;
	v12 =	vmul.f32 v12, v0  }
0x197: {  	v13 =	vld [tilespmem:s0+$0x0];
	[tilespmem:s3+$0x10] =	vst v14;
	v11 =	vmul.f32 v11, v1  }
0x198: {  	v14 =	vld [tilespmem:s0+$0x10];
	[tilespmem:s3+$0x20] =	vst v12;
	v8 =	vmul.f32 v8, v2  }
.Ltmp12:
0x199: {  	v12 =	vld [tilespmem:s0+$0x20];
	[tilespmem:s3+$0x30] =	vst v11;
	v9 =	vmul.f32 v9, v3;
	(pc) =	sbr.rel @p1 .LBB2_27-.Ltmp12, $4  }
0x19a: {  	v11 =	vld [tilespmem:s0+$0x30];
	[tilespmem:s3+$0x40] =	vst v8;
	v10 =	vmul.f32 v10, v4  }
0x19b: {  	v8 =	vld [tilespmem:s0+$0x40];
	v15 =	vmul.f32 v15, v7;
	[tilespmem:s3+$0x50] =	vst v9  }
0x19c: {  	v13 =	vmul.f32 v13, v6;
	v9 =	vld [tilespmem:s0+$0x50];
	[tilespmem:s3+$0x60] =	vst v10;
	s3 =	smov.u32 s0  }
0x19d: {  	s0 =	sshra.s32 s5, $0x2;
	s5 =	sadd.s32 $0x200, s5;
	v14 =	vmul.f32 v14, v5;
	v10 =	vld [tilespmem:s3+$0x60];
	[tilespmem:s3+$0x70] =	vst v15  }
0x19e: {  	v15 =	vld [tilespmem:s0+$0x70];
	[tilespmem:s3+$0x0] =	vst v13;
	v12 =	vmul.f32 v12, v0  }
0x19f: {  	v13 =	vld [tilespmem:s0+$0x0];
	[tilespmem:s3+$0x10] =	vst v14;
	v11 =	vmul.f32 v11, v1  }
0x1a0: {  	v14 =	vld [tilespmem:s0+$0x10];
	[tilespmem:s3+$0x20] =	vst v12;
	v8 =	vmul.f32 v8, v2  }
0x1a1: {  	v12 =	vld [tilespmem:s0+$0x20];
	[tilespmem:s3+$0x30] =	vst v11;
	v9 =	vmul.f32 v9, v3  }
0x1a2: {  	v11 =	vld [tilespmem:s0+$0x30];
	[tilespmem:s3+$0x40] =	vst v8;
	v8 =	vmul.f32 v10, v4  }
0x1a3: {  	v10 =	vld [tilespmem:s0+$0x40];
	v15 =	vmul.f32 v15, v7;
	[tilespmem:s3+$0x50] =	vst v9  }
0x1a4: {  	v9 =	vld [tilespmem:s0+$0x50];
	v13 =	vmul.f32 v13, v6;
	[tilespmem:s3+$0x60] =	vst v8  }
0x1a5: {  	v8 =	vld [tilespmem:s0+$0x60];
	v14 =	vmul.f32 v14, v5;
	[tilespmem:s0+$0x70] =	vst v15  }
0x1a6: {  	[tilespmem:s0+$0x0] =	vst v13;
	v12 =	vmul.f32 v12, v0  }
0x1a7: {  	[tilespmem:s0+$0x10] =	vst v14;
	v11 =	vmul.f32 v11, v1  }
0x1a8: {  	[tilespmem:s0+$0x20] =	vst v12;
	v10 =	vmul.f32 v10, v2  }
0x1a9: {  	[tilespmem:s0+$0x30] =	vst v11;
	v9 =	vmul.f32 v9, v3  }
0x1aa: {  	[tilespmem:s0+$0x40] =	vst v10;
	v8 =	vmul.f32 v8, v4  }
0x1ab: {  	[tilespmem:s0+$0x50] =	vst v9  }
0x1ac: {  	s30 =	sadd.s32 s2, s21;
	s31 =	simm.s32 $0x0;
	[tilespmem:s0+$0x60] =	vst v8  }
0x1ad: {  	[hbm4b:s30+s7] =	stream.strided.scatter [tilespmem:s31], [sflag:$0x4], $0x8000, s8, s7, $0x38;
	[tilespmem:$0x18000] =	vst v63  }
0x1ae: {  	_ =	swait.ge [sflag:s15], $0x8000  }
0x1af: {  	[sflag:s15] =	ssyncset.done $0x0  }
0x1b0: {  	[sflag:s15] =	ssyncadd.s32 $0xFFFF8000  }
0x1b1: {  	[tilespmem:s31], [sflag:$0x1] =	stream.strided.gather [hbm4b:s23+s7], $0x8000, s8, s7, $0x38;
	[tilespmem:$0x18000] =	vst v63  }
0x1b2: {  	_ =	swait.ge [sflag:s12], $0x8000  }
0x1b3: {  	[sflag:s12] =	ssyncset.done $0x0  }
0x1b4: {  	s3 =	simm.s32 $0x0;
	[sflag:s12] =	ssyncadd.s32 $0xFFFF8000  }
0x1b5: {  	v9 =	vld [tilespmem:s3+$0x8070]  }
0x1b6: {  	v13 =	vld [tilespmem:s3+$0x8000]  }
0x1b7: {  	v14 =	vld [tilespmem:s3+$0x8010]  }
0x1b8: {  	v12 =	vld [tilespmem:s3+$0x8020]  }
0x1b9: {  	v11 =	vld [tilespmem:s3+$0x8030]  }
0x1ba: {  	v8 =	vld [tilespmem:s3+$0x8040];
	v15 =	vmul.f32 v9, v7  }
0x1bb: {  	v9 =	vld [tilespmem:s3+$0x8050];
	v13 =	vmul.f32 v13, v6  }
0x1bc: {  	s5 =	simm.s32 $0x400;
	s0 =	simm.s32 $0x80;
	v10 =	vld [tilespmem:s3+$0x8060];
	v14 =	vmul.f32 v14, v5;
	[tilespmem:s3+$0x8070] =	vst v15  }
.LBB2_29:
0x1bd: {  	p1 =	sne.s32 s5, $0x1FE00;
	v15 =	vld [tilespmem:s0+$0x8070];
	[tilespmem:s3+$0x8000] =	vst v13;
	v12 =	vmul.f32 v12, v0  }
0x1be: {  	v13 =	vld [tilespmem:s0+$0x8000];
	[tilespmem:s3+$0x8010] =	vst v14;
	v11 =	vmul.f32 v11, v1  }
0x1bf: {  	v14 =	vld [tilespmem:s0+$0x8010];
	[tilespmem:s3+$0x8020] =	vst v12;
	v8 =	vmul.f32 v8, v2  }
.Ltmp13:
0x1c0: {  	v12 =	vld [tilespmem:s0+$0x8020];
	[tilespmem:s3+$0x8030] =	vst v11;
	v9 =	vmul.f32 v9, v3;
	(pc) =	sbr.rel @p1 .LBB2_29-.Ltmp13, $4  }
0x1c1: {  	v11 =	vld [tilespmem:s0+$0x8030];
	[tilespmem:s3+$0x8040] =	vst v8;
	v10 =	vmul.f32 v10, v4  }
0x1c2: {  	v8 =	vld [tilespmem:s0+$0x8040];
	v15 =	vmul.f32 v15, v7;
	[tilespmem:s3+$0x8050] =	vst v9  }
0x1c3: {  	v13 =	vmul.f32 v13, v6;
	v9 =	vld [tilespmem:s0+$0x8050];
	[tilespmem:s3+$0x8060] =	vst v10;
	s3 =	smov.u32 s0  }
0x1c4: {  	s0 =	sshra.s32 s5, $0x2;
	s5 =	sadd.s32 $0x200, s5;
	v14 =	vmul.f32 v14, v5;
	v10 =	vld [tilespmem:s3+$0x8060];
	[tilespmem:s3+$0x8070] =	vst v15  }
0x1c5: {  	v15 =	vld [tilespmem:s0+$0x8070];
	[tilespmem:s3+$0x8000] =	vst v13;
	v12 =	vmul.f32 v12, v0  }
0x1c6: {  	v13 =	vld [tilespmem:s0+$0x8000];
	[tilespmem:s3+$0x8010] =	vst v14;
	v11 =	vmul.f32 v11, v1  }
0x1c7: {  	v14 =	vld [tilespmem:s0+$0x8010];
	[tilespmem:s3+$0x8020] =	vst v12;
	v8 =	vmul.f32 v8, v2  }
0x1c8: {  	v12 =	vld [tilespmem:s0+$0x8020];
	[tilespmem:s3+$0x8030] =	vst v11;
	v9 =	vmul.f32 v9, v3  }
0x1c9: {  	v11 =	vld [tilespmem:s0+$0x8030];
	[tilespmem:s3+$0x8040] =	vst v8;
	v8 =	vmul.f32 v10, v4  }
0x1ca: {  	v10 =	vld [tilespmem:s0+$0x8040];
	v15 =	vmul.f32 v15, v7;
	[tilespmem:s3+$0x8050] =	vst v9  }
0x1cb: {  	v9 =	vld [tilespmem:s0+$0x8050];
	v13 =	vmul.f32 v13, v6;
	[tilespmem:s3+$0x8060] =	vst v8  }
0x1cc: {  	v8 =	vld [tilespmem:s0+$0x8060];
	v14 =	vmul.f32 v14, v5;
	[tilespmem:s0+$0x8070] =	vst v15  }
0x1cd: {  	[tilespmem:s0+$0x8000] =	vst v13;
	v12 =	vmul.f32 v12, v0  }
0x1ce: {  	[tilespmem:s0+$0x8010] =	vst v14;
	v11 =	vmul.f32 v11, v1  }
0x1cf: {  	[tilespmem:s0+$0x8020] =	vst v12;
	v10 =	vmul.f32 v10, v2  }
0x1d0: {  	[tilespmem:s0+$0x8030] =	vst v11;
	v9 =	vmul.f32 v9, v3  }
0x1d1: {  	[tilespmem:s0+$0x8040] =	vst v10;
	v8 =	vmul.f32 v8, v4  }
0x1d2: {  	[tilespmem:s0+$0x8050] =	vst v9  }
0x1d3: {  	s31 =	sadd.s32 s2, s20;
	[tilespmem:s0+$0x8060] =	vst v8  }
0x1d4: {  	[hbm4b:s31+s7] =	stream.strided.scatter [tilespmem:s9], [sflag:$0x5], $0x8000, s8, s7, $0x38;
	[tilespmem:$0x18000] =	vst v63  }
0x1d5: {  	_ =	swait.ge [sflag:s13], $0x8000  }
0x1d6: {  	[sflag:s13] =	ssyncset.done $0x0  }
0x1d7: {  	s3 =	simm.s32 $0x0;
	[sflag:s13] =	ssyncadd.s32 $0xFFFF8000  }
0x1d8: {  	v9 =	vld [tilespmem:s3+$0x10070]  }
0x1d9: {  	v13 =	vld [tilespmem:s3+$0x10000]  }
0x1da: {  	v14 =	vld [tilespmem:s3+$0x10010]  }
0x1db: {  	v12 =	vld [tilespmem:s3+$0x10020]  }
0x1dc: {  	v11 =	vld [tilespmem:s3+$0x10030]  }
0x1dd: {  	v8 =	vld [tilespmem:s3+$0x10040];
	v15 =	vmul.f32 v9, v7  }
0x1de: {  	v9 =	vld [tilespmem:s3+$0x10050];
	v13 =	vmul.f32 v13, v6  }
0x1df: {  	s5 =	simm.s32 $0x400;
	s0 =	simm.s32 $0x80;
	v10 =	vld [tilespmem:s3+$0x10060];
	v14 =	vmul.f32 v14, v5;
	[tilespmem:s3+$0x10070] =	vst v15  }
.LBB2_31:
0x1e0: {  	p1 =	sne.s32 s5, $0x1FE00;
	v15 =	vld [tilespmem:s0+$0x10070];
	[tilespmem:s3+$0x10000] =	vst v13;
	v12 =	vmul.f32 v12, v0  }
0x1e1: {  	v13 =	vld [tilespmem:s0+$0x10000];
	[tilespmem:s3+$0x10010] =	vst v14;
	v11 =	vmul.f32 v11, v1  }
0x1e2: {  	v14 =	vld [tilespmem:s0+$0x10010];
	[tilespmem:s3+$0x10020] =	vst v12;
	v8 =	vmul.f32 v8, v2  }
.Ltmp14:
0x1e3: {  	v12 =	vld [tilespmem:s0+$0x10020];
	[tilespmem:s3+$0x10030] =	vst v11;
	v9 =	vmul.f32 v9, v3;
	(pc) =	sbr.rel @p1 .LBB2_31-.Ltmp14, $4  }
0x1e4: {  	v11 =	vld [tilespmem:s0+$0x10030];
	[tilespmem:s3+$0x10040] =	vst v8;
	v10 =	vmul.f32 v10, v4  }
0x1e5: {  	v8 =	vld [tilespmem:s0+$0x10040];
	v15 =	vmul.f32 v15, v7;
	[tilespmem:s3+$0x10050] =	vst v9  }
0x1e6: {  	v13 =	vmul.f32 v13, v6;
	v9 =	vld [tilespmem:s0+$0x10050];
	[tilespmem:s3+$0x10060] =	vst v10;
	s3 =	smov.u32 s0  }
0x1e7: {  	s0 =	sshra.s32 s5, $0x2;
	s5 =	sadd.s32 $0x200, s5;
	v14 =	vmul.f32 v14, v5;
	v10 =	vld [tilespmem:s3+$0x10060];
	[tilespmem:s3+$0x10070] =	vst v15  }
0x1e8: {  	v15 =	vld [tilespmem:s0+$0x10070];
	[tilespmem:s3+$0x10000] =	vst v13;
	v12 =	vmul.f32 v12, v0  }
0x1e9: {  	v13 =	vld [tilespmem:s0+$0x10000];
	[tilespmem:s3+$0x10010] =	vst v14;
	v11 =	vmul.f32 v11, v1  }
0x1ea: {  	v14 =	vld [tilespmem:s0+$0x10010];
	[tilespmem:s3+$0x10020] =	vst v12;
	v8 =	vmul.f32 v8, v2  }
0x1eb: {  	v12 =	vld [tilespmem:s0+$0x10020];
	[tilespmem:s3+$0x10030] =	vst v11;
	v9 =	vmul.f32 v9, v3  }
0x1ec: {  	v11 =	vld [tilespmem:s0+$0x10030];
	[tilespmem:s3+$0x10040] =	vst v8;
	v8 =	vmul.f32 v10, v4  }
0x1ed: {  	v10 =	vld [tilespmem:s0+$0x10040];
	v15 =	vmul.f32 v15, v7;
	[tilespmem:s3+$0x10050] =	vst v9  }
0x1ee: {  	v9 =	vld [tilespmem:s0+$0x10050];
	v13 =	vmul.f32 v13, v6;
	[tilespmem:s3+$0x10060] =	vst v8  }
0x1ef: {  	v8 =	vld [tilespmem:s0+$0x10060];
	v14 =	vmul.f32 v14, v5;
	[tilespmem:s0+$0x10070] =	vst v15  }
0x1f0: {  	[tilespmem:s0+$0x10000] =	vst v13;
	v12 =	vmul.f32 v12, v0  }
0x1f1: {  	[tilespmem:s0+$0x10010] =	vst v14;
	v11 =	vmul.f32 v11, v1  }
0x1f2: {  	[tilespmem:s0+$0x10020] =	vst v12;
	v10 =	vmul.f32 v10, v2  }
0x1f3: {  	[tilespmem:s0+$0x10030] =	vst v11;
	v9 =	vmul.f32 v9, v3  }
0x1f4: {  	[tilespmem:s0+$0x10040] =	vst v10;
	v8 =	vmul.f32 v8, v4  }
0x1f5: {  	[tilespmem:s0+$0x10050] =	vst v9  }
0x1f6: {  	s31 =	sadd.s32 s2, s18;
	[tilespmem:s0+$0x10060] =	vst v8  }
0x1f7: {  	[hbm4b:s31+s7] =	stream.strided.scatter [tilespmem:s10], [sflag:$0x6], $0x8000, s8, s7, $0x38;
	[tilespmem:$0x18000] =	vst v63  }
0x1f8: {  	_ =	swait.ge [sflag:s11], $0x8000  }
0x1f9: {  	[sflag:s11] =	ssyncset.done $0x0  }
0x1fa: {  	s3 =	simm.s32 $0x0;
	[sflag:s11] =	ssyncadd.s32 $0xFFFF8000  }
0x1fb: {  	v9 =	vld [tilespmem:s3+$0x70]  }
0x1fc: {  	v13 =	vld [tilespmem:s3+$0x0]  }
0x1fd: {  	v14 =	vld [tilespmem:s3+$0x10]  }
0x1fe: {  	v12 =	vld [tilespmem:s3+$0x20]  }
0x1ff: {  	v11 =	vld [tilespmem:s3+$0x30]  }
0x200: {  	v8 =	vld [tilespmem:s3+$0x40];
	v15 =	vmul.f32 v9, v7  }
0x201: {  	v9 =	vld [tilespmem:s3+$0x50];
	v13 =	vmul.f32 v13, v6  }
0x202: {  	s5 =	simm.s32 $0x400;
	s0 =	simm.s32 $0x80;
	v10 =	vld [tilespmem:s3+$0x60];
	v14 =	vmul.f32 v14, v5;
	[tilespmem:s3+$0x70] =	vst v15  }
.LBB2_33:
0x203: {  	p1 =	sne.s32 s5, $0x1FE00;
	v15 =	vld [tilespmem:s0+$0x70];
	[tilespmem:s3+$0x0] =	vst v13;
	v12 =	vmul.f32 v12, v0  }
0x204: {  	v13 =	vld [tilespmem:s0+$0x0];
	[tilespmem:s3+$0x10] =	vst v14;
	v11 =	vmul.f32 v11, v1  }
0x205: {  	v14 =	vld [tilespmem:s0+$0x10];
	[tilespmem:s3+$0x20] =	vst v12;
	v8 =	vmul.f32 v8, v2  }
.Ltmp15:
0x206: {  	v12 =	vld [tilespmem:s0+$0x20];
	[tilespmem:s3+$0x30] =	vst v11;
	v9 =	vmul.f32 v9, v3;
	(pc) =	sbr.rel @p1 .LBB2_33-.Ltmp15, $4  }
0x207: {  	v11 =	vld [tilespmem:s0+$0x30];
	[tilespmem:s3+$0x40] =	vst v8;
	v10 =	vmul.f32 v10, v4  }
0x208: {  	v8 =	vld [tilespmem:s0+$0x40];
	v15 =	vmul.f32 v15, v7;
	[tilespmem:s3+$0x50] =	vst v9  }
0x209: {  	v13 =	vmul.f32 v13, v6;
	v9 =	vld [tilespmem:s0+$0x50];
	[tilespmem:s3+$0x60] =	vst v10;
	s3 =	smov.u32 s0  }
0x20a: {  	s0 =	sshra.s32 s5, $0x2;
	s5 =	sadd.s32 $0x200, s5;
	v14 =	vmul.f32 v14, v5;
	v10 =	vld [tilespmem:s3+$0x60];
	[tilespmem:s3+$0x70] =	vst v15  }
0x20b: {  	v15 =	vld [tilespmem:s0+$0x70];
	[tilespmem:s3+$0x0] =	vst v13;
	v12 =	vmul.f32 v12, v0  }
0x20c: {  	v51 =	vld [tilespmem:s0+$0x0];
	[tilespmem:s3+$0x10] =	vst v14;
	v11 =	vmul.f32 v11, v1  }
0x20d: {  	v52 =	vld [tilespmem:s0+$0x10];
	[tilespmem:s3+$0x20] =	vst v12;
	v8 =	vmul.f32 v8, v2  }
0x20e: {  	v53 =	vld [tilespmem:s0+$0x20];
	[tilespmem:s3+$0x30] =	vst v11;
	v9 =	vmul.f32 v9, v3  }
0x20f: {  	v54 =	vld [tilespmem:s0+$0x30];
	[tilespmem:s3+$0x40] =	vst v8;
	v55 =	vmul.f32 v10, v4  }
0x210: {  	v56 =	vld [tilespmem:s0+$0x40];
	v7 =	vmul.f32 v15, v7;
	[tilespmem:s3+$0x50] =	vst v9  }
0x211: {  	v57 =	vld [tilespmem:s0+$0x50];
	v6 =	vmul.f32 v51, v6;
	[tilespmem:s3+$0x60] =	vst v55  }
0x212: {  	v58 =	vld [tilespmem:s0+$0x60];
	v5 =	vmul.f32 v52, v5;
	[tilespmem:s0+$0x70] =	vst v7  }
0x213: {  	v59 =	vmul.f32 v53, v0;
	[tilespmem:s0+$0x0] =	vst v6  }
0x214: {  	v60 =	vmul.f32 v54, v1;
	[tilespmem:s0+$0x10] =	vst v5  }
0x215: {  	v61 =	vmul.f32 v56, v2;
	[tilespmem:s0+$0x20] =	vst v59  }
0x216: {  	v62 =	vmul.f32 v57, v3;
	[tilespmem:s0+$0x30] =	vst v60  }
0x217: {  	v63 =	vmul.f32 v58, v4;
	[tilespmem:s0+$0x40] =	vst v61  }
0x218: {  	[tilespmem:s0+$0x50] =	vst v62  }
0x219: {  	s31 =	sadd.s32 s2, s19;
	[tilespmem:s0+$0x60] =	vst v63  }
0x21a: {  	[hbm4b:s31+s7] =	stream.strided.scatter [tilespmem:s4], [sflag:$0x4], $0x8000, s8, s7, $0x38;
	[tilespmem:$0x18000] =	vst v63  }
0x21b: {  	_ =	swait.ge [sflag:s16], $0x8000  }
0x21c: {  	[sflag:s16] =	ssyncset.done $0x0  }
0x21d: {  	[sflag:s16] =	ssyncadd.s32 $0xFFFF8000  }
0x21e: {  	_ =	swait.ge [sflag:s14], $0x8000  }
.Ltmp16:
0x21f: {  	[sflag:s14] =	ssyncset.done $0x0;
	(pc) =	sbr.rel @p0 .LBB2_2-.Ltmp16, $4  }
0x220: {  	[sflag:s14] =	ssyncadd.s32 $0xFFFF8000  }
0x221: {  	_ =	swait.ge [sflag:s15], $0x8000  }
0x222: {  	[sflag:s15] =	ssyncset.done $0x0  }
0x223: {  	p1 =	por $0x0, $0x0;
	s0 =	simm.s32 $0x20000;
	[sflag:s15] =	ssyncadd.s32 $0xFFFF8000  }
0x224: {  	s17 =	sadd.s32 $0x1, s17;
	s0 =	rddreg [dreg:$0x3]  }
0x225: {  	p0 =	sne.s32 s17, s0  }
.Ltmp17:
0x226: {  	_ = 	snop;
	(pc) =	sbr.rel @p0 .LBB2_1-.Ltmp17, $1  }
0x227: {  	_ =	sdelay $0x3  }
0x228: {  	_ =	sfence.sel $0x180000  }
0x229: {  	[bflag:$0x0] =	sbarrier.arrive $0xFFFF  }
0x22a: {  	_ =	strace $0x90000047  }
0x22b: {  	s0 =	stileid.u32;
	[bflag:$0x2] =	sbarrier.arrive $0xFFFF  }
0x22c: {  	p0 =	sne.s32 s0, $0x0;
	s0 =	rddreg [dreg:$0x2]  }
0x22d: {  	s0 =	sadd.s32 @!p0 $0x100000, s0  }
0x22e: {  	[sflag:s0] =	ssyncadd.tile.s32 @!p0 $0x1;
	_ =	shalt  }
.Lfunc_end2:
_tile_overlayer_lowered:
.L_overlay_start_2:
0x22f: {  	(tag) =	ssettag $0x2  }
0x230: {  	s0 =	rddreg [dreg:$0x0];
	s2 =	stileid.u32  }
0x231: {  	s1 =	rddreg [dreg:$0x1];
	p0 =	sne.s32 s2, $0x0  }
0x232: {  	s3 =	rddreg [dreg:$0x2];
	[bflag:$0x3] =	sbarrier.arrive $0xFFFF;
	s2 =	simm.s32 @!p0 $0x1C07  }
0x233: {  	[timem:s3], [sflag:s2] =	dma.local @!p0 [hbm:s0], s1  }
0x234: {  	s0 =	simm.s32 @!p0 $0x7  }
0x235: {  	_ =	swait.ge @!p0 [sflag:s0], s1  }
0x236: {  	s1 =	ssub.s32 @!p0 $0x0, s1;
	[sflag:s0] =	ssyncset.done @!p0 $0x0  }
0x237: {  	[sflag:s0] =	ssyncadd.s32 @!p0 s1  }
0x238: {  	[bflag:$0x3] =	sbarrier.arrive $0xFFFF  }
0x239: {  	_ =	shalt  }

</sc_bundles>
